<compile_context>
chip_gen: v7x
topology: tpu7x:2x2x1
jax: 0.10.2.dev20260603
libtpu: 0.0.44.dev20260713+nightly
codegen_flags: <defaults>
</compile_context>

<pallas_src>
import functools

import jax
import jax.numpy as jnp
from jax import lax
from jax.experimental import pallas as pl
from jax.experimental.pallas import tpu as pltpu
from jax.experimental.pallas import tpu_sc as plsc

N_CORES = 2
N_SUBCORES = 16
LANES = 16
NW = N_CORES * N_SUBCORES


def _sc_scatter_partials(x, edge_w, src_r, dst_r, C, SB, nblk):
    N, D = x.shape
    E = edge_w.shape[0]
    epw = E // NW
    nch = SB * nblk
    NB = 2
    nrc = N // C
    nrc_up = -(-nrc // N_SUBCORES)

    mesh = plsc.VectorSubcoreMesh(
        core_axis_name="c", subcore_axis_name="s",
        num_cores=N_CORES, num_subcores=N_SUBCORES)

    @functools.partial(
        pl.kernel,
        out_type=jax.ShapeDtypeStruct((N_CORES, N, D), jnp.float32),
        mesh=mesh,
        scratch_types=[
            pltpu.VMEM((2, SB, C), jnp.int32),
            pltpu.VMEM((2, SB, C), jnp.int32),
            [pltpu.VMEM((C, D), jnp.float32) for _ in range(NB)],
            [pltpu.VMEM((C, D), jnp.float32) for _ in range(NB)],
            [pltpu.VMEM((C, D), jnp.float32) for _ in range(NB)],
            pltpu.VMEM_SHARED((N, D), jnp.float32),
            [pltpu.SemaphoreType.DMA for _ in range(NB)],
            [pltpu.SemaphoreType.DMA for _ in range(NB)],
            [pltpu.SemaphoreType.DMA for _ in range(NB)],
            pltpu.SemaphoreType.DMA,
        ],
    )
    def k(x_hbm, ew_hbm, src_hbm, dst_hbm, out_hbm, sidx, didx, rows, ew,
          msg, acc, sem_g, sem_w, sem_s, sem_i):
        cid = lax.axis_index("c")
        sid = lax.axis_index("s")
        wid = cid * N_SUBCORES + sid

        pltpu.sync_copy(src_hbm.at[wid, 0], sidx.at[0])
        pltpu.sync_copy(dst_hbm.at[wid, 0], didx.at[0])
        if nblk > 1:
            pltpu.async_copy(src_hbm.at[wid, 1], sidx.at[1], sem_i)
            pltpu.async_copy(dst_hbm.at[wid, 1], didx.at[1], sem_i)

        zero = jnp.zeros((LANES,), jnp.float32)

        def zero_rows(i, _):
            for j in range(D // LANES):
                rows[0][i, pl.ds(j * LANES, LANES)] = zero
            return 0

        lax.fori_loop(0, C, zero_rows, 0)

        def zero_acc(b, _):
            chid = b * N_SUBCORES + sid

            @pl.when(chid < nrc)
            def _():
                pltpu.sync_copy(rows[0], acc.at[pl.ds(chid * C, C)])

            return 0

        lax.fori_loop(0, nrc_up, zero_acc, 0)
        plsc.subcore_barrier()

        def issue(ch, b):
            blk = lax.div(ch, SB)
            r = lax.rem(ch, SB)
            p = lax.rem(blk, 2)
            pltpu.async_copy(x_hbm.at[sidx.at[p, r]], rows[b], sem_g[b])
            base = wid * epw + ch * C
            pltpu.async_copy(ew_hbm.at[pl.ds(base, C)], ew[b], sem_w[b])

        def wait_gw(b):
            pltpu.make_async_copy(
                x_hbm.at[sidx.at[0, 0]], rows[b], sem_g[b]).wait()
            pltpu.make_async_copy(
                ew_hbm.at[pl.ds(0, C)], ew[b], sem_w[b]).wait()

        def compute(b):
            @plsc.parallel_loop(0, C, 1, unroll=4)
            def _(i):
                for j in range(D // LANES):
                    sl = pl.ds(j * LANES, LANES)
                    msg[b][i, sl] = rows[b][i, sl] * ew[b][i, sl]

        def scatter(ch, b):
            blk = lax.div(ch, SB)
            r = lax.rem(ch, SB)
            p = lax.rem(blk, 2)
            pltpu.async_copy(msg[b], acc.at[didx.at[p, r]], sem_s[b],
                             add=True)

        def wait_s(b):
            pltpu.make_async_copy(
                msg[b], acc.at[didx.at[0, 0]], sem_s[b]).wait()

        for b in range(NB):
            issue(b, b)
        for b in range(NB):
            wait_gw(b)
            compute(b)
            issue(NB + b, b)
            scatter(b, b)

        def body(g, _):
            for b in range(NB):
                ch = NB + g * NB + b
                blk = lax.div(ch, SB)
                r = lax.rem(ch, SB)
                p = lax.rem(blk, 2)
                wait_gw(b)
                wait_s(b)
                compute(b)

                @pl.when(jnp.logical_and(r == 0, blk + 1 < nblk))
                def _():
                    pltpu.async_copy(src_hbm.at[wid, blk + 1],
                                     sidx.at[1 - p], sem_i)
                    pltpu.async_copy(dst_hbm.at[wid, blk + 1],
                                     didx.at[1 - p], sem_i)

                @pl.when(jnp.logical_and(r == SB - NB, blk + 1 < nblk))
                def _():
                    pltpu.make_async_copy(
                        src_hbm.at[wid, 0], sidx.at[0], sem_i).wait()
                    pltpu.make_async_copy(
                        dst_hbm.at[wid, 0], didx.at[0], sem_i).wait()

                nxt = ch + NB

                @pl.when(nxt < nch)
                def _():
                    issue(nxt, b)

                scatter(ch, b)
            return 0

        lax.fori_loop(0, (nch - NB) // NB, body, 0)
        for b in range(NB):
            wait_s(b)
        plsc.subcore_barrier()

        def writeback(b, _):
            chid = b * N_SUBCORES + sid

            @pl.when(chid < nrc)
            def _():
                pltpu.sync_copy(acc.at[pl.ds(chid * C, C)],
                                out_hbm.at[cid, pl.ds(chid * C, C)])

            return 0

        lax.fori_loop(0, nrc_up, writeback, 0)

    return k(x, edge_w, src_r, dst_r)


def _tc_sum_partials(partials, out_dtype):
    _, N, D = partials.shape
    blk = 2000
    grid = N // blk

    def body(p_ref, o_ref):
        o_ref[...] = (p_ref[0] + p_ref[1]).astype(out_dtype)

    return pl.pallas_call(
        body,
        grid=(grid,),
        in_specs=[pl.BlockSpec((2, blk, D), lambda i: (0, i, 0))],
        out_specs=pl.BlockSpec((blk, D), lambda i: (i, 0)),
        out_shape=jax.ShapeDtypeStruct((N, D), out_dtype),
    )(partials)


def kernel(x, edge_w, src, dst):
    E = edge_w.shape[0]
    C = 40
    SB = 25
    nch = E // NW // C
    nblk = nch // SB
    src_r = src.astype(jnp.int32).reshape(NW, nblk, SB, C)
    dst_r = dst.astype(jnp.int32).reshape(NW, nblk, SB, C)
    x32 = x.astype(jnp.float32)
    ew32 = edge_w.astype(jnp.float32)
    partials = _sc_scatter_partials(x32, ew32, src_r, dst_r, C, SB, nblk)
    return _tc_sum_partials(partials, x.dtype)

# --- scband reference (transcript-rebuilt; emitter-appended) ---
"""Pipeline reference for scband-segmented-polynomial-naive-49031346651201 (READ-ONLY COPY).

The authoritative reference and input builder live on the scoring server;
editing this copy changes nothing except your own understanding.
"""

import jax, jax.numpy as jnp
import numpy as np

N_NODES = 10000
N_EDGES = 320000
D_FEAT = 128


def setup_inputs(seed: int = 0) -> dict:
    key = jax.random.key(seed)
    k1, k2, k3, k4 = jax.random.split(key, 4)
    x = jax.random.normal(k1, (N_NODES, D_FEAT), dtype=jnp.float32)
    edge_w = jax.random.normal(k2, (N_EDGES, D_FEAT), dtype=jnp.float32)
    src = jax.random.randint(k3, (N_EDGES,), 0, N_NODES, dtype=jnp.int64)
    dst = jax.random.randint(k4, (N_EDGES,), 0, N_NODES, dtype=jnp.int64)
    return {"x": x, "edge_w": edge_w, "src": src, "dst": dst}


def reference(x, edge_w, src, dst):
    # SegmentedPolynomialNaive forward, specialized to a single channelwise
    # tensor-product operation (one segment of size D_FEAT):
    #   1. input_indices: gather node features at edge source indices
    #   2. graph (tensor product fx): elementwise product of gathered features
    #      with per-edge weights, computed in math_dtype=float32
    #   3. output_indices: scatter_add messages into the output buffer at dst
    # out buffer shape comes from output_shapes[0].shape[0] == N_NODES,
    # dtype from inputs[0].dtype.
    gathered = jnp.take(x, src, axis=0)                      # inputs[k] = inputs[k][v]
    msg = gathered.astype(jnp.float32) * edge_w.astype(jnp.float32)  # graph(*inputs)
    out = jnp.zeros((x.shape[0], msg.shape[1]), dtype=x.dtype)
    out = out.at[dst].add(msg.astype(x.dtype))               # scatter_add_
    return out

if __name__ == "__main__":
    import jax
    _d = setup_inputs()
    print(jax.jit(kernel)(*tuple(_d.values())))

</pallas_src>

<mosaic_0001>
#map = affine_map<(d0, d1) -> (0, 0)>
#map1 = affine_map<(d0, d1) -> (0, 0, 0, 0)>
#map2 = affine_map<(d0, d1) -> (0, 0, 0)>
module attributes {stable_mosaic.version = 14 : i64} {
  func.func @k(%arg0: i32, %arg1: i32, %arg2: memref<10000x128xf32, #tpu.memory_space<hbm>>, %arg3: memref<320000x128xf32, #tpu.memory_space<hbm>>, %arg4: memref<32x10x25x40xi32, #tpu.memory_space<hbm>>, %arg5: memref<32x10x25x40xi32, #tpu.memory_space<hbm>>, %arg6: memref<2x10000x128xf32, #tpu.memory_space<hbm>>, %arg7: memref<2x25x40xi32, #tpu.memory_space<vmem>>, %arg8: memref<2x25x40xi32, #tpu.memory_space<vmem>>, %arg9: memref<40x128xf32, #tpu.memory_space<vmem>>, %arg10: memref<40x128xf32, #tpu.memory_space<vmem>>, %arg11: memref<40x128xf32, #tpu.memory_space<vmem>>, %arg12: memref<40x128xf32, #tpu.memory_space<vmem>>, %arg13: memref<40x128xf32, #tpu.memory_space<vmem>>, %arg14: memref<40x128xf32, #tpu.memory_space<vmem>>, %arg15: memref<10000x128xf32, #tpu.memory_space<vmem_shared>>, %arg16: memref<!tpu.dma_semaphore, #tpu.memory_space<semaphore_mem>>, %arg17: memref<!tpu.dma_semaphore, #tpu.memory_space<semaphore_mem>>, %arg18: memref<!tpu.dma_semaphore, #tpu.memory_space<semaphore_mem>>, %arg19: memref<!tpu.dma_semaphore, #tpu.memory_space<semaphore_mem>>, %arg20: memref<!tpu.dma_semaphore, #tpu.memory_space<semaphore_mem>>, %arg21: memref<!tpu.dma_semaphore, #tpu.memory_space<semaphore_mem>>, %arg22: memref<!tpu.dma_semaphore, #tpu.memory_space<semaphore_mem>>) attributes {dimension_semantics = [#tpu.dimension_semantics<core_parallel>, #tpu.dimension_semantics<subcore_parallel>], iteration_bounds = array<i64: 2, 16>, scalar_prefetch = 0 : i64, scratch_operands = 16 : i64, tpu.core_type = #tpu.core_type<sc_vector_subcore>, window_params = [{transform_indices = #map}, {transform_indices = #map}, {transform_indices = #map1}, {transform_indices = #map1}, {transform_indices = #map2}]} {
    %mul3A = arith.constant 16 : i32
    %mul3A_0 = arith.muli %arg0, %mul3A : i32
    %add3A = arith.addi %mul3A_0, %arg1 : i32
    %run_scoped3A = arith.constant 0 : i32
    %run_scoped3A_1 = arith.constant 0 : i32
    "tpu.region"() ({
      %run_scoped3A_230 = tpu.sem_alloc : memref<!tpu.dma_semaphore, #tpu.memory_space<semaphore_mem>>
      %dma_start3A_231 = arith.constant 0 : i32
      %dma_start3A_232 = arith.constant 0 : i32
      %dma_start3A_233 = tpu.memref_slice %arg7[%run_scoped3A_1, %dma_start3A_231, %dma_start3A_232] : memref<2x25x40xi32, #tpu.memory_space<vmem>> -> memref<1x25x40xi32, #tpu.memory_space<vmem>>
      %dma_start3A_234 = tpu.memref_squeeze %dma_start3A_233 : memref<1x25x40xi32, #tpu.memory_space<vmem>> -> memref<25x40xi32, #tpu.memory_space<vmem>>
      %dma_start3A_235 = arith.constant 0 : i32
      %dma_start3A_236 = arith.constant 0 : i32
      %dma_start3A_237 = tpu.memref_slice %arg4[%add3A, %run_scoped3A, %dma_start3A_235, %dma_start3A_236] : memref<32x10x25x40xi32, #tpu.memory_space<hbm>> -> memref<1x1x25x40xi32, #tpu.memory_space<hbm>>
      %dma_start3A_238 = tpu.memref_squeeze %dma_start3A_237 : memref<1x1x25x40xi32, #tpu.memory_space<hbm>> -> memref<25x40xi32, #tpu.memory_space<hbm>>
      %dma_start3A_239 = arith.constant 0 : i32
      %dma_start3A_240 = arith.constant 0 : i32
      %dma_start3A_241 = tpu.memref_slice %arg7[%run_scoped3A_1, %dma_start3A_239, %dma_start3A_240] : memref<2x25x40xi32, #tpu.memory_space<vmem>> -> memref<1x25x40xi32, #tpu.memory_space<vmem>>
      %dma_start3A_242 = tpu.memref_squeeze %dma_start3A_241 : memref<1x25x40xi32, #tpu.memory_space<vmem>> -> memref<25x40xi32, #tpu.memory_space<vmem>>
      %dma_start3A_243 = arith.constant 0 : i32
      %dma_start3A_244 = arith.constant 0 : i32
      %dma_start3A_245 = tpu.memref_slice %arg4[%add3A, %run_scoped3A, %dma_start3A_243, %dma_start3A_244] : memref<32x10x25x40xi32, #tpu.memory_space<hbm>> -> memref<1x1x25x40xi32, #tpu.memory_space<hbm>>
      %dma_start3A_246 = tpu.memref_squeeze %dma_start3A_245 : memref<1x1x25x40xi32, #tpu.memory_space<hbm>> -> memref<25x40xi32, #tpu.memory_space<hbm>>
      tpu.enqueue_dma source(%dma_start3A_246 : memref<25x40xi32, #tpu.memory_space<hbm>>) target(%dma_start3A_242 : memref<25x40xi32, #tpu.memory_space<vmem>>) target_semaphore(%run_scoped3A_230 : memref<!tpu.dma_semaphore, #tpu.memory_space<semaphore_mem>>)
      %dma_wait3A_247 = arith.constant 0 : i32
      %dma_wait3A_248 = arith.constant 0 : i32
      %dma_wait3A_249 = tpu.memref_slice %arg7[%run_scoped3A_1, %dma_wait3A_247, %dma_wait3A_248] : memref<2x25x40xi32, #tpu.memory_space<vmem>> -> memref<1x25x40xi32, #tpu.memory_space<vmem>>
      %dma_wait3A_250 = tpu.memref_squeeze %dma_wait3A_249 : memref<1x25x40xi32, #tpu.memory_space<vmem>> -> memref<25x40xi32, #tpu.memory_space<vmem>>
      %dma_wait3A_251 = arith.constant 0 : i32
      %dma_wait3A_252 = arith.constant 0 : i32
      %dma_wait3A_253 = tpu.memref_slice %arg4[%add3A, %run_scoped3A, %dma_wait3A_251, %dma_wait3A_252] : memref<32x10x25x40xi32, #tpu.memory_space<hbm>> -> memref<1x1x25x40xi32, #tpu.memory_space<hbm>>
      %dma_wait3A_254 = tpu.memref_squeeze %dma_wait3A_253 : memref<1x1x25x40xi32, #tpu.memory_space<hbm>> -> memref<25x40xi32, #tpu.memory_space<hbm>>
      %dma_wait3A_255 = arith.constant 0 : i32
      %dma_wait3A_256 = arith.constant 0 : i32
      %dma_wait3A_257 = tpu.memref_slice %arg7[%run_scoped3A_1, %dma_wait3A_255, %dma_wait3A_256] : memref<2x25x40xi32, #tpu.memory_space<vmem>> -> memref<1x25x40xi32, #tpu.memory_space<vmem>>
      %dma_wait3A_258 = tpu.memref_squeeze %dma_wait3A_257 : memref<1x25x40xi32, #tpu.memory_space<vmem>> -> memref<25x40xi32, #tpu.memory_space<vmem>>
      %dma_wait3A_259 = arith.constant 0 : i32
      %dma_wait3A_260 = arith.constant 0 : i32
      %dma_wait3A_261 = tpu.memref_slice %arg4[%add3A, %run_scoped3A, %dma_wait3A_259, %dma_wait3A_260] : memref<32x10x25x40xi32, #tpu.memory_space<hbm>> -> memref<1x1x25x40xi32, #tpu.memory_space<hbm>>
      %dma_wait3A_262 = tpu.memref_squeeze %dma_wait3A_261 : memref<1x1x25x40xi32, #tpu.memory_space<hbm>> -> memref<25x40xi32, #tpu.memory_space<hbm>>
      tpu.wait_dma2 semaphore(%run_scoped3A_230 : memref<!tpu.dma_semaphore, #tpu.memory_space<semaphore_mem>>) src(%dma_wait3A_262 : memref<25x40xi32, #tpu.memory_space<hbm>>) dst(%dma_wait3A_258 : memref<25x40xi32, #tpu.memory_space<vmem>>)
      tpu.yield
    }) : () -> ()
    %run_scoped3A_2 = arith.constant 0 : i32
    %run_scoped3A_3 = arith.constant 0 : i32
    "tpu.region"() ({
      %run_scoped3A_230 = tpu.sem_alloc : memref<!tpu.dma_semaphore, #tpu.memory_space<semaphore_mem>>
      %dma_start3A_231 = arith.constant 0 : i32
      %dma_start3A_232 = arith.constant 0 : i32
      %dma_start3A_233 = tpu.memref_slice %arg8[%run_scoped3A_3, %dma_start3A_231, %dma_start3A_232] : memref<2x25x40xi32, #tpu.memory_space<vmem>> -> memref<1x25x40xi32, #tpu.memory_space<vmem>>
      %dma_start3A_234 = tpu.memref_squeeze %dma_start3A_233 : memref<1x25x40xi32, #tpu.memory_space<vmem>> -> memref<25x40xi32, #tpu.memory_space<vmem>>
      %dma_start3A_235 = arith.constant 0 : i32
      %dma_start3A_236 = arith.constant 0 : i32
      %dma_start3A_237 = tpu.memref_slice %arg5[%add3A, %run_scoped3A_2, %dma_start3A_235, %dma_start3A_236] : memref<32x10x25x40xi32, #tpu.memory_space<hbm>> -> memref<1x1x25x40xi32, #tpu.memory_space<hbm>>
      %dma_start3A_238 = tpu.memref_squeeze %dma_start3A_237 : memref<1x1x25x40xi32, #tpu.memory_space<hbm>> -> memref<25x40xi32, #tpu.memory_space<hbm>>
      %dma_start3A_239 = arith.constant 0 : i32
      %dma_start3A_240 = arith.constant 0 : i32
      %dma_start3A_241 = tpu.memref_slice %arg8[%run_scoped3A_3, %dma_start3A_239, %dma_start3A_240] : memref<2x25x40xi32, #tpu.memory_space<vmem>> -> memref<1x25x40xi32, #tpu.memory_space<vmem>>
      %dma_start3A_242 = tpu.memref_squeeze %dma_start3A_241 : memref<1x25x40xi32, #tpu.memory_space<vmem>> -> memref<25x40xi32, #tpu.memory_space<vmem>>
      %dma_start3A_243 = arith.constant 0 : i32
      %dma_start3A_244 = arith.constant 0 : i32
      %dma_start3A_245 = tpu.memref_slice %arg5[%add3A, %run_scoped3A_2, %dma_start3A_243, %dma_start3A_244] : memref<32x10x25x40xi32, #tpu.memory_space<hbm>> -> memref<1x1x25x40xi32, #tpu.memory_space<hbm>>
      %dma_start3A_246 = tpu.memref_squeeze %dma_start3A_245 : memref<1x1x25x40xi32, #tpu.memory_space<hbm>> -> memref<25x40xi32, #tpu.memory_space<hbm>>
      tpu.enqueue_dma source(%dma_start3A_246 : memref<25x40xi32, #tpu.memory_space<hbm>>) target(%dma_start3A_242 : memref<25x40xi32, #tpu.memory_space<vmem>>) target_semaphore(%run_scoped3A_230 : memref<!tpu.dma_semaphore, #tpu.memory_space<semaphore_mem>>)
      %dma_wait3A_247 = arith.constant 0 : i32
      %dma_wait3A_248 = arith.constant 0 : i32
      %dma_wait3A_249 = tpu.memref_slice %arg8[%run_scoped3A_3, %dma_wait3A_247, %dma_wait3A_248] : memref<2x25x40xi32, #tpu.memory_space<vmem>> -> memref<1x25x40xi32, #tpu.memory_space<vmem>>
      %dma_wait3A_250 = tpu.memref_squeeze %dma_wait3A_249 : memref<1x25x40xi32, #tpu.memory_space<vmem>> -> memref<25x40xi32, #tpu.memory_space<vmem>>
      %dma_wait3A_251 = arith.constant 0 : i32
      %dma_wait3A_252 = arith.constant 0 : i32
      %dma_wait3A_253 = tpu.memref_slice %arg5[%add3A, %run_scoped3A_2, %dma_wait3A_251, %dma_wait3A_252] : memref<32x10x25x40xi32, #tpu.memory_space<hbm>> -> memref<1x1x25x40xi32, #tpu.memory_space<hbm>>
      %dma_wait3A_254 = tpu.memref_squeeze %dma_wait3A_253 : memref<1x1x25x40xi32, #tpu.memory_space<hbm>> -> memref<25x40xi32, #tpu.memory_space<hbm>>
      %dma_wait3A_255 = arith.constant 0 : i32
      %dma_wait3A_256 = arith.constant 0 : i32
      %dma_wait3A_257 = tpu.memref_slice %arg8[%run_scoped3A_3, %dma_wait3A_255, %dma_wait3A_256] : memref<2x25x40xi32, #tpu.memory_space<vmem>> -> memref<1x25x40xi32, #tpu.memory_space<vmem>>
      %dma_wait3A_258 = tpu.memref_squeeze %dma_wait3A_257 : memref<1x25x40xi32, #tpu.memory_space<vmem>> -> memref<25x40xi32, #tpu.memory_space<vmem>>
      %dma_wait3A_259 = arith.constant 0 : i32
      %dma_wait3A_260 = arith.constant 0 : i32
      %dma_wait3A_261 = tpu.memref_slice %arg5[%add3A, %run_scoped3A_2, %dma_wait3A_259, %dma_wait3A_260] : memref<32x10x25x40xi32, #tpu.memory_space<hbm>> -> memref<1x1x25x40xi32, #tpu.memory_space<hbm>>
      %dma_wait3A_262 = tpu.memref_squeeze %dma_wait3A_261 : memref<1x1x25x40xi32, #tpu.memory_space<hbm>> -> memref<25x40xi32, #tpu.memory_space<hbm>>
      tpu.wait_dma2 semaphore(%run_scoped3A_230 : memref<!tpu.dma_semaphore, #tpu.memory_space<semaphore_mem>>) src(%dma_wait3A_262 : memref<25x40xi32, #tpu.memory_space<hbm>>) dst(%dma_wait3A_258 : memref<25x40xi32, #tpu.memory_space<vmem>>)
      tpu.yield
    }) : () -> ()
    %dma_start3A = arith.constant 1 : i32
    %dma_start3A_4 = arith.constant 1 : i32
    %dma_start3A_5 = arith.constant 0 : i32
    %dma_start3A_6 = arith.constant 0 : i32
    %dma_start3A_7 = tpu.memref_slice %arg7[%dma_start3A_4, %dma_start3A_5, %dma_start3A_6] : memref<2x25x40xi32, #tpu.memory_space<vmem>> -> memref<1x25x40xi32, #tpu.memory_space<vmem>>
    %dma_start3A_8 = tpu.memref_squeeze %dma_start3A_7 : memref<1x25x40xi32, #tpu.memory_space<vmem>> -> memref<25x40xi32, #tpu.memory_space<vmem>>
    %dma_start3A_9 = arith.constant 0 : i32
    %dma_start3A_10 = arith.constant 0 : i32
    %dma_start3A_11 = tpu.memref_slice %arg4[%add3A, %dma_start3A, %dma_start3A_9, %dma_start3A_10] : memref<32x10x25x40xi32, #tpu.memory_space<hbm>> -> memref<1x1x25x40xi32, #tpu.memory_space<hbm>>
    %dma_start3A_12 = tpu.memref_squeeze %dma_start3A_11 : memref<1x1x25x40xi32, #tpu.memory_space<hbm>> -> memref<25x40xi32, #tpu.memory_space<hbm>>
    %dma_start3A_13 = arith.constant 0 : i32
    %dma_start3A_14 = arith.constant 0 : i32
    %dma_start3A_15 = tpu.memref_slice %arg7[%dma_start3A_4, %dma_start3A_13, %dma_start3A_14] : memref<2x25x40xi32, #tpu.memory_space<vmem>> -> memref<1x25x40xi32, #tpu.memory_space<vmem>>
    %dma_start3A_16 = tpu.memref_squeeze %dma_start3A_15 : memref<1x25x40xi32, #tpu.memory_space<vmem>> -> memref<25x40xi32, #tpu.memory_space<vmem>>
    %dma_start3A_17 = arith.constant 0 : i32
    %dma_start3A_18 = arith.constant 0 : i32
    %dma_start3A_19 = tpu.memref_slice %arg4[%add3A, %dma_start3A, %dma_start3A_17, %dma_start3A_18] : memref<32x10x25x40xi32, #tpu.memory_space<hbm>> -> memref<1x1x25x40xi32, #tpu.memory_space<hbm>>
    %dma_start3A_20 = tpu.memref_squeeze %dma_start3A_19 : memref<1x1x25x40xi32, #tpu.memory_space<hbm>> -> memref<25x40xi32, #tpu.memory_space<hbm>>
    tpu.enqueue_dma source(%dma_start3A_20 : memref<25x40xi32, #tpu.memory_space<hbm>>) target(%dma_start3A_16 : memref<25x40xi32, #tpu.memory_space<vmem>>) target_semaphore(%arg22 : memref<!tpu.dma_semaphore, #tpu.memory_space<semaphore_mem>>)
    %dma_start3A_21 = arith.constant 1 : i32
    %dma_start3A_22 = arith.constant 1 : i32
    %dma_start3A_23 = arith.constant 0 : i32
    %dma_start3A_24 = arith.constant 0 : i32
    %dma_start3A_25 = tpu.memref_slice %arg8[%dma_start3A_22, %dma_start3A_23, %dma_start3A_24] : memref<2x25x40xi32, #tpu.memory_space<vmem>> -> memref<1x25x40xi32, #tpu.memory_space<vmem>>
    %dma_start3A_26 = tpu.memref_squeeze %dma_start3A_25 : memref<1x25x40xi32, #tpu.memory_space<vmem>> -> memref<25x40xi32, #tpu.memory_space<vmem>>
    %dma_start3A_27 = arith.constant 0 : i32
    %dma_start3A_28 = arith.constant 0 : i32
    %dma_start3A_29 = tpu.memref_slice %arg5[%add3A, %dma_start3A_21, %dma_start3A_27, %dma_start3A_28] : memref<32x10x25x40xi32, #tpu.memory_space<hbm>> -> memref<1x1x25x40xi32, #tpu.memory_space<hbm>>
    %dma_start3A_30 = tpu.memref_squeeze %dma_start3A_29 : memref<1x1x25x40xi32, #tpu.memory_space<hbm>> -> memref<25x40xi32, #tpu.memory_space<hbm>>
    %dma_start3A_31 = arith.constant 0 : i32
    %dma_start3A_32 = arith.constant 0 : i32
    %dma_start3A_33 = tpu.memref_slice %arg8[%dma_start3A_22, %dma_start3A_31, %dma_start3A_32] : memref<2x25x40xi32, #tpu.memory_space<vmem>> -> memref<1x25x40xi32, #tpu.memory_space<vmem>>
    %dma_start3A_34 = tpu.memref_squeeze %dma_start3A_33 : memref<1x25x40xi32, #tpu.memory_space<vmem>> -> memref<25x40xi32, #tpu.memory_space<vmem>>
    %dma_start3A_35 = arith.constant 0 : i32
    %dma_start3A_36 = arith.constant 0 : i32
    %dma_start3A_37 = tpu.memref_slice %arg5[%add3A, %dma_start3A_21, %dma_start3A_35, %dma_start3A_36] : memref<32x10x25x40xi32, #tpu.memory_space<hbm>> -> memref<1x1x25x40xi32, #tpu.memory_space<hbm>>
    %dma_start3A_38 = tpu.memref_squeeze %dma_start3A_37 : memref<1x1x25x40xi32, #tpu.memory_space<hbm>> -> memref<25x40xi32, #tpu.memory_space<hbm>>
    tpu.enqueue_dma source(%dma_start3A_38 : memref<25x40xi32, #tpu.memory_space<hbm>>) target(%dma_start3A_34 : memref<25x40xi32, #tpu.memory_space<vmem>>) target_semaphore(%arg22 : memref<!tpu.dma_semaphore, #tpu.memory_space<semaphore_mem>>)
    %broadcast_in_dim3A = arith.constant 0.000000e+00 : f32
    %broadcast_in_dim3A_39 = vector.broadcast %broadcast_in_dim3A : f32 to vector<16xf32>
    %scan3A = arith.constant 0 : i32
    %scan3A_40 = arith.constant 0 : i32
    %scan3A_41 = arith.constant 40 : i32
    %scan3A_42 = arith.addi %scan3A_40, %scan3A_41 : i32
    %scan3A_43 = arith.constant 1 : i32
    %scan3A_44 = scf.for %scan3A_230 = %scan3A_40 to %scan3A_42 step %scan3A_43 iter_args(%scan3A_231 = %scan3A) -> (i32)  : i32 {
      %swap3A = arith.index_cast %scan3A_230 : i32 to index
      %swap3A_232 = arith.constant 0 : index
      %swap3A_233 = tpu.vector_load %arg9[%swap3A, %swap3A_232] {strides = array<i32>} : memref<40x128xf32, #tpu.memory_space<vmem>>, vector<1x16xf32>,
      %swap3A_234 = vector.shape_cast %swap3A_233 : vector<1x16xf32> to vector<16xf32>
      %swap3A_235 = vector.shape_cast %broadcast_in_dim3A_39 : vector<16xf32> to vector<1x16xf32>
      tpu.vector_store %arg9[%swap3A, %swap3A_232], %swap3A_235 {strides = array<i32>} : memref<40x128xf32, #tpu.memory_space<vmem>>, vector<1x16xf32>,
      %swap3A_236 = arith.index_cast %scan3A_230 : i32 to index
      %swap3A_237 = arith.constant 16 : index
      %swap3A_238 = tpu.vector_load %arg9[%swap3A_236, %swap3A_237] {strides = array<i32>} : memref<40x128xf32, #tpu.memory_space<vmem>>, vector<1x16xf32>,
      %swap3A_239 = vector.shape_cast %swap3A_238 : vector<1x16xf32> to vector<16xf32>
      %swap3A_240 = vector.shape_cast %broadcast_in_dim3A_39 : vector<16xf32> to vector<1x16xf32>
      tpu.vector_store %arg9[%swap3A_236, %swap3A_237], %swap3A_240 {strides = array<i32>} : memref<40x128xf32, #tpu.memory_space<vmem>>, vector<1x16xf32>,
      %swap3A_241 = arith.index_cast %scan3A_230 : i32 to index
      %swap3A_242 = arith.constant 32 : index
      %swap3A_243 = tpu.vector_load %arg9[%swap3A_241, %swap3A_242] {strides = array<i32>} : memref<40x128xf32, #tpu.memory_space<vmem>>, vector<1x16xf32>,
      %swap3A_244 = vector.shape_cast %swap3A_243 : vector<1x16xf32> to vector<16xf32>
      %swap3A_245 = vector.shape_cast %broadcast_in_dim3A_39 : vector<16xf32> to vector<1x16xf32>
      tpu.vector_store %arg9[%swap3A_241, %swap3A_242], %swap3A_245 {strides = array<i32>} : memref<40x128xf32, #tpu.memory_space<vmem>>, vector<1x16xf32>,
      %swap3A_246 = arith.index_cast %scan3A_230 : i32 to index
      %swap3A_247 = arith.constant 48 : index
      %swap3A_248 = tpu.vector_load %arg9[%swap3A_246, %swap3A_247] {strides = array<i32>} : memref<40x128xf32, #tpu.memory_space<vmem>>, vector<1x16xf32>,
      %swap3A_249 = vector.shape_cast %swap3A_248 : vector<1x16xf32> to vector<16xf32>
      %swap3A_250 = vector.shape_cast %broadcast_in_dim3A_39 : vector<16xf32> to vector<1x16xf32>
      tpu.vector_store %arg9[%swap3A_246, %swap3A_247], %swap3A_250 {strides = array<i32>} : memref<40x128xf32, #tpu.memory_space<vmem>>, vector<1x16xf32>,
      %swap3A_251 = arith.index_cast %scan3A_230 : i32 to index
      %swap3A_252 = arith.constant 64 : index
      %swap3A_253 = tpu.vector_load %arg9[%swap3A_251, %swap3A_252] {strides = array<i32>} : memref<40x128xf32, #tpu.memory_space<vmem>>, vector<1x16xf32>,
      %swap3A_254 = vector.shape_cast %swap3A_253 : vector<1x16xf32> to vector<16xf32>
      %swap3A_255 = vector.shape_cast %broadcast_in_dim3A_39 : vector<16xf32> to vector<1x16xf32>
      tpu.vector_store %arg9[%swap3A_251, %swap3A_252], %swap3A_255 {strides = array<i32>} : memref<40x128xf32, #tpu.memory_space<vmem>>, vector<1x16xf32>,
      %swap3A_256 = arith.index_cast %scan3A_230 : i32 to index
      %swap3A_257 = arith.constant 80 : index
      %swap3A_258 = tpu.vector_load %arg9[%swap3A_256, %swap3A_257] {strides = array<i32>} : memref<40x128xf32, #tpu.memory_space<vmem>>, vector<1x16xf32>,
      %swap3A_259 = vector.shape_cast %swap3A_258 : vector<1x16xf32> to vector<16xf32>
      %swap3A_260 = vector.shape_cast %broadcast_in_dim3A_39 : vector<16xf32> to vector<1x16xf32>
      tpu.vector_store %arg9[%swap3A_256, %swap3A_257], %swap3A_260 {strides = array<i32>} : memref<40x128xf32, #tpu.memory_space<vmem>>, vector<1x16xf32>,
      %swap3A_261 = arith.index_cast %scan3A_230 : i32 to index
      %swap3A_262 = arith.constant 96 : index
      %swap3A_263 = tpu.vector_load %arg9[%swap3A_261, %swap3A_262] {strides = array<i32>} : memref<40x128xf32, #tpu.memory_space<vmem>>, vector<1x16xf32>,
      %swap3A_264 = vector.shape_cast %swap3A_263 : vector<1x16xf32> to vector<16xf32>
      %swap3A_265 = vector.shape_cast %broadcast_in_dim3A_39 : vector<16xf32> to vector<1x16xf32>
      tpu.vector_store %arg9[%swap3A_261, %swap3A_262], %swap3A_265 {strides = array<i32>} : memref<40x128xf32, #tpu.memory_space<vmem>>, vector<1x16xf32>,
      %swap3A_266 = arith.index_cast %scan3A_230 : i32 to index
      %swap3A_267 = arith.constant 112 : index
      %swap3A_268 = tpu.vector_load %arg9[%swap3A_266, %swap3A_267] {strides = array<i32>} : memref<40x128xf32, #tpu.memory_space<vmem>>, vector<1x16xf32>,
      %swap3A_269 = vector.shape_cast %swap3A_268 : vector<1x16xf32> to vector<16xf32>
      %swap3A_270 = vector.shape_cast %broadcast_in_dim3A_39 : vector<16xf32> to vector<1x16xf32>
      tpu.vector_store %arg9[%swap3A_266, %swap3A_267], %swap3A_270 {strides = array<i32>} : memref<40x128xf32, #tpu.memory_space<vmem>>, vector<1x16xf32>,
      %scan3A_271 = arith.constant 0 : i32
      scf.yield %scan3A_271 : i32
    }
    %scan3A_45 = arith.constant 40 : i32
    %scan3A_46 = arith.constant 0 : i32
    %scan3A_47 = arith.constant 0 : i32
    %scan3A_48 = arith.constant 16 : i32
    %scan3A_49 = arith.addi %scan3A_47, %scan3A_48 : i32
    %scan3A_50 = arith.constant 1 : i32
    %scan3A_51 = scf.for %scan3A_230 = %scan3A_47 to %scan3A_49 step %scan3A_50 iter_args(%scan3A_231 = %scan3A_46) -> (i32)  : i32 {
      %mul3A_232 = arith.constant 16 : i32
      %mul3A_233 = arith.muli %scan3A_230, %mul3A_232 : i32
      %add3A_234 = arith.addi %mul3A_233, %arg1 : i32
      %lt3A = arith.constant 250 : i32
      %lt3A_235 = arith.cmpi slt, %add3A_234, %lt3A : i32
      %convert_element_type3A = arith.extui %lt3A_235 : i1 to i32
      %cond3A = arith.constant 0 : i32
      %cond3A_236 = arith.cmpi ne, %convert_element_type3A, %cond3A : i32
      scf.if %cond3A_236 {
        %mul3A_238 = arith.constant 40 : i32
        %mul3A_239 = arith.muli %add3A_234, %mul3A_238 : i32
        "tpu.region"() ({
          %run_scoped3A_240 = tpu.sem_alloc : memref<!tpu.dma_semaphore, #tpu.memory_space<semaphore_mem>>
          %dma_start3A_241 = arith.constant 0 : i32
          %dma_start3A_242 = tpu.memref_slice %arg15[%mul3A_239, %dma_start3A_241] : memref<10000x128xf32, #tpu.memory_space<vmem_shared>> -> memref<40x128xf32, #tpu.memory_space<vmem_shared>>
          %dma_start3A_243 = arith.constant 0 : i32
          %dma_start3A_244 = tpu.memref_slice %arg15[%mul3A_239, %dma_start3A_243] : memref<10000x128xf32, #tpu.memory_space<vmem_shared>> -> memref<40x128xf32, #tpu.memory_space<vmem_shared>>
          tpu.enqueue_dma source(%arg9 : memref<40x128xf32, #tpu.memory_space<vmem>>) target(%dma_start3A_244 : memref<40x128xf32, #tpu.memory_space<vmem_shared>>) target_semaphore(%run_scoped3A_240 : memref<!tpu.dma_semaphore, #tpu.memory_space<semaphore_mem>>)
          %dma_wait3A_245 = arith.constant 0 : i32
          %dma_wait3A_246 = tpu.memref_slice %arg15[%mul3A_239, %dma_wait3A_245] : memref<10000x128xf32, #tpu.memory_space<vmem_shared>> -> memref<40x128xf32, #tpu.memory_space<vmem_shared>>
          %dma_wait3A_247 = arith.constant 0 : i32
          %dma_wait3A_248 = tpu.memref_slice %arg15[%mul3A_239, %dma_wait3A_247] : memref<10000x128xf32, #tpu.memory_space<vmem_shared>> -> memref<40x128xf32, #tpu.memory_space<vmem_shared>>
          tpu.wait_dma2 semaphore(%run_scoped3A_240 : memref<!tpu.dma_semaphore, #tpu.memory_space<semaphore_mem>>) src(%arg9 : memref<40x128xf32, #tpu.memory_space<vmem>>) dst(%dma_wait3A_248 : memref<40x128xf32, #tpu.memory_space<vmem_shared>>)
          tpu.yield
        }) : () -> ()
      } else {
      }
      %scan3A_237 = arith.constant 0 : i32
      scf.yield %scan3A_237 : i32
    }
    %scan3A_52 = arith.constant 16 : i32
    %barrier3A = arith.constant 0 : index
    tpu.barrier barrier_id(%barrier3A)
    %div3A = arith.constant 0 : i32
    %div3A_53 = arith.constant 25 : i32
    %div3A_54 = arith.divsi %div3A, %div3A_53 : i32
    %rem3A = arith.constant 0 : i32
    %rem3A_55 = arith.constant 25 : i32
    %rem3A_56 = arith.remsi %rem3A, %rem3A_55 : i32
    %rem3A_57 = arith.constant 2 : i32
    %rem3A_58 = arith.remsi %div3A_54, %rem3A_57 : i32
    %dma_start3A_59 = arith.constant 0 : i32
    %dma_start3A_60 = tpu.memref_slice %arg7[%rem3A_58, %rem3A_56, %dma_start3A_59] : memref<2x25x40xi32, #tpu.memory_space<vmem>> -> memref<1x1x40xi32, #tpu.memory_space<vmem>>
    %dma_start3A_61 = tpu.memref_squeeze %dma_start3A_60 : memref<1x1x40xi32, #tpu.memory_space<vmem>> -> memref<40xi32, #tpu.memory_space<vmem>>
    %dma_start3A_62 = arith.constant 0 : i32
    %dma_start3A_63 = arith.constant 0 : i32
    %dma_start3A_64 = tpu.memref_slice %arg2[%dma_start3A_62, %dma_start3A_63] : memref<10000x128xf32, #tpu.memory_space<hbm>> -> memref<10000x128xf32, #tpu.memory_space<hbm>>
    tpu.enqueue_indirect_dma source(%dma_start3A_64 : memref<10000x128xf32, #tpu.memory_space<hbm>>) target(%arg9 : memref<40x128xf32, #tpu.memory_space<vmem>>) offsets(%dma_start3A_61 : memref<40xi32, #tpu.memory_space<vmem>>) semaphore(%arg16 : memref<!tpu.dma_semaphore, #tpu.memory_space<semaphore_mem>>)
    %mul3A_65 = arith.constant 10000 : i32
    %mul3A_66 = arith.muli %add3A, %mul3A_65 : i32
    %add3A_67 = arith.constant 0 : i32
    %add3A_68 = arith.addi %mul3A_66, %add3A_67 : i32
    %dma_start3A_69 = arith.constant 0 : i32
    %dma_start3A_70 = tpu.memref_slice %arg3[%add3A_68, %dma_start3A_69] : memref<320000x128xf32, #tpu.memory_space<hbm>> -> memref<40x128xf32, #tpu.memory_space<hbm>>
    %dma_start3A_71 = arith.constant 0 : i32
    %dma_start3A_72 = tpu.memref_slice %arg3[%add3A_68, %dma_start3A_71] : memref<320000x128xf32, #tpu.memory_space<hbm>> -> memref<40x128xf32, #tpu.memory_space<hbm>>
    tpu.enqueue_dma source(%dma_start3A_72 : memref<40x128xf32, #tpu.memory_space<hbm>>) target(%arg11 : memref<40x128xf32, #tpu.memory_space<vmem>>) target_semaphore(%arg18 : memref<!tpu.dma_semaphore, #tpu.memory_space<semaphore_mem>>)
    %div3A_73 = arith.constant 1 : i32
    %div3A_74 = arith.constant 25 : i32
    %div3A_75 = arith.divsi %div3A_73, %div3A_74 : i32
    %rem3A_76 = arith.constant 1 : i32
    %rem3A_77 = arith.constant 25 : i32
    %rem3A_78 = arith.remsi %rem3A_76, %rem3A_77 : i32
    %rem3A_79 = arith.constant 2 : i32
    %rem3A_80 = arith.remsi %div3A_75, %rem3A_79 : i32
    %dma_start3A_81 = arith.constant 0 : i32
    %dma_start3A_82 = tpu.memref_slice %arg7[%rem3A_80, %rem3A_78, %dma_start3A_81] : memref<2x25x40xi32, #tpu.memory_space<vmem>> -> memref<1x1x40xi32, #tpu.memory_space<vmem>>
    %dma_start3A_83 = tpu.memref_squeeze %dma_start3A_82 : memref<1x1x40xi32, #tpu.memory_space<vmem>> -> memref<40xi32, #tpu.memory_space<vmem>>
    %dma_start3A_84 = arith.constant 0 : i32
    %dma_start3A_85 = arith.constant 0 : i32
    %dma_start3A_86 = tpu.memref_slice %arg2[%dma_start3A_84, %dma_start3A_85] : memref<10000x128xf32, #tpu.memory_space<hbm>> -> memref<10000x128xf32, #tpu.memory_space<hbm>>
    tpu.enqueue_indirect_dma source(%dma_start3A_86 : memref<10000x128xf32, #tpu.memory_space<hbm>>) target(%arg10 : memref<40x128xf32, #tpu.memory_space<vmem>>) offsets(%dma_start3A_83 : memref<40xi32, #tpu.memory_space<vmem>>) semaphore(%arg17 : memref<!tpu.dma_semaphore, #tpu.memory_space<semaphore_mem>>)
    %mul3A_87 = arith.constant 10000 : i32
    %mul3A_88 = arith.muli %add3A, %mul3A_87 : i32
    %add3A_89 = arith.constant 40 : i32
    %add3A_90 = arith.addi %mul3A_88, %add3A_89 : i32
    %dma_start3A_91 = arith.constant 0 : i32
    %dma_start3A_92 = tpu.memref_slice %arg3[%add3A_90, %dma_start3A_91] : memref<320000x128xf32, #tpu.memory_space<hbm>> -> memref<40x128xf32, #tpu.memory_space<hbm>>
    %dma_start3A_93 = arith.constant 0 : i32
    %dma_start3A_94 = tpu.memref_slice %arg3[%add3A_90, %dma_start3A_93] : memref<320000x128xf32, #tpu.memory_space<hbm>> -> memref<40x128xf32, #tpu.memory_space<hbm>>
    tpu.enqueue_dma source(%dma_start3A_94 : memref<40x128xf32, #tpu.memory_space<hbm>>) target(%arg12 : memref<40x128xf32, #tpu.memory_space<vmem>>) target_semaphore(%arg19 : memref<!tpu.dma_semaphore, #tpu.memory_space<semaphore_mem>>)
    %dma_wait3A = arith.constant 0 : i32
    %dma_wait3A_95 = arith.constant 0 : i32
    %dma_wait3A_96 = arith.constant 0 : i32
    %dma_wait3A_97 = tpu.memref_slice %arg7[%dma_wait3A, %dma_wait3A_95, %dma_wait3A_96] : memref<2x25x40xi32, #tpu.memory_space<vmem>> -> memref<1x1x40xi32, #tpu.memory_space<vmem>>
    %dma_wait3A_98 = tpu.memref_squeeze %dma_wait3A_97 : memref<1x1x40xi32, #tpu.memory_space<vmem>> -> memref<40xi32, #tpu.memory_space<vmem>>
    %dma_wait3A_99 = arith.constant 0 : i32
    %dma_wait3A_100 = arith.constant 0 : i32
    %dma_wait3A_101 = tpu.memref_slice %arg2[%dma_wait3A_99, %dma_wait3A_100] : memref<10000x128xf32, #tpu.memory_space<hbm>> -> memref<10000x128xf32, #tpu.memory_space<hbm>>
    tpu.wait_indirect_dma semaphore(%arg16 : memref<!tpu.dma_semaphore, #tpu.memory_space<semaphore_mem>>) src(%dma_wait3A_101 : memref<10000x128xf32, #tpu.memory_space<hbm>>) dst(%arg9 : memref<40x128xf32, #tpu.memory_space<vmem>>)
    %dma_wait3A_102 = arith.constant 0 : i32
    %dma_wait3A_103 = arith.constant 0 : i32
    %dma_wait3A_104 = tpu.memref_slice %arg3[%dma_wait3A_102, %dma_wait3A_103] : memref<320000x128xf32, #tpu.memory_space<hbm>> -> memref<40x128xf32, #tpu.memory_space<hbm>>
    %dma_wait3A_105 = arith.constant 0 : i32
    %dma_wait3A_106 = arith.constant 0 : i32
    %dma_wait3A_107 = tpu.memref_slice %arg3[%dma_wait3A_105, %dma_wait3A_106] : memref<320000x128xf32, #tpu.memory_space<hbm>> -> memref<40x128xf32, #tpu.memory_space<hbm>>
    tpu.wait_dma2 semaphore(%arg18 : memref<!tpu.dma_semaphore, #tpu.memory_space<semaphore_mem>>) src(%dma_wait3A_107 : memref<40x128xf32, #tpu.memory_space<hbm>>) dst(%arg11 : memref<40x128xf32, #tpu.memory_space<vmem>>)
    %parallel_loop3A = arith.constant 0 : i32
    %parallel_loop3A_108 = arith.constant 40 : i32
    %parallel_loop3A_109 = arith.constant 1 : i32
    scf.for %parallel_loop3A_230 = %parallel_loop3A to %parallel_loop3A_108 step %parallel_loop3A_109  : i32 {
      %parallel_loop3A_231 = arith.index_cast %parallel_loop3A_230 : i32 to index
      %parallel_loop3A_232 = arith.constant 0 : index
      %parallel_loop3A_233 = tpu.vector_load %arg9[%parallel_loop3A_231, %parallel_loop3A_232] {strides = array<i32>} : memref<40x128xf32, #tpu.memory_space<vmem>>, vector<1x16xf32>,
      %parallel_loop3A_234 = vector.shape_cast %parallel_loop3A_233 : vector<1x16xf32> to vector<16xf32>
      %parallel_loop3A_235 = arith.index_cast %parallel_loop3A_230 : i32 to index
      %parallel_loop3A_236 = arith.constant 0 : index
      %parallel_loop3A_237 = tpu.vector_load %arg11[%parallel_loop3A_235, %parallel_loop3A_236] {strides = array<i32>} : memref<40x128xf32, #tpu.memory_space<vmem>>, vector<1x16xf32>,
      %parallel_loop3A_238 = vector.shape_cast %parallel_loop3A_237 : vector<1x16xf32> to vector<16xf32>
      %parallel_loop3A_239 = arith.mulf %parallel_loop3A_234, %parallel_loop3A_238 : vector<16xf32>
      %parallel_loop3A_240 = arith.index_cast %parallel_loop3A_230 : i32 to index
      %parallel_loop3A_241 = arith.constant 0 : index
      %parallel_loop3A_242 = tpu.vector_load %arg13[%parallel_loop3A_240, %parallel_loop3A_241] {strides = array<i32>} : memref<40x128xf32, #tpu.memory_space<vmem>>, vector<1x16xf32>,
      %parallel_loop3A_243 = vector.shape_cast %parallel_loop3A_242 : vector<1x16xf32> to vector<16xf32>
      %parallel_loop3A_244 = vector.shape_cast %parallel_loop3A_239 : vector<16xf32> to vector<1x16xf32>
      tpu.vector_store %arg13[%parallel_loop3A_240, %parallel_loop3A_241], %parallel_loop3A_244 {strides = array<i32>} : memref<40x128xf32, #tpu.memory_space<vmem>>, vector<1x16xf32>,
      %parallel_loop3A_245 = arith.index_cast %parallel_loop3A_230 : i32 to index
      %parallel_loop3A_246 = arith.constant 16 : index
      %parallel_loop3A_247 = tpu.vector_load %arg9[%parallel_loop3A_245, %parallel_loop3A_246] {strides = array<i32>} : memref<40x128xf32, #tpu.memory_space<vmem>>, vector<1x16xf32>,
      %parallel_loop3A_248 = vector.shape_cast %parallel_loop3A_247 : vector<1x16xf32> to vector<16xf32>
      %parallel_loop3A_249 = arith.index_cast %parallel_loop3A_230 : i32 to index
      %parallel_loop3A_250 = arith.constant 16 : index
      %parallel_loop3A_251 = tpu.vector_load %arg11[%parallel_loop3A_249, %parallel_loop3A_250] {strides = array<i32>} : memref<40x128xf32, #tpu.memory_space<vmem>>, vector<1x16xf32>,
      %parallel_loop3A_252 = vector.shape_cast %parallel_loop3A_251 : vector<1x16xf32> to vector<16xf32>
      %parallel_loop3A_253 = arith.mulf %parallel_loop3A_248, %parallel_loop3A_252 : vector<16xf32>
      %parallel_loop3A_254 = arith.index_cast %parallel_loop3A_230 : i32 to index
      %parallel_loop3A_255 = arith.constant 16 : index
      %parallel_loop3A_256 = tpu.vector_load %arg13[%parallel_loop3A_254, %parallel_loop3A_255] {strides = array<i32>} : memref<40x128xf32, #tpu.memory_space<vmem>>, vector<1x16xf32>,
      %parallel_loop3A_257 = vector.shape_cast %parallel_loop3A_256 : vector<1x16xf32> to vector<16xf32>
      %parallel_loop3A_258 = vector.shape_cast %parallel_loop3A_253 : vector<16xf32> to vector<1x16xf32>
      tpu.vector_store %arg13[%parallel_loop3A_254, %parallel_loop3A_255], %parallel_loop3A_258 {strides = array<i32>} : memref<40x128xf32, #tpu.memory_space<vmem>>, vector<1x16xf32>,
      %parallel_loop3A_259 = arith.index_cast %parallel_loop3A_230 : i32 to index
      %parallel_loop3A_260 = arith.constant 32 : index
      %parallel_loop3A_261 = tpu.vector_load %arg9[%parallel_loop3A_259, %parallel_loop3A_260] {strides = array<i32>} : memref<40x128xf32, #tpu.memory_space<vmem>>, vector<1x16xf32>,
      %parallel_loop3A_262 = vector.shape_cast %parallel_loop3A_261 : vector<1x16xf32> to vector<16xf32>
      %parallel_loop3A_263 = arith.index_cast %parallel_loop3A_230 : i32 to index
      %parallel_loop3A_264 = arith.constant 32 : index
      %parallel_loop3A_265 = tpu.vector_load %arg11[%parallel_loop3A_263, %parallel_loop3A_264] {strides = array<i32>} : memref<40x128xf32, #tpu.memory_space<vmem>>, vector<1x16xf32>,
      %parallel_loop3A_266 = vector.shape_cast %parallel_loop3A_265 : vector<1x16xf32> to vector<16xf32>
      %parallel_loop3A_267 = arith.mulf %parallel_loop3A_262, %parallel_loop3A_266 : vector<16xf32>
      %parallel_loop3A_268 = arith.index_cast %parallel_loop3A_230 : i32 to index
      %parallel_loop3A_269 = arith.constant 32 : index
      %parallel_loop3A_270 = tpu.vector_load %arg13[%parallel_loop3A_268, %parallel_loop3A_269] {strides = array<i32>} : memref<40x128xf32, #tpu.memory_space<vmem>>, vector<1x16xf32>,
      %parallel_loop3A_271 = vector.shape_cast %parallel_loop3A_270 : vector<1x16xf32> to vector<16xf32>
      %parallel_loop3A_272 = vector.shape_cast %parallel_loop3A_267 : vector<16xf32> to vector<1x16xf32>
      tpu.vector_store %arg13[%parallel_loop3A_268, %parallel_loop3A_269], %parallel_loop3A_272 {strides = array<i32>} : memref<40x128xf32, #tpu.memory_space<vmem>>, vector<1x16xf32>,
      %parallel_loop3A_273 = arith.index_cast %parallel_loop3A_230 : i32 to index
      %parallel_loop3A_274 = arith.constant 48 : index
      %parallel_loop3A_275 = tpu.vector_load %arg9[%parallel_loop3A_273, %parallel_loop3A_274] {strides = array<i32>} : memref<40x128xf32, #tpu.memory_space<vmem>>, vector<1x16xf32>,
      %parallel_loop3A_276 = vector.shape_cast %parallel_loop3A_275 : vector<1x16xf32> to vector<16xf32>
      %parallel_loop3A_277 = arith.index_cast %parallel_loop3A_230 : i32 to index
      %parallel_loop3A_278 = arith.constant 48 : index
      %parallel_loop3A_279 = tpu.vector_load %arg11[%parallel_loop3A_277, %parallel_loop3A_278] {strides = array<i32>} : memref<40x128xf32, #tpu.memory_space<vmem>>, vector<1x16xf32>,
      %parallel_loop3A_280 = vector.shape_cast %parallel_loop3A_279 : vector<1x16xf32> to vector<16xf32>
      %parallel_loop3A_281 = arith.mulf %parallel_loop3A_276, %parallel_loop3A_280 : vector<16xf32>
      %parallel_loop3A_282 = arith.index_cast %parallel_loop3A_230 : i32 to index
      %parallel_loop3A_283 = arith.constant 48 : index
      %parallel_loop3A_284 = tpu.vector_load %arg13[%parallel_loop3A_282, %parallel_loop3A_283] {strides = array<i32>} : memref<40x128xf32, #tpu.memory_space<vmem>>, vector<1x16xf32>,
      %parallel_loop3A_285 = vector.shape_cast %parallel_loop3A_284 : vector<1x16xf32> to vector<16xf32>
      %parallel_loop3A_286 = vector.shape_cast %parallel_loop3A_281 : vector<16xf32> to vector<1x16xf32>
      tpu.vector_store %arg13[%parallel_loop3A_282, %parallel_loop3A_283], %parallel_loop3A_286 {strides = array<i32>} : memref<40x128xf32, #tpu.memory_space<vmem>>, vector<1x16xf32>,
      %parallel_loop3A_287 = arith.index_cast %parallel_loop3A_230 : i32 to index
      %parallel_loop3A_288 = arith.constant 64 : index
      %parallel_loop3A_289 = tpu.vector_load %arg9[%parallel_loop3A_287, %parallel_loop3A_288] {strides = array<i32>} : memref<40x128xf32, #tpu.memory_space<vmem>>, vector<1x16xf32>,
      %parallel_loop3A_290 = vector.shape_cast %parallel_loop3A_289 : vector<1x16xf32> to vector<16xf32>
      %parallel_loop3A_291 = arith.index_cast %parallel_loop3A_230 : i32 to index
      %parallel_loop3A_292 = arith.constant 64 : index
      %parallel_loop3A_293 = tpu.vector_load %arg11[%parallel_loop3A_291, %parallel_loop3A_292] {strides = array<i32>} : memref<40x128xf32, #tpu.memory_space<vmem>>, vector<1x16xf32>,
      %parallel_loop3A_294 = vector.shape_cast %parallel_loop3A_293 : vector<1x16xf32> to vector<16xf32>
      %parallel_loop3A_295 = arith.mulf %parallel_loop3A_290, %parallel_loop3A_294 : vector<16xf32>
      %parallel_loop3A_296 = arith.index_cast %parallel_loop3A_230 : i32 to index
      %parallel_loop3A_297 = arith.constant 64 : index
      %parallel_loop3A_298 = tpu.vector_load %arg13[%parallel_loop3A_296, %parallel_loop3A_297] {strides = array<i32>} : memref<40x128xf32, #tpu.memory_space<vmem>>, vector<1x16xf32>,
      %parallel_loop3A_299 = vector.shape_cast %parallel_loop3A_298 : vector<1x16xf32> to vector<16xf32>
      %parallel_loop3A_300 = vector.shape_cast %parallel_loop3A_295 : vector<16xf32> to vector<1x16xf32>
      tpu.vector_store %arg13[%parallel_loop3A_296, %parallel_loop3A_297], %parallel_loop3A_300 {strides = array<i32>} : memref<40x128xf32, #tpu.memory_space<vmem>>, vector<1x16xf32>,
      %parallel_loop3A_301 = arith.index_cast %parallel_loop3A_230 : i32 to index
      %parallel_loop3A_302 = arith.constant 80 : index
      %parallel_loop3A_303 = tpu.vector_load %arg9[%parallel_loop3A_301, %parallel_loop3A_302] {strides = array<i32>} : memref<40x128xf32, #tpu.memory_space<vmem>>, vector<1x16xf32>,
      %parallel_loop3A_304 = vector.shape_cast %parallel_loop3A_303 : vector<1x16xf32> to vector<16xf32>
      %parallel_loop3A_305 = arith.index_cast %parallel_loop3A_230 : i32 to index
      %parallel_loop3A_306 = arith.constant 80 : index
      %parallel_loop3A_307 = tpu.vector_load %arg11[%parallel_loop3A_305, %parallel_loop3A_306] {strides = array<i32>} : memref<40x128xf32, #tpu.memory_space<vmem>>, vector<1x16xf32>,
      %parallel_loop3A_308 = vector.shape_cast %parallel_loop3A_307 : vector<1x16xf32> to vector<16xf32>
      %parallel_loop3A_309 = arith.mulf %parallel_loop3A_304, %parallel_loop3A_308 : vector<16xf32>
      %parallel_loop3A_310 = arith.index_cast %parallel_loop3A_230 : i32 to index
      %parallel_loop3A_311 = arith.constant 80 : index
      %parallel_loop3A_312 = tpu.vector_load %arg13[%parallel_loop3A_310, %parallel_loop3A_311] {strides = array<i32>} : memref<40x128xf32, #tpu.memory_space<vmem>>, vector<1x16xf32>,
      %parallel_loop3A_313 = vector.shape_cast %parallel_loop3A_312 : vector<1x16xf32> to vector<16xf32>
      %parallel_loop3A_314 = vector.shape_cast %parallel_loop3A_309 : vector<16xf32> to vector<1x16xf32>
      tpu.vector_store %arg13[%parallel_loop3A_310, %parallel_loop3A_311], %parallel_loop3A_314 {strides = array<i32>} : memref<40x128xf32, #tpu.memory_space<vmem>>, vector<1x16xf32>,
      %parallel_loop3A_315 = arith.index_cast %parallel_loop3A_230 : i32 to index
      %parallel_loop3A_316 = arith.constant 96 : index
      %parallel_loop3A_317 = tpu.vector_load %arg9[%parallel_loop3A_315, %parallel_loop3A_316] {strides = array<i32>} : memref<40x128xf32, #tpu.memory_space<vmem>>, vector<1x16xf32>,
      %parallel_loop3A_318 = vector.shape_cast %parallel_loop3A_317 : vector<1x16xf32> to vector<16xf32>
      %parallel_loop3A_319 = arith.index_cast %parallel_loop3A_230 : i32 to index
      %parallel_loop3A_320 = arith.constant 96 : index
      %parallel_loop3A_321 = tpu.vector_load %arg11[%parallel_loop3A_319, %parallel_loop3A_320] {strides = array<i32>} : memref<40x128xf32, #tpu.memory_space<vmem>>, vector<1x16xf32>,
      %parallel_loop3A_322 = vector.shape_cast %parallel_loop3A_321 : vector<1x16xf32> to vector<16xf32>
      %parallel_loop3A_323 = arith.mulf %parallel_loop3A_318, %parallel_loop3A_322 : vector<16xf32>
      %parallel_loop3A_324 = arith.index_cast %parallel_loop3A_230 : i32 to index
      %parallel_loop3A_325 = arith.constant 96 : index
      %parallel_loop3A_326 = tpu.vector_load %arg13[%parallel_loop3A_324, %parallel_loop3A_325] {strides = array<i32>} : memref<40x128xf32, #tpu.memory_space<vmem>>, vector<1x16xf32>,
      %parallel_loop3A_327 = vector.shape_cast %parallel_loop3A_326 : vector<1x16xf32> to vector<16xf32>
      %parallel_loop3A_328 = vector.shape_cast %parallel_loop3A_323 : vector<16xf32> to vector<1x16xf32>
      tpu.vector_store %arg13[%parallel_loop3A_324, %parallel_loop3A_325], %parallel_loop3A_328 {strides = array<i32>} : memref<40x128xf32, #tpu.memory_space<vmem>>, vector<1x16xf32>,
      %parallel_loop3A_329 = arith.index_cast %parallel_loop3A_230 : i32 to index
      %parallel_loop3A_330 = arith.constant 112 : index
      %parallel_loop3A_331 = tpu.vector_load %arg9[%parallel_loop3A_329, %parallel_loop3A_330] {strides = array<i32>} : memref<40x128xf32, #tpu.memory_space<vmem>>, vector<1x16xf32>,
      %parallel_loop3A_332 = vector.shape_cast %parallel_loop3A_331 : vector<1x16xf32> to vector<16xf32>
      %parallel_loop3A_333 = arith.index_cast %parallel_loop3A_230 : i32 to index
      %parallel_loop3A_334 = arith.constant 112 : index
      %parallel_loop3A_335 = tpu.vector_load %arg11[%parallel_loop3A_333, %parallel_loop3A_334] {strides = array<i32>} : memref<40x128xf32, #tpu.memory_space<vmem>>, vector<1x16xf32>,
      %parallel_loop3A_336 = vector.shape_cast %parallel_loop3A_335 : vector<1x16xf32> to vector<16xf32>
      %parallel_loop3A_337 = arith.mulf %parallel_loop3A_332, %parallel_loop3A_336 : vector<16xf32>
      %parallel_loop3A_338 = arith.index_cast %parallel_loop3A_230 : i32 to index
      %parallel_loop3A_339 = arith.constant 112 : index
      %parallel_loop3A_340 = tpu.vector_load %arg13[%parallel_loop3A_338, %parallel_loop3A_339] {strides = array<i32>} : memref<40x128xf32, #tpu.memory_space<vmem>>, vector<1x16xf32>,
      %parallel_loop3A_341 = vector.shape_cast %parallel_loop3A_340 : vector<1x16xf32> to vector<16xf32>
      %parallel_loop3A_342 = vector.shape_cast %parallel_loop3A_337 : vector<16xf32> to vector<1x16xf32>
      tpu.vector_store %arg13[%parallel_loop3A_338, %parallel_loop3A_339], %parallel_loop3A_342 {strides = array<i32>} : memref<40x128xf32, #tpu.memory_space<vmem>>, vector<1x16xf32>,
    } {sc.loop_unroll_factor = 4 : i64, sc.parallel_access}
    %div3A_110 = arith.constant 2 : i32
    %div3A_111 = arith.constant 25 : i32
    %div3A_112 = arith.divsi %div3A_110, %div3A_111 : i32
    %rem3A_113 = arith.constant 2 : i32
    %rem3A_114 = arith.constant 25 : i32
    %rem3A_115 = arith.remsi %rem3A_113, %rem3A_114 : i32
    %rem3A_116 = arith.constant 2 : i32
    %rem3A_117 = arith.remsi %div3A_112, %rem3A_116 : i32
    %dma_start3A_118 = arith.constant 0 : i32
    %dma_start3A_119 = tpu.memref_slice %arg7[%rem3A_117, %rem3A_115, %dma_start3A_118] : memref<2x25x40xi32, #tpu.memory_space<vmem>> -> memref<1x1x40xi32, #tpu.memory_space<vmem>>
    %dma_start3A_120 = tpu.memref_squeeze %dma_start3A_119 : memref<1x1x40xi32, #tpu.memory_space<vmem>> -> memref<40xi32, #tpu.memory_space<vmem>>
    %dma_start3A_121 = arith.constant 0 : i32
    %dma_start3A_122 = arith.constant 0 : i32
    %dma_start3A_123 = tpu.memref_slice %arg2[%dma_start3A_121, %dma_start3A_122] : memref<10000x128xf32, #tpu.memory_space<hbm>> -> memref<10000x128xf32, #tpu.memory_space<hbm>>
    tpu.enqueue_indirect_dma source(%dma_start3A_123 : memref<10000x128xf32, #tpu.memory_space<hbm>>) target(%arg9 : memref<40x128xf32, #tpu.memory_space<vmem>>) offsets(%dma_start3A_120 : memref<40xi32, #tpu.memory_space<vmem>>) semaphore(%arg16 : memref<!tpu.dma_semaphore, #tpu.memory_space<semaphore_mem>>)
    %mul3A_124 = arith.constant 10000 : i32
    %mul3A_125 = arith.muli %add3A, %mul3A_124 : i32
    %add3A_126 = arith.constant 80 : i32
    %add3A_127 = arith.addi %mul3A_125, %add3A_126 : i32
    %dma_start3A_128 = arith.constant 0 : i32
    %dma_start3A_129 = tpu.memref_slice %arg3[%add3A_127, %dma_start3A_128] : memref<320000x128xf32, #tpu.memory_space<hbm>> -> memref<40x128xf32, #tpu.memory_space<hbm>>
    %dma_start3A_130 = arith.constant 0 : i32
    %dma_start3A_131 = tpu.memref_slice %arg3[%add3A_127, %dma_start3A_130] : memref<320000x128xf32, #tpu.memory_space<hbm>> -> memref<40x128xf32, #tpu.memory_space<hbm>>
    tpu.enqueue_dma source(%dma_start3A_131 : memref<40x128xf32, #tpu.memory_space<hbm>>) target(%arg11 : memref<40x128xf32, #tpu.memory_space<vmem>>) target_semaphore(%arg18 : memref<!tpu.dma_semaphore, #tpu.memory_space<semaphore_mem>>)
    %div3A_132 = arith.constant 0 : i32
    %div3A_133 = arith.constant 25 : i32
    %div3A_134 = arith.divsi %div3A_132, %div3A_133 : i32
    %rem3A_135 = arith.constant 0 : i32
    %rem3A_136 = arith.constant 25 : i32
    %rem3A_137 = arith.remsi %rem3A_135, %rem3A_136 : i32
    %rem3A_138 = arith.constant 2 : i32
    %rem3A_139 = arith.remsi %div3A_134, %rem3A_138 : i32
    %dma_start3A_140 = arith.constant 0 : i32
    %dma_start3A_141 = tpu.memref_slice %arg8[%rem3A_139, %rem3A_137, %dma_start3A_140] : memref<2x25x40xi32, #tpu.memory_space<vmem>> -> memref<1x1x40xi32, #tpu.memory_space<vmem>>
    %dma_start3A_142 = tpu.memref_squeeze %dma_start3A_141 : memref<1x1x40xi32, #tpu.memory_space<vmem>> -> memref<40xi32, #tpu.memory_space<vmem>>
    %dma_start3A_143 = arith.constant 0 : i32
    %dma_start3A_144 = arith.constant 0 : i32
    %dma_start3A_145 = tpu.memref_slice %arg15[%dma_start3A_143, %dma_start3A_144] : memref<10000x128xf32, #tpu.memory_space<vmem_shared>> -> memref<10000x128xf32, #tpu.memory_space<vmem_shared>>
    tpu.enqueue_indirect_dma source(%arg13 : memref<40x128xf32, #tpu.memory_space<vmem>>) target(%dma_start3A_145 : memref<10000x128xf32, #tpu.memory_space<vmem_shared>>) offsets(%dma_start3A_142 : memref<40xi32, #tpu.memory_space<vmem>>) semaphore(%arg20 : memref<!tpu.dma_semaphore, #tpu.memory_space<semaphore_mem>>) {add = true}
    %dma_wait3A_146 = arith.constant 0 : i32
    %dma_wait3A_147 = arith.constant 0 : i32
    %dma_wait3A_148 = arith.constant 0 : i32
    %dma_wait3A_149 = tpu.memref_slice %arg7[%dma_wait3A_146, %dma_wait3A_147, %dma_wait3A_148] : memref<2x25x40xi32, #tpu.memory_space<vmem>> -> memref<1x1x40xi32, #tpu.memory_space<vmem>>
    %dma_wait3A_150 = tpu.memref_squeeze %dma_wait3A_149 : memref<1x1x40xi32, #tpu.memory_space<vmem>> -> memref<40xi32, #tpu.memory_space<vmem>>
    %dma_wait3A_151 = arith.constant 0 : i32
    %dma_wait3A_152 = arith.constant 0 : i32
    %dma_wait3A_153 = tpu.memref_slice %arg2[%dma_wait3A_151, %dma_wait3A_152] : memref<10000x128xf32, #tpu.memory_space<hbm>> -> memref<10000x128xf32, #tpu.memory_space<hbm>>
    tpu.wait_indirect_dma semaphore(%arg17 : memref<!tpu.dma_semaphore, #tpu.memory_space<semaphore_mem>>) src(%dma_wait3A_153 : memref<10000x128xf32, #tpu.memory_space<hbm>>) dst(%arg10 : memref<40x128xf32, #tpu.memory_space<vmem>>)
    %dma_wait3A_154 = arith.constant 0 : i32
    %dma_wait3A_155 = arith.constant 0 : i32
    %dma_wait3A_156 = tpu.memref_slice %arg3[%dma_wait3A_154, %dma_wait3A_155] : memref<320000x128xf32, #tpu.memory_space<hbm>> -> memref<40x128xf32, #tpu.memory_space<hbm>>
    %dma_wait3A_157 = arith.constant 0 : i32
    %dma_wait3A_158 = arith.constant 0 : i32
    %dma_wait3A_159 = tpu.memref_slice %arg3[%dma_wait3A_157, %dma_wait3A_158] : memref<320000x128xf32, #tpu.memory_space<hbm>> -> memref<40x128xf32, #tpu.memory_space<hbm>>
    tpu.wait_dma2 semaphore(%arg19 : memref<!tpu.dma_semaphore, #tpu.memory_space<semaphore_mem>>) src(%dma_wait3A_159 : memref<40x128xf32, #tpu.memory_space<hbm>>) dst(%arg12 : memref<40x128xf32, #tpu.memory_space<vmem>>)
    %parallel_loop3A_160 = arith.constant 0 : i32
    %parallel_loop3A_161 = arith.constant 40 : i32
    %parallel_loop3A_162 = arith.constant 1 : i32
    scf.for %parallel_loop3A_230 = %parallel_loop3A_160 to %parallel_loop3A_161 step %parallel_loop3A_162  : i32 {
      %parallel_loop3A_231 = arith.index_cast %parallel_loop3A_230 : i32 to index
      %parallel_loop3A_232 = arith.constant 0 : index
      %parallel_loop3A_233 = tpu.vector_load %arg10[%parallel_loop3A_231, %parallel_loop3A_232] {strides = array<i32>} : memref<40x128xf32, #tpu.memory_space<vmem>>, vector<1x16xf32>,
      %parallel_loop3A_234 = vector.shape_cast %parallel_loop3A_233 : vector<1x16xf32> to vector<16xf32>
      %parallel_loop3A_235 = arith.index_cast %parallel_loop3A_230 : i32 to index
      %parallel_loop3A_236 = arith.constant 0 : index
      %parallel_loop3A_237 = tpu.vector_load %arg12[%parallel_loop3A_235, %parallel_loop3A_236] {strides = array<i32>} : memref<40x128xf32, #tpu.memory_space<vmem>>, vector<1x16xf32>,
      %parallel_loop3A_238 = vector.shape_cast %parallel_loop3A_237 : vector<1x16xf32> to vector<16xf32>
      %parallel_loop3A_239 = arith.mulf %parallel_loop3A_234, %parallel_loop3A_238 : vector<16xf32>
      %parallel_loop3A_240 = arith.index_cast %parallel_loop3A_230 : i32 to index
      %parallel_loop3A_241 = arith.constant 0 : index
      %parallel_loop3A_242 = tpu.vector_load %arg14[%parallel_loop3A_240, %parallel_loop3A_241] {strides = array<i32>} : memref<40x128xf32, #tpu.memory_space<vmem>>, vector<1x16xf32>,
      %parallel_loop3A_243 = vector.shape_cast %parallel_loop3A_242 : vector<1x16xf32> to vector<16xf32>
      %parallel_loop3A_244 = vector.shape_cast %parallel_loop3A_239 : vector<16xf32> to vector<1x16xf32>
      tpu.vector_store %arg14[%parallel_loop3A_240, %parallel_loop3A_241], %parallel_loop3A_244 {strides = array<i32>} : memref<40x128xf32, #tpu.memory_space<vmem>>, vector<1x16xf32>,
      %parallel_loop3A_245 = arith.index_cast %parallel_loop3A_230 : i32 to index
      %parallel_loop3A_246 = arith.constant 16 : index
      %parallel_loop3A_247 = tpu.vector_load %arg10[%parallel_loop3A_245, %parallel_loop3A_246] {strides = array<i32>} : memref<40x128xf32, #tpu.memory_space<vmem>>, vector<1x16xf32>,
      %parallel_loop3A_248 = vector.shape_cast %parallel_loop3A_247 : vector<1x16xf32> to vector<16xf32>
      %parallel_loop3A_249 = arith.index_cast %parallel_loop3A_230 : i32 to index
      %parallel_loop3A_250 = arith.constant 16 : index
      %parallel_loop3A_251 = tpu.vector_load %arg12[%parallel_loop3A_249, %parallel_loop3A_250] {strides = array<i32>} : memref<40x128xf32, #tpu.memory_space<vmem>>, vector<1x16xf32>,
      %parallel_loop3A_252 = vector.shape_cast %parallel_loop3A_251 : vector<1x16xf32> to vector<16xf32>
      %parallel_loop3A_253 = arith.mulf %parallel_loop3A_248, %parallel_loop3A_252 : vector<16xf32>
      %parallel_loop3A_254 = arith.index_cast %parallel_loop3A_230 : i32 to index
      %parallel_loop3A_255 = arith.constant 16 : index
      %parallel_loop3A_256 = tpu.vector_load %arg14[%parallel_loop3A_254, %parallel_loop3A_255] {strides = array<i32>} : memref<40x128xf32, #tpu.memory_space<vmem>>, vector<1x16xf32>,
      %parallel_loop3A_257 = vector.shape_cast %parallel_loop3A_256 : vector<1x16xf32> to vector<16xf32>
      %parallel_loop3A_258 = vector.shape_cast %parallel_loop3A_253 : vector<16xf32> to vector<1x16xf32>
      tpu.vector_store %arg14[%parallel_loop3A_254, %parallel_loop3A_255], %parallel_loop3A_258 {strides = array<i32>} : memref<40x128xf32, #tpu.memory_space<vmem>>, vector<1x16xf32>,
      %parallel_loop3A_259 = arith.index_cast %parallel_loop3A_230 : i32 to index
      %parallel_loop3A_260 = arith.constant 32 : index
      %parallel_loop3A_261 = tpu.vector_load %arg10[%parallel_loop3A_259, %parallel_loop3A_260] {strides = array<i32>} : memref<40x128xf32, #tpu.memory_space<vmem>>, vector<1x16xf32>,
      %parallel_loop3A_262 = vector.shape_cast %parallel_loop3A_261 : vector<1x16xf32> to vector<16xf32>
      %parallel_loop3A_263 = arith.index_cast %parallel_loop3A_230 : i32 to index
      %parallel_loop3A_264 = arith.constant 32 : index
      %parallel_loop3A_265 = tpu.vector_load %arg12[%parallel_loop3A_263, %parallel_loop3A_264] {strides = array<i32>} : memref<40x128xf32, #tpu.memory_space<vmem>>, vector<1x16xf32>,
      %parallel_loop3A_266 = vector.shape_cast %parallel_loop3A_265 : vector<1x16xf32> to vector<16xf32>
      %parallel_loop3A_267 = arith.mulf %parallel_loop3A_262, %parallel_loop3A_266 : vector<16xf32>
      %parallel_loop3A_268 = arith.index_cast %parallel_loop3A_230 : i32 to index
      %parallel_loop3A_269 = arith.constant 32 : index
      %parallel_loop3A_270 = tpu.vector_load %arg14[%parallel_loop3A_268, %parallel_loop3A_269] {strides = array<i32>} : memref<40x128xf32, #tpu.memory_space<vmem>>, vector<1x16xf32>,
      %parallel_loop3A_271 = vector.shape_cast %parallel_loop3A_270 : vector<1x16xf32> to vector<16xf32>
      %parallel_loop3A_272 = vector.shape_cast %parallel_loop3A_267 : vector<16xf32> to vector<1x16xf32>
      tpu.vector_store %arg14[%parallel_loop3A_268, %parallel_loop3A_269], %parallel_loop3A_272 {strides = array<i32>} : memref<40x128xf32, #tpu.memory_space<vmem>>, vector<1x16xf32>,
      %parallel_loop3A_273 = arith.index_cast %parallel_loop3A_230 : i32 to index
      %parallel_loop3A_274 = arith.constant 48 : index
      %parallel_loop3A_275 = tpu.vector_load %arg10[%parallel_loop3A_273, %parallel_loop3A_274] {strides = array<i32>} : memref<40x128xf32, #tpu.memory_space<vmem>>, vector<1x16xf32>,
      %parallel_loop3A_276 = vector.shape_cast %parallel_loop3A_275 : vector<1x16xf32> to vector<16xf32>
      %parallel_loop3A_277 = arith.index_cast %parallel_loop3A_230 : i32 to index
      %parallel_loop3A_278 = arith.constant 48 : index
      %parallel_loop3A_279 = tpu.vector_load %arg12[%parallel_loop3A_277, %parallel_loop3A_278] {strides = array<i32>} : memref<40x128xf32, #tpu.memory_space<vmem>>, vector<1x16xf32>,
      %parallel_loop3A_280 = vector.shape_cast %parallel_loop3A_279 : vector<1x16xf32> to vector<16xf32>
      %parallel_loop3A_281 = arith.mulf %parallel_loop3A_276, %parallel_loop3A_280 : vector<16xf32>
      %parallel_loop3A_282 = arith.index_cast %parallel_loop3A_230 : i32 to index
      %parallel_loop3A_283 = arith.constant 48 : index
      %parallel_loop3A_284 = tpu.vector_load %arg14[%parallel_loop3A_282, %parallel_loop3A_283] {strides = array<i32>} : memref<40x128xf32, #tpu.memory_space<vmem>>, vector<1x16xf32>,
      %parallel_loop3A_285 = vector.shape_cast %parallel_loop3A_284 : vector<1x16xf32> to vector<16xf32>
      %parallel_loop3A_286 = vector.shape_cast %parallel_loop3A_281 : vector<16xf32> to vector<1x16xf32>
      tpu.vector_store %arg14[%parallel_loop3A_282, %parallel_loop3A_283], %parallel_loop3A_286 {strides = array<i32>} : memref<40x128xf32, #tpu.memory_space<vmem>>, vector<1x16xf32>,
      %parallel_loop3A_287 = arith.index_cast %parallel_loop3A_230 : i32 to index
      %parallel_loop3A_288 = arith.constant 64 : index
      %parallel_loop3A_289 = tpu.vector_load %arg10[%parallel_loop3A_287, %parallel_loop3A_288] {strides = array<i32>} : memref<40x128xf32, #tpu.memory_space<vmem>>, vector<1x16xf32>,
      %parallel_loop3A_290 = vector.shape_cast %parallel_loop3A_289 : vector<1x16xf32> to vector<16xf32>
      %parallel_loop3A_291 = arith.index_cast %parallel_loop3A_230 : i32 to index
      %parallel_loop3A_292 = arith.constant 64 : index
      %parallel_loop3A_293 = tpu.vector_load %arg12[%parallel_loop3A_291, %parallel_loop3A_292] {strides = array<i32>} : memref<40x128xf32, #tpu.memory_space<vmem>>, vector<1x16xf32>,
      %parallel_loop3A_294 = vector.shape_cast %parallel_loop3A_293 : vector<1x16xf32> to vector<16xf32>
      %parallel_loop3A_295 = arith.mulf %parallel_loop3A_290, %parallel_loop3A_294 : vector<16xf32>
      %parallel_loop3A_296 = arith.index_cast %parallel_loop3A_230 : i32 to index
      %parallel_loop3A_297 = arith.constant 64 : index
      %parallel_loop3A_298 = tpu.vector_load %arg14[%parallel_loop3A_296, %parallel_loop3A_297] {strides = array<i32>} : memref<40x128xf32, #tpu.memory_space<vmem>>, vector<1x16xf32>,
      %parallel_loop3A_299 = vector.shape_cast %parallel_loop3A_298 : vector<1x16xf32> to vector<16xf32>
      %parallel_loop3A_300 = vector.shape_cast %parallel_loop3A_295 : vector<16xf32> to vector<1x16xf32>
      tpu.vector_store %arg14[%parallel_loop3A_296, %parallel_loop3A_297], %parallel_loop3A_300 {strides = array<i32>} : memref<40x128xf32, #tpu.memory_space<vmem>>, vector<1x16xf32>,
      %parallel_loop3A_301 = arith.index_cast %parallel_loop3A_230 : i32 to index
      %parallel_loop3A_302 = arith.constant 80 : index
      %parallel_loop3A_303 = tpu.vector_load %arg10[%parallel_loop3A_301, %parallel_loop3A_302] {strides = array<i32>} : memref<40x128xf32, #tpu.memory_space<vmem>>, vector<1x16xf32>,
      %parallel_loop3A_304 = vector.shape_cast %parallel_loop3A_303 : vector<1x16xf32> to vector<16xf32>
      %parallel_loop3A_305 = arith.index_cast %parallel_loop3A_230 : i32 to index
      %parallel_loop3A_306 = arith.constant 80 : index
      %parallel_loop3A_307 = tpu.vector_load %arg12[%parallel_loop3A_305, %parallel_loop3A_306] {strides = array<i32>} : memref<40x128xf32, #tpu.memory_space<vmem>>, vector<1x16xf32>,
      %parallel_loop3A_308 = vector.shape_cast %parallel_loop3A_307 : vector<1x16xf32> to vector<16xf32>
      %parallel_loop3A_309 = arith.mulf %parallel_loop3A_304, %parallel_loop3A_308 : vector<16xf32>
      %parallel_loop3A_310 = arith.index_cast %parallel_loop3A_230 : i32 to index
      %parallel_loop3A_311 = arith.constant 80 : index
      %parallel_loop3A_312 = tpu.vector_load %arg14[%parallel_loop3A_310, %parallel_loop3A_311] {strides = array<i32>} : memref<40x128xf32, #tpu.memory_space<vmem>>, vector<1x16xf32>,
      %parallel_loop3A_313 = vector.shape_cast %parallel_loop3A_312 : vector<1x16xf32> to vector<16xf32>
      %parallel_loop3A_314 = vector.shape_cast %parallel_loop3A_309 : vector<16xf32> to vector<1x16xf32>
      tpu.vector_store %arg14[%parallel_loop3A_310, %parallel_loop3A_311], %parallel_loop3A_314 {strides = array<i32>} : memref<40x128xf32, #tpu.memory_space<vmem>>, vector<1x16xf32>,
      %parallel_loop3A_315 = arith.index_cast %parallel_loop3A_230 : i32 to index
      %parallel_loop3A_316 = arith.constant 96 : index
      %parallel_loop3A_317 = tpu.vector_load %arg10[%parallel_loop3A_315, %parallel_loop3A_316] {strides = array<i32>} : memref<40x128xf32, #tpu.memory_space<vmem>>, vector<1x16xf32>,
      %parallel_loop3A_318 = vector.shape_cast %parallel_loop3A_317 : vector<1x16xf32> to vector<16xf32>
      %parallel_loop3A_319 = arith.index_cast %parallel_loop3A_230 : i32 to index
      %parallel_loop3A_320 = arith.constant 96 : index
      %parallel_loop3A_321 = tpu.vector_load %arg12[%parallel_loop3A_319, %parallel_loop3A_320] {strides = array<i32>} : memref<40x128xf32, #tpu.memory_space<vmem>>, vector<1x16xf32>,
      %parallel_loop3A_322 = vector.shape_cast %parallel_loop3A_321 : vector<1x16xf32> to vector<16xf32>
      %parallel_loop3A_323 = arith.mulf %parallel_loop3A_318, %parallel_loop3A_322 : vector<16xf32>
      %parallel_loop3A_324 = arith.index_cast %parallel_loop3A_230 : i32 to index
      %parallel_loop3A_325 = arith.constant 96 : index
      %parallel_loop3A_326 = tpu.vector_load %arg14[%parallel_loop3A_324, %parallel_loop3A_325] {strides = array<i32>} : memref<40x128xf32, #tpu.memory_space<vmem>>, vector<1x16xf32>,
      %parallel_loop3A_327 = vector.shape_cast %parallel_loop3A_326 : vector<1x16xf32> to vector<16xf32>
      %parallel_loop3A_328 = vector.shape_cast %parallel_loop3A_323 : vector<16xf32> to vector<1x16xf32>
      tpu.vector_store %arg14[%parallel_loop3A_324, %parallel_loop3A_325], %parallel_loop3A_328 {strides = array<i32>} : memref<40x128xf32, #tpu.memory_space<vmem>>, vector<1x16xf32>,
      %parallel_loop3A_329 = arith.index_cast %parallel_loop3A_230 : i32 to index
      %parallel_loop3A_330 = arith.constant 112 : index
      %parallel_loop3A_331 = tpu.vector_load %arg10[%parallel_loop3A_329, %parallel_loop3A_330] {strides = array<i32>} : memref<40x128xf32, #tpu.memory_space<vmem>>, vector<1x16xf32>,
      %parallel_loop3A_332 = vector.shape_cast %parallel_loop3A_331 : vector<1x16xf32> to vector<16xf32>
      %parallel_loop3A_333 = arith.index_cast %parallel_loop3A_230 : i32 to index
      %parallel_loop3A_334 = arith.constant 112 : index
      %parallel_loop3A_335 = tpu.vector_load %arg12[%parallel_loop3A_333, %parallel_loop3A_334] {strides = array<i32>} : memref<40x128xf32, #tpu.memory_space<vmem>>, vector<1x16xf32>,
      %parallel_loop3A_336 = vector.shape_cast %parallel_loop3A_335 : vector<1x16xf32> to vector<16xf32>
      %parallel_loop3A_337 = arith.mulf %parallel_loop3A_332, %parallel_loop3A_336 : vector<16xf32>
      %parallel_loop3A_338 = arith.index_cast %parallel_loop3A_230 : i32 to index
      %parallel_loop3A_339 = arith.constant 112 : index
      %parallel_loop3A_340 = tpu.vector_load %arg14[%parallel_loop3A_338, %parallel_loop3A_339] {strides = array<i32>} : memref<40x128xf32, #tpu.memory_space<vmem>>, vector<1x16xf32>,
      %parallel_loop3A_341 = vector.shape_cast %parallel_loop3A_340 : vector<1x16xf32> to vector<16xf32>
      %parallel_loop3A_342 = vector.shape_cast %parallel_loop3A_337 : vector<16xf32> to vector<1x16xf32>
      tpu.vector_store %arg14[%parallel_loop3A_338, %parallel_loop3A_339], %parallel_loop3A_342 {strides = array<i32>} : memref<40x128xf32, #tpu.memory_space<vmem>>, vector<1x16xf32>,
    } {sc.loop_unroll_factor = 4 : i64, sc.parallel_access}
    %div3A_163 = arith.constant 3 : i32
    %div3A_164 = arith.constant 25 : i32
    %div3A_165 = arith.divsi %div3A_163, %div3A_164 : i32
    %rem3A_166 = arith.constant 3 : i32
    %rem3A_167 = arith.constant 25 : i32
    %rem3A_168 = arith.remsi %rem3A_166, %rem3A_167 : i32
    %rem3A_169 = arith.constant 2 : i32
    %rem3A_170 = arith.remsi %div3A_165, %rem3A_169 : i32
    %dma_start3A_171 = arith.constant 0 : i32
    %dma_start3A_172 = tpu.memref_slice %arg7[%rem3A_170, %rem3A_168, %dma_start3A_171] : memref<2x25x40xi32, #tpu.memory_space<vmem>> -> memref<1x1x40xi32, #tpu.memory_space<vmem>>
    %dma_start3A_173 = tpu.memref_squeeze %dma_start3A_172 : memref<1x1x40xi32, #tpu.memory_space<vmem>> -> memref<40xi32, #tpu.memory_space<vmem>>
    %dma_start3A_174 = arith.constant 0 : i32
    %dma_start3A_175 = arith.constant 0 : i32
    %dma_start3A_176 = tpu.memref_slice %arg2[%dma_start3A_174, %dma_start3A_175] : memref<10000x128xf32, #tpu.memory_space<hbm>> -> memref<10000x128xf32, #tpu.memory_space<hbm>>
    tpu.enqueue_indirect_dma source(%dma_start3A_176 : memref<10000x128xf32, #tpu.memory_space<hbm>>) target(%arg10 : memref<40x128xf32, #tpu.memory_space<vmem>>) offsets(%dma_start3A_173 : memref<40xi32, #tpu.memory_space<vmem>>) semaphore(%arg17 : memref<!tpu.dma_semaphore, #tpu.memory_space<semaphore_mem>>)
    %mul3A_177 = arith.constant 10000 : i32
    %mul3A_178 = arith.muli %add3A, %mul3A_177 : i32
    %add3A_179 = arith.constant 120 : i32
    %add3A_180 = arith.addi %mul3A_178, %add3A_179 : i32
    %dma_start3A_181 = arith.constant 0 : i32
    %dma_start3A_182 = tpu.memref_slice %arg3[%add3A_180, %dma_start3A_181] : memref<320000x128xf32, #tpu.memory_space<hbm>> -> memref<40x128xf32, #tpu.memory_space<hbm>>
    %dma_start3A_183 = arith.constant 0 : i32
    %dma_start3A_184 = tpu.memref_slice %arg3[%add3A_180, %dma_start3A_183] : memref<320000x128xf32, #tpu.memory_space<hbm>> -> memref<40x128xf32, #tpu.memory_space<hbm>>
    tpu.enqueue_dma source(%dma_start3A_184 : memref<40x128xf32, #tpu.memory_space<hbm>>) target(%arg12 : memref<40x128xf32, #tpu.memory_space<vmem>>) target_semaphore(%arg19 : memref<!tpu.dma_semaphore, #tpu.memory_space<semaphore_mem>>)
    %div3A_185 = arith.constant 1 : i32
    %div3A_186 = arith.constant 25 : i32
    %div3A_187 = arith.divsi %div3A_185, %div3A_186 : i32
    %rem3A_188 = arith.constant 1 : i32
    %rem3A_189 = arith.constant 25 : i32
    %rem3A_190 = arith.remsi %rem3A_188, %rem3A_189 : i32
    %rem3A_191 = arith.constant 2 : i32
    %rem3A_192 = arith.remsi %div3A_187, %rem3A_191 : i32
    %dma_start3A_193 = arith.constant 0 : i32
    %dma_start3A_194 = tpu.memref_slice %arg8[%rem3A_192, %rem3A_190, %dma_start3A_193] : memref<2x25x40xi32, #tpu.memory_space<vmem>> -> memref<1x1x40xi32, #tpu.memory_space<vmem>>
    %dma_start3A_195 = tpu.memref_squeeze %dma_start3A_194 : memref<1x1x40xi32, #tpu.memory_space<vmem>> -> memref<40xi32, #tpu.memory_space<vmem>>
    %dma_start3A_196 = arith.constant 0 : i32
    %dma_start3A_197 = arith.constant 0 : i32
    %dma_start3A_198 = tpu.memref_slice %arg15[%dma_start3A_196, %dma_start3A_197] : memref<10000x128xf32, #tpu.memory_space<vmem_shared>> -> memref<10000x128xf32, #tpu.memory_space<vmem_shared>>
    tpu.enqueue_indirect_dma source(%arg14 : memref<40x128xf32, #tpu.memory_space<vmem>>) target(%dma_start3A_198 : memref<10000x128xf32, #tpu.memory_space<vmem_shared>>) offsets(%dma_start3A_195 : memref<40xi32, #tpu.memory_space<vmem>>) semaphore(%arg21 : memref<!tpu.dma_semaphore, #tpu.memory_space<semaphore_mem>>) {add = true}
    %scan3A_199 = arith.constant 0 : i32
    %scan3A_200 = arith.constant 0 : i32
    %scan3A_201 = arith.constant 124 : i32
    %scan3A_202 = arith.addi %scan3A_200, %scan3A_201 : i32
    %scan3A_203 = arith.constant 1 : i32
    %scan3A_204 = scf.for %scan3A_230 = %scan3A_200 to %scan3A_202 step %scan3A_203 iter_args(%scan3A_231 = %scan3A_199) -> (i32)  : i32 {
      %mul3A_232 = arith.constant 2 : i32
      %mul3A_233 = arith.muli %scan3A_230, %mul3A_232 : i32
      %add3A_234 = arith.constant 2 : i32
      %add3A_235 = arith.addi %add3A_234, %mul3A_233 : i32
      %add3A_236 = arith.constant 0 : i32
      %add3A_237 = arith.addi %add3A_235, %add3A_236 : i32
      %div3A_238 = arith.constant 25 : i32
      %div3A_239 = arith.divsi %add3A_237, %div3A_238 : i32
      %rem3A_240 = arith.constant 25 : i32
      %rem3A_241 = arith.remsi %add3A_237, %rem3A_240 : i32
      %rem3A_242 = arith.constant 2 : i32
      %rem3A_243 = arith.remsi %div3A_239, %rem3A_242 : i32
      %dma_wait3A_244 = arith.constant 0 : i32
      %dma_wait3A_245 = arith.constant 0 : i32
      %dma_wait3A_246 = arith.constant 0 : i32
      %dma_wait3A_247 = tpu.memref_slice %arg7[%dma_wait3A_244, %dma_wait3A_245, %dma_wait3A_246] : memref<2x25x40xi32, #tpu.memory_space<vmem>> -> memref<1x1x40xi32, #tpu.memory_space<vmem>>
      %dma_wait3A_248 = tpu.memref_squeeze %dma_wait3A_247 : memref<1x1x40xi32, #tpu.memory_space<vmem>> -> memref<40xi32, #tpu.memory_space<vmem>>
      %dma_wait3A_249 = arith.constant 0 : i32
      %dma_wait3A_250 = arith.constant 0 : i32
      %dma_wait3A_251 = tpu.memref_slice %arg2[%dma_wait3A_249, %dma_wait3A_250] : memref<10000x128xf32, #tpu.memory_space<hbm>> -> memref<10000x128xf32, #tpu.memory_space<hbm>>
      tpu.wait_indirect_dma semaphore(%arg16 : memref<!tpu.dma_semaphore, #tpu.memory_space<semaphore_mem>>) src(%dma_wait3A_251 : memref<10000x128xf32, #tpu.memory_space<hbm>>) dst(%arg9 : memref<40x128xf32, #tpu.memory_space<vmem>>)
      %dma_wait3A_252 = arith.constant 0 : i32
      %dma_wait3A_253 = arith.constant 0 : i32
      %dma_wait3A_254 = tpu.memref_slice %arg3[%dma_wait3A_252, %dma_wait3A_253] : memref<320000x128xf32, #tpu.memory_space<hbm>> -> memref<40x128xf32, #tpu.memory_space<hbm>>
      %dma_wait3A_255 = arith.constant 0 : i32
      %dma_wait3A_256 = arith.constant 0 : i32
      %dma_wait3A_257 = tpu.memref_slice %arg3[%dma_wait3A_255, %dma_wait3A_256] : memref<320000x128xf32, #tpu.memory_space<hbm>> -> memref<40x128xf32, #tpu.memory_space<hbm>>
      tpu.wait_dma2 semaphore(%arg18 : memref<!tpu.dma_semaphore, #tpu.memory_space<semaphore_mem>>) src(%dma_wait3A_257 : memref<40x128xf32, #tpu.memory_space<hbm>>) dst(%arg11 : memref<40x128xf32, #tpu.memory_space<vmem>>)
      %dma_wait3A_258 = arith.constant 0 : i32
      %dma_wait3A_259 = arith.constant 0 : i32
      %dma_wait3A_260 = arith.constant 0 : i32
      %dma_wait3A_261 = tpu.memref_slice %arg8[%dma_wait3A_258, %dma_wait3A_259, %dma_wait3A_260] : memref<2x25x40xi32, #tpu.memory_space<vmem>> -> memref<1x1x40xi32, #tpu.memory_space<vmem>>
      %dma_wait3A_262 = tpu.memref_squeeze %dma_wait3A_261 : memref<1x1x40xi32, #tpu.memory_space<vmem>> -> memref<40xi32, #tpu.memory_space<vmem>>
      %dma_wait3A_263 = arith.constant 0 : i32
      %dma_wait3A_264 = arith.constant 0 : i32
      %dma_wait3A_265 = tpu.memref_slice %arg15[%dma_wait3A_263, %dma_wait3A_264] : memref<10000x128xf32, #tpu.memory_space<vmem_shared>> -> memref<10000x128xf32, #tpu.memory_space<vmem_shared>>
      tpu.wait_indirect_dma semaphore(%arg20 : memref<!tpu.dma_semaphore, #tpu.memory_space<semaphore_mem>>) src(%arg13 : memref<40x128xf32, #tpu.memory_space<vmem>>) dst(%dma_wait3A_265 : memref<10000x128xf32, #tpu.memory_space<vmem_shared>>)
      %parallel_loop3A_266 = arith.constant 0 : i32
      %parallel_loop3A_267 = arith.constant 40 : i32
      %parallel_loop3A_268 = arith.constant 1 : i32
      scf.for %parallel_loop3A_380 = %parallel_loop3A_266 to %parallel_loop3A_267 step %parallel_loop3A_268  : i32 {
        %parallel_loop3A_381 = arith.index_cast %parallel_loop3A_380 : i32 to index
        %parallel_loop3A_382 = arith.constant 0 : index
        %parallel_loop3A_383 = tpu.vector_load %arg9[%parallel_loop3A_381, %parallel_loop3A_382] {strides = array<i32>} : memref<40x128xf32, #tpu.memory_space<vmem>>, vector<1x16xf32>,
        %parallel_loop3A_384 = vector.shape_cast %parallel_loop3A_383 : vector<1x16xf32> to vector<16xf32>
        %parallel_loop3A_385 = arith.index_cast %parallel_loop3A_380 : i32 to index
        %parallel_loop3A_386 = arith.constant 0 : index
        %parallel_loop3A_387 = tpu.vector_load %arg11[%parallel_loop3A_385, %parallel_loop3A_386] {strides = array<i32>} : memref<40x128xf32, #tpu.memory_space<vmem>>, vector<1x16xf32>,
        %parallel_loop3A_388 = vector.shape_cast %parallel_loop3A_387 : vector<1x16xf32> to vector<16xf32>
        %parallel_loop3A_389 = arith.mulf %parallel_loop3A_384, %parallel_loop3A_388 : vector<16xf32>
        %parallel_loop3A_390 = arith.index_cast %parallel_loop3A_380 : i32 to index
        %parallel_loop3A_391 = arith.constant 0 : index
        %parallel_loop3A_392 = tpu.vector_load %arg13[%parallel_loop3A_390, %parallel_loop3A_391] {strides = array<i32>} : memref<40x128xf32, #tpu.memory_space<vmem>>, vector<1x16xf32>,
        %parallel_loop3A_393 = vector.shape_cast %parallel_loop3A_392 : vector<1x16xf32> to vector<16xf32>
        %parallel_loop3A_394 = vector.shape_cast %parallel_loop3A_389 : vector<16xf32> to vector<1x16xf32>
        tpu.vector_store %arg13[%parallel_loop3A_390, %parallel_loop3A_391], %parallel_loop3A_394 {strides = array<i32>} : memref<40x128xf32, #tpu.memory_space<vmem>>, vector<1x16xf32>,
        %parallel_loop3A_395 = arith.index_cast %parallel_loop3A_380 : i32 to index
        %parallel_loop3A_396 = arith.constant 16 : index
        %parallel_loop3A_397 = tpu.vector_load %arg9[%parallel_loop3A_395, %parallel_loop3A_396] {strides = array<i32>} : memref<40x128xf32, #tpu.memory_space<vmem>>, vector<1x16xf32>,
        %parallel_loop3A_398 = vector.shape_cast %parallel_loop3A_397 : vector<1x16xf32> to vector<16xf32>
        %parallel_loop3A_399 = arith.index_cast %parallel_loop3A_380 : i32 to index
        %parallel_loop3A_400 = arith.constant 16 : index
        %parallel_loop3A_401 = tpu.vector_load %arg11[%parallel_loop3A_399, %parallel_loop3A_400] {strides = array<i32>} : memref<40x128xf32, #tpu.memory_space<vmem>>, vector<1x16xf32>,
        %parallel_loop3A_402 = vector.shape_cast %parallel_loop3A_401 : vector<1x16xf32> to vector<16xf32>
        %parallel_loop3A_403 = arith.mulf %parallel_loop3A_398, %parallel_loop3A_402 : vector<16xf32>
        %parallel_loop3A_404 = arith.index_cast %parallel_loop3A_380 : i32 to index
        %parallel_loop3A_405 = arith.constant 16 : index
        %parallel_loop3A_406 = tpu.vector_load %arg13[%parallel_loop3A_404, %parallel_loop3A_405] {strides = array<i32>} : memref<40x128xf32, #tpu.memory_space<vmem>>, vector<1x16xf32>,
        %parallel_loop3A_407 = vector.shape_cast %parallel_loop3A_406 : vector<1x16xf32> to vector<16xf32>
        %parallel_loop3A_408 = vector.shape_cast %parallel_loop3A_403 : vector<16xf32> to vector<1x16xf32>
        tpu.vector_store %arg13[%parallel_loop3A_404, %parallel_loop3A_405], %parallel_loop3A_408 {strides = array<i32>} : memref<40x128xf32, #tpu.memory_space<vmem>>, vector<1x16xf32>,
        %parallel_loop3A_409 = arith.index_cast %parallel_loop3A_380 : i32 to index
        %parallel_loop3A_410 = arith.constant 32 : index
        %parallel_loop3A_411 = tpu.vector_load %arg9[%parallel_loop3A_409, %parallel_loop3A_410] {strides = array<i32>} : memref<40x128xf32, #tpu.memory_space<vmem>>, vector<1x16xf32>,
        %parallel_loop3A_412 = vector.shape_cast %parallel_loop3A_411 : vector<1x16xf32> to vector<16xf32>
        %parallel_loop3A_413 = arith.index_cast %parallel_loop3A_380 : i32 to index
        %parallel_loop3A_414 = arith.constant 32 : index
        %parallel_loop3A_415 = tpu.vector_load %arg11[%parallel_loop3A_413, %parallel_loop3A_414] {strides = array<i32>} : memref<40x128xf32, #tpu.memory_space<vmem>>, vector<1x16xf32>,
        %parallel_loop3A_416 = vector.shape_cast %parallel_loop3A_415 : vector<1x16xf32> to vector<16xf32>
        %parallel_loop3A_417 = arith.mulf %parallel_loop3A_412, %parallel_loop3A_416 : vector<16xf32>
        %parallel_loop3A_418 = arith.index_cast %parallel_loop3A_380 : i32 to index
        %parallel_loop3A_419 = arith.constant 32 : index
        %parallel_loop3A_420 = tpu.vector_load %arg13[%parallel_loop3A_418, %parallel_loop3A_419] {strides = array<i32>} : memref<40x128xf32, #tpu.memory_space<vmem>>, vector<1x16xf32>,
        %parallel_loop3A_421 = vector.shape_cast %parallel_loop3A_420 : vector<1x16xf32> to vector<16xf32>
        %parallel_loop3A_422 = vector.shape_cast %parallel_loop3A_417 : vector<16xf32> to vector<1x16xf32>
        tpu.vector_store %arg13[%parallel_loop3A_418, %parallel_loop3A_419], %parallel_loop3A_422 {strides = array<i32>} : memref<40x128xf32, #tpu.memory_space<vmem>>, vector<1x16xf32>,
        %parallel_loop3A_423 = arith.index_cast %parallel_loop3A_380 : i32 to index
        %parallel_loop3A_424 = arith.constant 48 : index
        %parallel_loop3A_425 = tpu.vector_load %arg9[%parallel_loop3A_423, %parallel_loop3A_424] {strides = array<i32>} : memref<40x128xf32, #tpu.memory_space<vmem>>, vector<1x16xf32>,
        %parallel_loop3A_426 = vector.shape_cast %parallel_loop3A_425 : vector<1x16xf32> to vector<16xf32>
        %parallel_loop3A_427 = arith.index_cast %parallel_loop3A_380 : i32 to index
        %parallel_loop3A_428 = arith.constant 48 : index
        %parallel_loop3A_429 = tpu.vector_load %arg11[%parallel_loop3A_427, %parallel_loop3A_428] {strides = array<i32>} : memref<40x128xf32, #tpu.memory_space<vmem>>, vector<1x16xf32>,
        %parallel_loop3A_430 = vector.shape_cast %parallel_loop3A_429 : vector<1x16xf32> to vector<16xf32>
        %parallel_loop3A_431 = arith.mulf %parallel_loop3A_426, %parallel_loop3A_430 : vector<16xf32>
        %parallel_loop3A_432 = arith.index_cast %parallel_loop3A_380 : i32 to index
        %parallel_loop3A_433 = arith.constant 48 : index
        %parallel_loop3A_434 = tpu.vector_load %arg13[%parallel_loop3A_432, %parallel_loop3A_433] {strides = array<i32>} : memref<40x128xf32, #tpu.memory_space<vmem>>, vector<1x16xf32>,
        %parallel_loop3A_435 = vector.shape_cast %parallel_loop3A_434 : vector<1x16xf32> to vector<16xf32>
        %parallel_loop3A_436 = vector.shape_cast %parallel_loop3A_431 : vector<16xf32> to vector<1x16xf32>
        tpu.vector_store %arg13[%parallel_loop3A_432, %parallel_loop3A_433], %parallel_loop3A_436 {strides = array<i32>} : memref<40x128xf32, #tpu.memory_space<vmem>>, vector<1x16xf32>,
        %parallel_loop3A_437 = arith.index_cast %parallel_loop3A_380 : i32 to index
        %parallel_loop3A_438 = arith.constant 64 : index
        %parallel_loop3A_439 = tpu.vector_load %arg9[%parallel_loop3A_437, %parallel_loop3A_438] {strides = array<i32>} : memref<40x128xf32, #tpu.memory_space<vmem>>, vector<1x16xf32>,
        %parallel_loop3A_440 = vector.shape_cast %parallel_loop3A_439 : vector<1x16xf32> to vector<16xf32>
        %parallel_loop3A_441 = arith.index_cast %parallel_loop3A_380 : i32 to index
        %parallel_loop3A_442 = arith.constant 64 : index
        %parallel_loop3A_443 = tpu.vector_load %arg11[%parallel_loop3A_441, %parallel_loop3A_442] {strides = array<i32>} : memref<40x128xf32, #tpu.memory_space<vmem>>, vector<1x16xf32>,
        %parallel_loop3A_444 = vector.shape_cast %parallel_loop3A_443 : vector<1x16xf32> to vector<16xf32>
        %parallel_loop3A_445 = arith.mulf %parallel_loop3A_440, %parallel_loop3A_444 : vector<16xf32>
        %parallel_loop3A_446 = arith.index_cast %parallel_loop3A_380 : i32 to index
        %parallel_loop3A_447 = arith.constant 64 : index
        %parallel_loop3A_448 = tpu.vector_load %arg13[%parallel_loop3A_446, %parallel_loop3A_447] {strides = array<i32>} : memref<40x128xf32, #tpu.memory_space<vmem>>, vector<1x16xf32>,
        %parallel_loop3A_449 = vector.shape_cast %parallel_loop3A_448 : vector<1x16xf32> to vector<16xf32>
        %parallel_loop3A_450 = vector.shape_cast %parallel_loop3A_445 : vector<16xf32> to vector<1x16xf32>
        tpu.vector_store %arg13[%parallel_loop3A_446, %parallel_loop3A_447], %parallel_loop3A_450 {strides = array<i32>} : memref<40x128xf32, #tpu.memory_space<vmem>>, vector<1x16xf32>,
        %parallel_loop3A_451 = arith.index_cast %parallel_loop3A_380 : i32 to index
        %parallel_loop3A_452 = arith.constant 80 : index
        %parallel_loop3A_453 = tpu.vector_load %arg9[%parallel_loop3A_451, %parallel_loop3A_452] {strides = array<i32>} : memref<40x128xf32, #tpu.memory_space<vmem>>, vector<1x16xf32>,
        %parallel_loop3A_454 = vector.shape_cast %parallel_loop3A_453 : vector<1x16xf32> to vector<16xf32>
        %parallel_loop3A_455 = arith.index_cast %parallel_loop3A_380 : i32 to index
        %parallel_loop3A_456 = arith.constant 80 : index
        %parallel_loop3A_457 = tpu.vector_load %arg11[%parallel_loop3A_455, %parallel_loop3A_456] {strides = array<i32>} : memref<40x128xf32, #tpu.memory_space<vmem>>, vector<1x16xf32>,
        %parallel_loop3A_458 = vector.shape_cast %parallel_loop3A_457 : vector<1x16xf32> to vector<16xf32>
        %parallel_loop3A_459 = arith.mulf %parallel_loop3A_454, %parallel_loop3A_458 : vector<16xf32>
        %parallel_loop3A_460 = arith.index_cast %parallel_loop3A_380 : i32 to index
        %parallel_loop3A_461 = arith.constant 80 : index
        %parallel_loop3A_462 = tpu.vector_load %arg13[%parallel_loop3A_460, %parallel_loop3A_461] {strides = array<i32>} : memref<40x128xf32, #tpu.memory_space<vmem>>, vector<1x16xf32>,
        %parallel_loop3A_463 = vector.shape_cast %parallel_loop3A_462 : vector<1x16xf32> to vector<16xf32>
        %parallel_loop3A_464 = vector.shape_cast %parallel_loop3A_459 : vector<16xf32> to vector<1x16xf32>
        tpu.vector_store %arg13[%parallel_loop3A_460, %parallel_loop3A_461], %parallel_loop3A_464 {strides = array<i32>} : memref<40x128xf32, #tpu.memory_space<vmem>>, vector<1x16xf32>,
        %parallel_loop3A_465 = arith.index_cast %parallel_loop3A_380 : i32 to index
        %parallel_loop3A_466 = arith.constant 96 : index
        %parallel_loop3A_467 = tpu.vector_load %arg9[%parallel_loop3A_465, %parallel_loop3A_466] {strides = array<i32>} : memref<40x128xf32, #tpu.memory_space<vmem>>, vector<1x16xf32>,
        %parallel_loop3A_468 = vector.shape_cast %parallel_loop3A_467 : vector<1x16xf32> to vector<16xf32>
        %parallel_loop3A_469 = arith.index_cast %parallel_loop3A_380 : i32 to index
        %parallel_loop3A_470 = arith.constant 96 : index
        %parallel_loop3A_471 = tpu.vector_load %arg11[%parallel_loop3A_469, %parallel_loop3A_470] {strides = array<i32>} : memref<40x128xf32, #tpu.memory_space<vmem>>, vector<1x16xf32>,
        %parallel_loop3A_472 = vector.shape_cast %parallel_loop3A_471 : vector<1x16xf32> to vector<16xf32>
        %parallel_loop3A_473 = arith.mulf %parallel_loop3A_468, %parallel_loop3A_472 : vector<16xf32>
        %parallel_loop3A_474 = arith.index_cast %parallel_loop3A_380 : i32 to index
        %parallel_loop3A_475 = arith.constant 96 : index
        %parallel_loop3A_476 = tpu.vector_load %arg13[%parallel_loop3A_474, %parallel_loop3A_475] {strides = array<i32>} : memref<40x128xf32, #tpu.memory_space<vmem>>, vector<1x16xf32>,
        %parallel_loop3A_477 = vector.shape_cast %parallel_loop3A_476 : vector<1x16xf32> to vector<16xf32>
        %parallel_loop3A_478 = vector.shape_cast %parallel_loop3A_473 : vector<16xf32> to vector<1x16xf32>
        tpu.vector_store %arg13[%parallel_loop3A_474, %parallel_loop3A_475], %parallel_loop3A_478 {strides = array<i32>} : memref<40x128xf32, #tpu.memory_space<vmem>>, vector<1x16xf32>,
        %parallel_loop3A_479 = arith.index_cast %parallel_loop3A_380 : i32 to index
        %parallel_loop3A_480 = arith.constant 112 : index
        %parallel_loop3A_481 = tpu.vector_load %arg9[%parallel_loop3A_479, %parallel_loop3A_480] {strides = array<i32>} : memref<40x128xf32, #tpu.memory_space<vmem>>, vector<1x16xf32>,
        %parallel_loop3A_482 = vector.shape_cast %parallel_loop3A_481 : vector<1x16xf32> to vector<16xf32>
        %parallel_loop3A_483 = arith.index_cast %parallel_loop3A_380 : i32 to index
        %parallel_loop3A_484 = arith.constant 112 : index
        %parallel_loop3A_485 = tpu.vector_load %arg11[%parallel_loop3A_483, %parallel_loop3A_484] {strides = array<i32>} : memref<40x128xf32, #tpu.memory_space<vmem>>, vector<1x16xf32>,
        %parallel_loop3A_486 = vector.shape_cast %parallel_loop3A_485 : vector<1x16xf32> to vector<16xf32>
        %parallel_loop3A_487 = arith.mulf %parallel_loop3A_482, %parallel_loop3A_486 : vector<16xf32>
        %parallel_loop3A_488 = arith.index_cast %parallel_loop3A_380 : i32 to index
        %parallel_loop3A_489 = arith.constant 112 : index
        %parallel_loop3A_490 = tpu.vector_load %arg13[%parallel_loop3A_488, %parallel_loop3A_489] {strides = array<i32>} : memref<40x128xf32, #tpu.memory_space<vmem>>, vector<1x16xf32>,
        %parallel_loop3A_491 = vector.shape_cast %parallel_loop3A_490 : vector<1x16xf32> to vector<16xf32>
        %parallel_loop3A_492 = vector.shape_cast %parallel_loop3A_487 : vector<16xf32> to vector<1x16xf32>
        tpu.vector_store %arg13[%parallel_loop3A_488, %parallel_loop3A_489], %parallel_loop3A_492 {strides = array<i32>} : memref<40x128xf32, #tpu.memory_space<vmem>>, vector<1x16xf32>,
      } {sc.loop_unroll_factor = 4 : i64, sc.parallel_access}
      %eq3A = arith.constant 0 : i32
      %eq3A_269 = arith.cmpi eq, %rem3A_241, %eq3A : i32
      %add3A_270 = arith.constant 1 : i32
      %add3A_271 = arith.addi %div3A_239, %add3A_270 : i32
      %lt3A = arith.constant 10 : i32
      %lt3A_272 = arith.cmpi slt, %add3A_271, %lt3A : i32
      %and3A = arith.andi %eq3A_269, %lt3A_272 : i1
      %convert_element_type3A = arith.extui %and3A : i1 to i32
      %cond3A = arith.constant 0 : i32
      %cond3A_273 = arith.cmpi ne, %convert_element_type3A, %cond3A : i32
      scf.if %cond3A_273 {
        %add3A_380 = arith.constant 1 : i32
        %add3A_381 = arith.addi %div3A_239, %add3A_380 : i32
        %sub3A = arith.constant 1 : i32
        %sub3A_382 = arith.subi %sub3A, %rem3A_243 : i32
        %dma_start3A_383 = arith.constant 0 : i32
        %dma_start3A_384 = arith.constant 0 : i32
        %dma_start3A_385 = tpu.memref_slice %arg7[%sub3A_382, %dma_start3A_383, %dma_start3A_384] : memref<2x25x40xi32, #tpu.memory_space<vmem>> -> memref<1x25x40xi32, #tpu.memory_space<vmem>>
        %dma_start3A_386 = tpu.memref_squeeze %dma_start3A_385 : memref<1x25x40xi32, #tpu.memory_space<vmem>> -> memref<25x40xi32, #tpu.memory_space<vmem>>
        %dma_start3A_387 = arith.constant 0 : i32
        %dma_start3A_388 = arith.constant 0 : i32
        %dma_start3A_389 = tpu.memref_slice %arg4[%add3A, %add3A_381, %dma_start3A_387, %dma_start3A_388] : memref<32x10x25x40xi32, #tpu.memory_space<hbm>> -> memref<1x1x25x40xi32, #tpu.memory_space<hbm>>
        %dma_start3A_390 = tpu.memref_squeeze %dma_start3A_389 : memref<1x1x25x40xi32, #tpu.memory_space<hbm>> -> memref<25x40xi32, #tpu.memory_space<hbm>>
        %dma_start3A_391 = arith.constant 0 : i32
        %dma_start3A_392 = arith.constant 0 : i32
        %dma_start3A_393 = tpu.memref_slice %arg7[%sub3A_382, %dma_start3A_391, %dma_start3A_392] : memref<2x25x40xi32, #tpu.memory_space<vmem>> -> memref<1x25x40xi32, #tpu.memory_space<vmem>>
        %dma_start3A_394 = tpu.memref_squeeze %dma_start3A_393 : memref<1x25x40xi32, #tpu.memory_space<vmem>> -> memref<25x40xi32, #tpu.memory_space<vmem>>
        %dma_start3A_395 = arith.constant 0 : i32
        %dma_start3A_396 = arith.constant 0 : i32
        %dma_start3A_397 = tpu.memref_slice %arg4[%add3A, %add3A_381, %dma_start3A_395, %dma_start3A_396] : memref<32x10x25x40xi32, #tpu.memory_space<hbm>> -> memref<1x1x25x40xi32, #tpu.memory_space<hbm>>
        %dma_start3A_398 = tpu.memref_squeeze %dma_start3A_397 : memref<1x1x25x40xi32, #tpu.memory_space<hbm>> -> memref<25x40xi32, #tpu.memory_space<hbm>>
        tpu.enqueue_dma source(%dma_start3A_398 : memref<25x40xi32, #tpu.memory_space<hbm>>) target(%dma_start3A_394 : memref<25x40xi32, #tpu.memory_space<vmem>>) target_semaphore(%arg22 : memref<!tpu.dma_semaphore, #tpu.memory_space<semaphore_mem>>)
        %add3A_399 = arith.constant 1 : i32
        %add3A_400 = arith.addi %div3A_239, %add3A_399 : i32
        %sub3A_401 = arith.constant 1 : i32
        %sub3A_402 = arith.subi %sub3A_401, %rem3A_243 : i32
        %dma_start3A_403 = arith.constant 0 : i32
        %dma_start3A_404 = arith.constant 0 : i32
        %dma_start3A_405 = tpu.memref_slice %arg8[%sub3A_402, %dma_start3A_403, %dma_start3A_404] : memref<2x25x40xi32, #tpu.memory_space<vmem>> -> memref<1x25x40xi32, #tpu.memory_space<vmem>>
        %dma_start3A_406 = tpu.memref_squeeze %dma_start3A_405 : memref<1x25x40xi32, #tpu.memory_space<vmem>> -> memref<25x40xi32, #tpu.memory_space<vmem>>
        %dma_start3A_407 = arith.constant 0 : i32
        %dma_start3A_408 = arith.constant 0 : i32
        %dma_start3A_409 = tpu.memref_slice %arg5[%add3A, %add3A_400, %dma_start3A_407, %dma_start3A_408] : memref<32x10x25x40xi32, #tpu.memory_space<hbm>> -> memref<1x1x25x40xi32, #tpu.memory_space<hbm>>
        %dma_start3A_410 = tpu.memref_squeeze %dma_start3A_409 : memref<1x1x25x40xi32, #tpu.memory_space<hbm>> -> memref<25x40xi32, #tpu.memory_space<hbm>>
        %dma_start3A_411 = arith.constant 0 : i32
        %dma_start3A_412 = arith.constant 0 : i32
        %dma_start3A_413 = tpu.memref_slice %arg8[%sub3A_402, %dma_start3A_411, %dma_start3A_412] : memref<2x25x40xi32, #tpu.memory_space<vmem>> -> memref<1x25x40xi32, #tpu.memory_space<vmem>>
        %dma_start3A_414 = tpu.memref_squeeze %dma_start3A_413 : memref<1x25x40xi32, #tpu.memory_space<vmem>> -> memref<25x40xi32, #tpu.memory_space<vmem>>
        %dma_start3A_415 = arith.constant 0 : i32
        %dma_start3A_416 = arith.constant 0 : i32
        %dma_start3A_417 = tpu.memref_slice %arg5[%add3A, %add3A_400, %dma_start3A_415, %dma_start3A_416] : memref<32x10x25x40xi32, #tpu.memory_space<hbm>> -> memref<1x1x25x40xi32, #tpu.memory_space<hbm>>
        %dma_start3A_418 = tpu.memref_squeeze %dma_start3A_417 : memref<1x1x25x40xi32, #tpu.memory_space<hbm>> -> memref<25x40xi32, #tpu.memory_space<hbm>>
        tpu.enqueue_dma source(%dma_start3A_418 : memref<25x40xi32, #tpu.memory_space<hbm>>) target(%dma_start3A_414 : memref<25x40xi32, #tpu.memory_space<vmem>>) target_semaphore(%arg22 : memref<!tpu.dma_semaphore, #tpu.memory_space<semaphore_mem>>)
      } else {
      }
      %eq3A_274 = arith.constant 23 : i32
      %eq3A_275 = arith.cmpi eq, %rem3A_241, %eq3A_274 : i32
      %add3A_276 = arith.constant 1 : i32
      %add3A_277 = arith.addi %div3A_239, %add3A_276 : i32
      %lt3A_278 = arith.constant 10 : i32
      %lt3A_279 = arith.cmpi slt, %add3A_277, %lt3A_278 : i32
      %and3A_280 = arith.andi %eq3A_275, %lt3A_279 : i1
      %convert_element_type3A_281 = arith.extui %and3A_280 : i1 to i32
      %cond3A_282 = arith.constant 0 : i32
      %cond3A_283 = arith.cmpi ne, %convert_element_type3A_281, %cond3A_282 : i32
      scf.if %cond3A_283 {
        %dma_wait3A_380 = arith.constant 0 : i32
        %dma_wait3A_381 = arith.constant 0 : i32
        %dma_wait3A_382 = arith.constant 0 : i32
        %dma_wait3A_383 = arith.constant 0 : i32
        %dma_wait3A_384 = tpu.memref_slice %arg7[%dma_wait3A_381, %dma_wait3A_382, %dma_wait3A_383] : memref<2x25x40xi32, #tpu.memory_space<vmem>> -> memref<1x25x40xi32, #tpu.memory_space<vmem>>
        %dma_wait3A_385 = tpu.memref_squeeze %dma_wait3A_384 : memref<1x25x40xi32, #tpu.memory_space<vmem>> -> memref<25x40xi32, #tpu.memory_space<vmem>>
        %dma_wait3A_386 = arith.constant 0 : i32
        %dma_wait3A_387 = arith.constant 0 : i32
        %dma_wait3A_388 = tpu.memref_slice %arg4[%add3A, %dma_wait3A_380, %dma_wait3A_386, %dma_wait3A_387] : memref<32x10x25x40xi32, #tpu.memory_space<hbm>> -> memref<1x1x25x40xi32, #tpu.memory_space<hbm>>
        %dma_wait3A_389 = tpu.memref_squeeze %dma_wait3A_388 : memref<1x1x25x40xi32, #tpu.memory_space<hbm>> -> memref<25x40xi32, #tpu.memory_space<hbm>>
        %dma_wait3A_390 = arith.constant 0 : i32
        %dma_wait3A_391 = arith.constant 0 : i32
        %dma_wait3A_392 = tpu.memref_slice %arg7[%dma_wait3A_381, %dma_wait3A_390, %dma_wait3A_391] : memref<2x25x40xi32, #tpu.memory_space<vmem>> -> memref<1x25x40xi32, #tpu.memory_space<vmem>>
        %dma_wait3A_393 = tpu.memref_squeeze %dma_wait3A_392 : memref<1x25x40xi32, #tpu.memory_space<vmem>> -> memref<25x40xi32, #tpu.memory_space<vmem>>
        %dma_wait3A_394 = arith.constant 0 : i32
        %dma_wait3A_395 = arith.constant 0 : i32
        %dma_wait3A_396 = tpu.memref_slice %arg4[%add3A, %dma_wait3A_380, %dma_wait3A_394, %dma_wait3A_395] : memref<32x10x25x40xi32, #tpu.memory_space<hbm>> -> memref<1x1x25x40xi32, #tpu.memory_space<hbm>>
        %dma_wait3A_397 = tpu.memref_squeeze %dma_wait3A_396 : memref<1x1x25x40xi32, #tpu.memory_space<hbm>> -> memref<25x40xi32, #tpu.memory_space<hbm>>
        tpu.wait_dma2 semaphore(%arg22 : memref<!tpu.dma_semaphore, #tpu.memory_space<semaphore_mem>>) src(%dma_wait3A_397 : memref<25x40xi32, #tpu.memory_space<hbm>>) dst(%dma_wait3A_393 : memref<25x40xi32, #tpu.memory_space<vmem>>)
        %dma_wait3A_398 = arith.constant 0 : i32
        %dma_wait3A_399 = arith.constant 0 : i32
        %dma_wait3A_400 = arith.constant 0 : i32
        %dma_wait3A_401 = arith.constant 0 : i32
        %dma_wait3A_402 = tpu.memref_slice %arg8[%dma_wait3A_399, %dma_wait3A_400, %dma_wait3A_401] : memref<2x25x40xi32, #tpu.memory_space<vmem>> -> memref<1x25x40xi32, #tpu.memory_space<vmem>>
        %dma_wait3A_403 = tpu.memref_squeeze %dma_wait3A_402 : memref<1x25x40xi32, #tpu.memory_space<vmem>> -> memref<25x40xi32, #tpu.memory_space<vmem>>
        %dma_wait3A_404 = arith.constant 0 : i32
        %dma_wait3A_405 = arith.constant 0 : i32
        %dma_wait3A_406 = tpu.memref_slice %arg5[%add3A, %dma_wait3A_398, %dma_wait3A_404, %dma_wait3A_405] : memref<32x10x25x40xi32, #tpu.memory_space<hbm>> -> memref<1x1x25x40xi32, #tpu.memory_space<hbm>>
        %dma_wait3A_407 = tpu.memref_squeeze %dma_wait3A_406 : memref<1x1x25x40xi32, #tpu.memory_space<hbm>> -> memref<25x40xi32, #tpu.memory_space<hbm>>
        %dma_wait3A_408 = arith.constant 0 : i32
        %dma_wait3A_409 = arith.constant 0 : i32
        %dma_wait3A_410 = tpu.memref_slice %arg8[%dma_wait3A_399, %dma_wait3A_408, %dma_wait3A_409] : memref<2x25x40xi32, #tpu.memory_space<vmem>> -> memref<1x25x40xi32, #tpu.memory_space<vmem>>
        %dma_wait3A_411 = tpu.memref_squeeze %dma_wait3A_410 : memref<1x25x40xi32, #tpu.memory_space<vmem>> -> memref<25x40xi32, #tpu.memory_space<vmem>>
        %dma_wait3A_412 = arith.constant 0 : i32
        %dma_wait3A_413 = arith.constant 0 : i32
        %dma_wait3A_414 = tpu.memref_slice %arg5[%add3A, %dma_wait3A_398, %dma_wait3A_412, %dma_wait3A_413] : memref<32x10x25x40xi32, #tpu.memory_space<hbm>> -> memref<1x1x25x40xi32, #tpu.memory_space<hbm>>
        %dma_wait3A_415 = tpu.memref_squeeze %dma_wait3A_414 : memref<1x1x25x40xi32, #tpu.memory_space<hbm>> -> memref<25x40xi32, #tpu.memory_space<hbm>>
        tpu.wait_dma2 semaphore(%arg22 : memref<!tpu.dma_semaphore, #tpu.memory_space<semaphore_mem>>) src(%dma_wait3A_415 : memref<25x40xi32, #tpu.memory_space<hbm>>) dst(%dma_wait3A_411 : memref<25x40xi32, #tpu.memory_space<vmem>>)
      } else {
      }
      %add3A_284 = arith.constant 2 : i32
      %add3A_285 = arith.addi %add3A_237, %add3A_284 : i32
      %lt3A_286 = arith.constant 250 : i32
      %lt3A_287 = arith.cmpi slt, %add3A_285, %lt3A_286 : i32
      %convert_element_type3A_288 = arith.extui %lt3A_287 : i1 to i32
      %cond3A_289 = arith.constant 0 : i32
      %cond3A_290 = arith.cmpi ne, %convert_element_type3A_288, %cond3A_289 : i32
      scf.if %cond3A_290 {
        %div3A_380 = arith.constant 25 : i32
        %div3A_381 = arith.divsi %add3A_285, %div3A_380 : i32
        %rem3A_382 = arith.constant 25 : i32
        %rem3A_383 = arith.remsi %add3A_285, %rem3A_382 : i32
        %rem3A_384 = arith.constant 2 : i32
        %rem3A_385 = arith.remsi %div3A_381, %rem3A_384 : i32
        %dma_start3A_386 = arith.constant 0 : i32
        %dma_start3A_387 = tpu.memref_slice %arg7[%rem3A_385, %rem3A_383, %dma_start3A_386] : memref<2x25x40xi32, #tpu.memory_space<vmem>> -> memref<1x1x40xi32, #tpu.memory_space<vmem>>
        %dma_start3A_388 = tpu.memref_squeeze %dma_start3A_387 : memref<1x1x40xi32, #tpu.memory_space<vmem>> -> memref<40xi32, #tpu.memory_space<vmem>>
        %dma_start3A_389 = arith.constant 0 : i32
        %dma_start3A_390 = arith.constant 0 : i32
        %dma_start3A_391 = tpu.memref_slice %arg2[%dma_start3A_389, %dma_start3A_390] : memref<10000x128xf32, #tpu.memory_space<hbm>> -> memref<10000x128xf32, #tpu.memory_space<hbm>>
        tpu.enqueue_indirect_dma source(%dma_start3A_391 : memref<10000x128xf32, #tpu.memory_space<hbm>>) target(%arg9 : memref<40x128xf32, #tpu.memory_space<vmem>>) offsets(%dma_start3A_388 : memref<40xi32, #tpu.memory_space<vmem>>) semaphore(%arg16 : memref<!tpu.dma_semaphore, #tpu.memory_space<semaphore_mem>>)
        %mul3A_392 = arith.constant 10000 : i32
        %mul3A_393 = arith.muli %add3A, %mul3A_392 : i32
        %mul3A_394 = arith.constant 40 : i32
        %mul3A_395 = arith.muli %add3A_285, %mul3A_394 : i32
        %add3A_396 = arith.addi %mul3A_393, %mul3A_395 : i32
        %dma_start3A_397 = arith.constant 0 : i32
        %dma_start3A_398 = tpu.memref_slice %arg3[%add3A_396, %dma_start3A_397] : memref<320000x128xf32, #tpu.memory_space<hbm>> -> memref<40x128xf32, #tpu.memory_space<hbm>>
        %dma_start3A_399 = arith.constant 0 : i32
        %dma_start3A_400 = tpu.memref_slice %arg3[%add3A_396, %dma_start3A_399] : memref<320000x128xf32, #tpu.memory_space<hbm>> -> memref<40x128xf32, #tpu.memory_space<hbm>>
        tpu.enqueue_dma source(%dma_start3A_400 : memref<40x128xf32, #tpu.memory_space<hbm>>) target(%arg11 : memref<40x128xf32, #tpu.memory_space<vmem>>) target_semaphore(%arg18 : memref<!tpu.dma_semaphore, #tpu.memory_space<semaphore_mem>>)
      } else {
      }
      %div3A_291 = arith.constant 25 : i32
      %div3A_292 = arith.divsi %add3A_237, %div3A_291 : i32
      %rem3A_293 = arith.constant 25 : i32
      %rem3A_294 = arith.remsi %add3A_237, %rem3A_293 : i32
      %rem3A_295 = arith.constant 2 : i32
      %rem3A_296 = arith.remsi %div3A_292, %rem3A_295 : i32
      %dma_start3A_297 = arith.constant 0 : i32
      %dma_start3A_298 = tpu.memref_slice %arg8[%rem3A_296, %rem3A_294, %dma_start3A_297] : memref<2x25x40xi32, #tpu.memory_space<vmem>> -> memref<1x1x40xi32, #tpu.memory_space<vmem>>
      %dma_start3A_299 = tpu.memref_squeeze %dma_start3A_298 : memref<1x1x40xi32, #tpu.memory_space<vmem>> -> memref<40xi32, #tpu.memory_space<vmem>>
      %dma_start3A_300 = arith.constant 0 : i32
      %dma_start3A_301 = arith.constant 0 : i32
      %dma_start3A_302 = tpu.memref_slice %arg15[%dma_start3A_300, %dma_start3A_301] : memref<10000x128xf32, #tpu.memory_space<vmem_shared>> -> memref<10000x128xf32, #tpu.memory_space<vmem_shared>>
      tpu.enqueue_indirect_dma source(%arg13 : memref<40x128xf32, #tpu.memory_space<vmem>>) target(%dma_start3A_302 : memref<10000x128xf32, #tpu.memory_space<vmem_shared>>) offsets(%dma_start3A_299 : memref<40xi32, #tpu.memory_space<vmem>>) semaphore(%arg20 : memref<!tpu.dma_semaphore, #tpu.memory_space<semaphore_mem>>) {add = true}
      %mul3A_303 = arith.constant 2 : i32
      %mul3A_304 = arith.muli %scan3A_230, %mul3A_303 : i32
      %add3A_305 = arith.constant 2 : i32
      %add3A_306 = arith.addi %add3A_305, %mul3A_304 : i32
      %add3A_307 = arith.constant 1 : i32
      %add3A_308 = arith.addi %add3A_306, %add3A_307 : i32
      %div3A_309 = arith.constant 25 : i32
      %div3A_310 = arith.divsi %add3A_308, %div3A_309 : i32
      %rem3A_311 = arith.constant 25 : i32
      %rem3A_312 = arith.remsi %add3A_308, %rem3A_311 : i32
      %rem3A_313 = arith.constant 2 : i32
      %rem3A_314 = arith.remsi %div3A_310, %rem3A_313 : i32
      %dma_wait3A_315 = arith.constant 0 : i32
      %dma_wait3A_316 = arith.constant 0 : i32
      %dma_wait3A_317 = arith.constant 0 : i32
      %dma_wait3A_318 = tpu.memref_slice %arg7[%dma_wait3A_315, %dma_wait3A_316, %dma_wait3A_317] : memref<2x25x40xi32, #tpu.memory_space<vmem>> -> memref<1x1x40xi32, #tpu.memory_space<vmem>>
      %dma_wait3A_319 = tpu.memref_squeeze %dma_wait3A_318 : memref<1x1x40xi32, #tpu.memory_space<vmem>> -> memref<40xi32, #tpu.memory_space<vmem>>
      %dma_wait3A_320 = arith.constant 0 : i32
      %dma_wait3A_321 = arith.constant 0 : i32
      %dma_wait3A_322 = tpu.memref_slice %arg2[%dma_wait3A_320, %dma_wait3A_321] : memref<10000x128xf32, #tpu.memory_space<hbm>> -> memref<10000x128xf32, #tpu.memory_space<hbm>>
      tpu.wait_indirect_dma semaphore(%arg17 : memref<!tpu.dma_semaphore, #tpu.memory_space<semaphore_mem>>) src(%dma_wait3A_322 : memref<10000x128xf32, #tpu.memory_space<hbm>>) dst(%arg10 : memref<40x128xf32, #tpu.memory_space<vmem>>)
      %dma_wait3A_323 = arith.constant 0 : i32
      %dma_wait3A_324 = arith.constant 0 : i32
      %dma_wait3A_325 = tpu.memref_slice %arg3[%dma_wait3A_323, %dma_wait3A_324] : memref<320000x128xf32, #tpu.memory_space<hbm>> -> memref<40x128xf32, #tpu.memory_space<hbm>>
      %dma_wait3A_326 = arith.constant 0 : i32
      %dma_wait3A_327 = arith.constant 0 : i32
      %dma_wait3A_328 = tpu.memref_slice %arg3[%dma_wait3A_326, %dma_wait3A_327] : memref<320000x128xf32, #tpu.memory_space<hbm>> -> memref<40x128xf32, #tpu.memory_space<hbm>>
      tpu.wait_dma2 semaphore(%arg19 : memref<!tpu.dma_semaphore, #tpu.memory_space<semaphore_mem>>) src(%dma_wait3A_328 : memref<40x128xf32, #tpu.memory_space<hbm>>) dst(%arg12 : memref<40x128xf32, #tpu.memory_space<vmem>>)
      %dma_wait3A_329 = arith.constant 0 : i32
      %dma_wait3A_330 = arith.constant 0 : i32
      %dma_wait3A_331 = arith.constant 0 : i32
      %dma_wait3A_332 = tpu.memref_slice %arg8[%dma_wait3A_329, %dma_wait3A_330, %dma_wait3A_331] : memref<2x25x40xi32, #tpu.memory_space<vmem>> -> memref<1x1x40xi32, #tpu.memory_space<vmem>>
      %dma_wait3A_333 = tpu.memref_squeeze %dma_wait3A_332 : memref<1x1x40xi32, #tpu.memory_space<vmem>> -> memref<40xi32, #tpu.memory_space<vmem>>
      %dma_wait3A_334 = arith.constant 0 : i32
      %dma_wait3A_335 = arith.constant 0 : i32
      %dma_wait3A_336 = tpu.memref_slice %arg15[%dma_wait3A_334, %dma_wait3A_335] : memref<10000x128xf32, #tpu.memory_space<vmem_shared>> -> memref<10000x128xf32, #tpu.memory_space<vmem_shared>>
      tpu.wait_indirect_dma semaphore(%arg21 : memref<!tpu.dma_semaphore, #tpu.memory_space<semaphore_mem>>) src(%arg14 : memref<40x128xf32, #tpu.memory_space<vmem>>) dst(%dma_wait3A_336 : memref<10000x128xf32, #tpu.memory_space<vmem_shared>>)
      %parallel_loop3A_337 = arith.constant 0 : i32
      %parallel_loop3A_338 = arith.constant 40 : i32
      %parallel_loop3A_339 = arith.constant 1 : i32
      scf.for %parallel_loop3A_380 = %parallel_loop3A_337 to %parallel_loop3A_338 step %parallel_loop3A_339  : i32 {
        %parallel_loop3A_381 = arith.index_cast %parallel_loop3A_380 : i32 to index
        %parallel_loop3A_382 = arith.constant 0 : index
        %parallel_loop3A_383 = tpu.vector_load %arg10[%parallel_loop3A_381, %parallel_loop3A_382] {strides = array<i32>} : memref<40x128xf32, #tpu.memory_space<vmem>>, vector<1x16xf32>,
        %parallel_loop3A_384 = vector.shape_cast %parallel_loop3A_383 : vector<1x16xf32> to vector<16xf32>
        %parallel_loop3A_385 = arith.index_cast %parallel_loop3A_380 : i32 to index
        %parallel_loop3A_386 = arith.constant 0 : index
        %parallel_loop3A_387 = tpu.vector_load %arg12[%parallel_loop3A_385, %parallel_loop3A_386] {strides = array<i32>} : memref<40x128xf32, #tpu.memory_space<vmem>>, vector<1x16xf32>,
        %parallel_loop3A_388 = vector.shape_cast %parallel_loop3A_387 : vector<1x16xf32> to vector<16xf32>
        %parallel_loop3A_389 = arith.mulf %parallel_loop3A_384, %parallel_loop3A_388 : vector<16xf32>
        %parallel_loop3A_390 = arith.index_cast %parallel_loop3A_380 : i32 to index
        %parallel_loop3A_391 = arith.constant 0 : index
        %parallel_loop3A_392 = tpu.vector_load %arg14[%parallel_loop3A_390, %parallel_loop3A_391] {strides = array<i32>} : memref<40x128xf32, #tpu.memory_space<vmem>>, vector<1x16xf32>,
        %parallel_loop3A_393 = vector.shape_cast %parallel_loop3A_392 : vector<1x16xf32> to vector<16xf32>
        %parallel_loop3A_394 = vector.shape_cast %parallel_loop3A_389 : vector<16xf32> to vector<1x16xf32>
        tpu.vector_store %arg14[%parallel_loop3A_390, %parallel_loop3A_391], %parallel_loop3A_394 {strides = array<i32>} : memref<40x128xf32, #tpu.memory_space<vmem>>, vector<1x16xf32>,
        %parallel_loop3A_395 = arith.index_cast %parallel_loop3A_380 : i32 to index
        %parallel_loop3A_396 = arith.constant 16 : index
        %parallel_loop3A_397 = tpu.vector_load %arg10[%parallel_loop3A_395, %parallel_loop3A_396] {strides = array<i32>} : memref<40x128xf32, #tpu.memory_space<vmem>>, vector<1x16xf32>,
        %parallel_loop3A_398 = vector.shape_cast %parallel_loop3A_397 : vector<1x16xf32> to vector<16xf32>
        %parallel_loop3A_399 = arith.index_cast %parallel_loop3A_380 : i32 to index
        %parallel_loop3A_400 = arith.constant 16 : index
        %parallel_loop3A_401 = tpu.vector_load %arg12[%parallel_loop3A_399, %parallel_loop3A_400] {strides = array<i32>} : memref<40x128xf32, #tpu.memory_space<vmem>>, vector<1x16xf32>,
        %parallel_loop3A_402 = vector.shape_cast %parallel_loop3A_401 : vector<1x16xf32> to vector<16xf32>
        %parallel_loop3A_403 = arith.mulf %parallel_loop3A_398, %parallel_loop3A_402 : vector<16xf32>
        %parallel_loop3A_404 = arith.index_cast %parallel_loop3A_380 : i32 to index
        %parallel_loop3A_405 = arith.constant 16 : index
        %parallel_loop3A_406 = tpu.vector_load %arg14[%parallel_loop3A_404, %parallel_loop3A_405] {strides = array<i32>} : memref<40x128xf32, #tpu.memory_space<vmem>>, vector<1x16xf32>,
        %parallel_loop3A_407 = vector.shape_cast %parallel_loop3A_406 : vector<1x16xf32> to vector<16xf32>
        %parallel_loop3A_408 = vector.shape_cast %parallel_loop3A_403 : vector<16xf32> to vector<1x16xf32>
        tpu.vector_store %arg14[%parallel_loop3A_404, %parallel_loop3A_405], %parallel_loop3A_408 {strides = array<i32>} : memref<40x128xf32, #tpu.memory_space<vmem>>, vector<1x16xf32>,
        %parallel_loop3A_409 = arith.index_cast %parallel_loop3A_380 : i32 to index
        %parallel_loop3A_410 = arith.constant 32 : index
        %parallel_loop3A_411 = tpu.vector_load %arg10[%parallel_loop3A_409, %parallel_loop3A_410] {strides = array<i32>} : memref<40x128xf32, #tpu.memory_space<vmem>>, vector<1x16xf32>,
        %parallel_loop3A_412 = vector.shape_cast %parallel_loop3A_411 : vector<1x16xf32> to vector<16xf32>
        %parallel_loop3A_413 = arith.index_cast %parallel_loop3A_380 : i32 to index
        %parallel_loop3A_414 = arith.constant 32 : index
        %parallel_loop3A_415 = tpu.vector_load %arg12[%parallel_loop3A_413, %parallel_loop3A_414] {strides = array<i32>} : memref<40x128xf32, #tpu.memory_space<vmem>>, vector<1x16xf32>,
        %parallel_loop3A_416 = vector.shape_cast %parallel_loop3A_415 : vector<1x16xf32> to vector<16xf32>
        %parallel_loop3A_417 = arith.mulf %parallel_loop3A_412, %parallel_loop3A_416 : vector<16xf32>
        %parallel_loop3A_418 = arith.index_cast %parallel_loop3A_380 : i32 to index
        %parallel_loop3A_419 = arith.constant 32 : index
        %parallel_loop3A_420 = tpu.vector_load %arg14[%parallel_loop3A_418, %parallel_loop3A_419] {strides = array<i32>} : memref<40x128xf32, #tpu.memory_space<vmem>>, vector<1x16xf32>,
        %parallel_loop3A_421 = vector.shape_cast %parallel_loop3A_420 : vector<1x16xf32> to vector<16xf32>
        %parallel_loop3A_422 = vector.shape_cast %parallel_loop3A_417 : vector<16xf32> to vector<1x16xf32>
        tpu.vector_store %arg14[%parallel_loop3A_418, %parallel_loop3A_419], %parallel_loop3A_422 {strides = array<i32>} : memref<40x128xf32, #tpu.memory_space<vmem>>, vector<1x16xf32>,
        %parallel_loop3A_423 = arith.index_cast %parallel_loop3A_380 : i32 to index
        %parallel_loop3A_424 = arith.constant 48 : index
        %parallel_loop3A_425 = tpu.vector_load %arg10[%parallel_loop3A_423, %parallel_loop3A_424] {strides = array<i32>} : memref<40x128xf32, #tpu.memory_space<vmem>>, vector<1x16xf32>,
        %parallel_loop3A_426 = vector.shape_cast %parallel_loop3A_425 : vector<1x16xf32> to vector<16xf32>
        %parallel_loop3A_427 = arith.index_cast %parallel_loop3A_380 : i32 to index
        %parallel_loop3A_428 = arith.constant 48 : index
        %parallel_loop3A_429 = tpu.vector_load %arg12[%parallel_loop3A_427, %parallel_loop3A_428] {strides = array<i32>} : memref<40x128xf32, #tpu.memory_space<vmem>>, vector<1x16xf32>,
        %parallel_loop3A_430 = vector.shape_cast %parallel_loop3A_429 : vector<1x16xf32> to vector<16xf32>
        %parallel_loop3A_431 = arith.mulf %parallel_loop3A_426, %parallel_loop3A_430 : vector<16xf32>
        %parallel_loop3A_432 = arith.index_cast %parallel_loop3A_380 : i32 to index
        %parallel_loop3A_433 = arith.constant 48 : index
        %parallel_loop3A_434 = tpu.vector_load %arg14[%parallel_loop3A_432, %parallel_loop3A_433] {strides = array<i32>} : memref<40x128xf32, #tpu.memory_space<vmem>>, vector<1x16xf32>,
        %parallel_loop3A_435 = vector.shape_cast %parallel_loop3A_434 : vector<1x16xf32> to vector<16xf32>
        %parallel_loop3A_436 = vector.shape_cast %parallel_loop3A_431 : vector<16xf32> to vector<1x16xf32>
        tpu.vector_store %arg14[%parallel_loop3A_432, %parallel_loop3A_433], %parallel_loop3A_436 {strides = array<i32>} : memref<40x128xf32, #tpu.memory_space<vmem>>, vector<1x16xf32>,
        %parallel_loop3A_437 = arith.index_cast %parallel_loop3A_380 : i32 to index
        %parallel_loop3A_438 = arith.constant 64 : index
        %parallel_loop3A_439 = tpu.vector_load %arg10[%parallel_loop3A_437, %parallel_loop3A_438] {strides = array<i32>} : memref<40x128xf32, #tpu.memory_space<vmem>>, vector<1x16xf32>,
        %parallel_loop3A_440 = vector.shape_cast %parallel_loop3A_439 : vector<1x16xf32> to vector<16xf32>
        %parallel_loop3A_441 = arith.index_cast %parallel_loop3A_380 : i32 to index
        %parallel_loop3A_442 = arith.constant 64 : index
        %parallel_loop3A_443 = tpu.vector_load %arg12[%parallel_loop3A_441, %parallel_loop3A_442] {strides = array<i32>} : memref<40x128xf32, #tpu.memory_space<vmem>>, vector<1x16xf32>,
        %parallel_loop3A_444 = vector.shape_cast %parallel_loop3A_443 : vector<1x16xf32> to vector<16xf32>
        %parallel_loop3A_445 = arith.mulf %parallel_loop3A_440, %parallel_loop3A_444 : vector<16xf32>
        %parallel_loop3A_446 = arith.index_cast %parallel_loop3A_380 : i32 to index
        %parallel_loop3A_447 = arith.constant 64 : index
        %parallel_loop3A_448 = tpu.vector_load %arg14[%parallel_loop3A_446, %parallel_loop3A_447] {strides = array<i32>} : memref<40x128xf32, #tpu.memory_space<vmem>>, vector<1x16xf32>,
        %parallel_loop3A_449 = vector.shape_cast %parallel_loop3A_448 : vector<1x16xf32> to vector<16xf32>
        %parallel_loop3A_450 = vector.shape_cast %parallel_loop3A_445 : vector<16xf32> to vector<1x16xf32>
        tpu.vector_store %arg14[%parallel_loop3A_446, %parallel_loop3A_447], %parallel_loop3A_450 {strides = array<i32>} : memref<40x128xf32, #tpu.memory_space<vmem>>, vector<1x16xf32>,
        %parallel_loop3A_451 = arith.index_cast %parallel_loop3A_380 : i32 to index
        %parallel_loop3A_452 = arith.constant 80 : index
        %parallel_loop3A_453 = tpu.vector_load %arg10[%parallel_loop3A_451, %parallel_loop3A_452] {strides = array<i32>} : memref<40x128xf32, #tpu.memory_space<vmem>>, vector<1x16xf32>,
        %parallel_loop3A_454 = vector.shape_cast %parallel_loop3A_453 : vector<1x16xf32> to vector<16xf32>
        %parallel_loop3A_455 = arith.index_cast %parallel_loop3A_380 : i32 to index
        %parallel_loop3A_456 = arith.constant 80 : index
        %parallel_loop3A_457 = tpu.vector_load %arg12[%parallel_loop3A_455, %parallel_loop3A_456] {strides = array<i32>} : memref<40x128xf32, #tpu.memory_space<vmem>>, vector<1x16xf32>,
        %parallel_loop3A_458 = vector.shape_cast %parallel_loop3A_457 : vector<1x16xf32> to vector<16xf32>
        %parallel_loop3A_459 = arith.mulf %parallel_loop3A_454, %parallel_loop3A_458 : vector<16xf32>
        %parallel_loop3A_460 = arith.index_cast %parallel_loop3A_380 : i32 to index
        %parallel_loop3A_461 = arith.constant 80 : index
        %parallel_loop3A_462 = tpu.vector_load %arg14[%parallel_loop3A_460, %parallel_loop3A_461] {strides = array<i32>} : memref<40x128xf32, #tpu.memory_space<vmem>>, vector<1x16xf32>,
        %parallel_loop3A_463 = vector.shape_cast %parallel_loop3A_462 : vector<1x16xf32> to vector<16xf32>
        %parallel_loop3A_464 = vector.shape_cast %parallel_loop3A_459 : vector<16xf32> to vector<1x16xf32>
        tpu.vector_store %arg14[%parallel_loop3A_460, %parallel_loop3A_461], %parallel_loop3A_464 {strides = array<i32>} : memref<40x128xf32, #tpu.memory_space<vmem>>, vector<1x16xf32>,
        %parallel_loop3A_465 = arith.index_cast %parallel_loop3A_380 : i32 to index
        %parallel_loop3A_466 = arith.constant 96 : index
        %parallel_loop3A_467 = tpu.vector_load %arg10[%parallel_loop3A_465, %parallel_loop3A_466] {strides = array<i32>} : memref<40x128xf32, #tpu.memory_space<vmem>>, vector<1x16xf32>,
        %parallel_loop3A_468 = vector.shape_cast %parallel_loop3A_467 : vector<1x16xf32> to vector<16xf32>
        %parallel_loop3A_469 = arith.index_cast %parallel_loop3A_380 : i32 to index
        %parallel_loop3A_470 = arith.constant 96 : index
        %parallel_loop3A_471 = tpu.vector_load %arg12[%parallel_loop3A_469, %parallel_loop3A_470] {strides = array<i32>} : memref<40x128xf32, #tpu.memory_space<vmem>>, vector<1x16xf32>,
        %parallel_loop3A_472 = vector.shape_cast %parallel_loop3A_471 : vector<1x16xf32> to vector<16xf32>
        %parallel_loop3A_473 = arith.mulf %parallel_loop3A_468, %parallel_loop3A_472 : vector<16xf32>
        %parallel_loop3A_474 = arith.index_cast %parallel_loop3A_380 : i32 to index
        %parallel_loop3A_475 = arith.constant 96 : index
        %parallel_loop3A_476 = tpu.vector_load %arg14[%parallel_loop3A_474, %parallel_loop3A_475] {strides = array<i32>} : memref<40x128xf32, #tpu.memory_space<vmem>>, vector<1x16xf32>,
        %parallel_loop3A_477 = vector.shape_cast %parallel_loop3A_476 : vector<1x16xf32> to vector<16xf32>
        %parallel_loop3A_478 = vector.shape_cast %parallel_loop3A_473 : vector<16xf32> to vector<1x16xf32>
        tpu.vector_store %arg14[%parallel_loop3A_474, %parallel_loop3A_475], %parallel_loop3A_478 {strides = array<i32>} : memref<40x128xf32, #tpu.memory_space<vmem>>, vector<1x16xf32>,
        %parallel_loop3A_479 = arith.index_cast %parallel_loop3A_380 : i32 to index
        %parallel_loop3A_480 = arith.constant 112 : index
        %parallel_loop3A_481 = tpu.vector_load %arg10[%parallel_loop3A_479, %parallel_loop3A_480] {strides = array<i32>} : memref<40x128xf32, #tpu.memory_space<vmem>>, vector<1x16xf32>,
        %parallel_loop3A_482 = vector.shape_cast %parallel_loop3A_481 : vector<1x16xf32> to vector<16xf32>
        %parallel_loop3A_483 = arith.index_cast %parallel_loop3A_380 : i32 to index
        %parallel_loop3A_484 = arith.constant 112 : index
        %parallel_loop3A_485 = tpu.vector_load %arg12[%parallel_loop3A_483, %parallel_loop3A_484] {strides = array<i32>} : memref<40x128xf32, #tpu.memory_space<vmem>>, vector<1x16xf32>,
        %parallel_loop3A_486 = vector.shape_cast %parallel_loop3A_485 : vector<1x16xf32> to vector<16xf32>
        %parallel_loop3A_487 = arith.mulf %parallel_loop3A_482, %parallel_loop3A_486 : vector<16xf32>
        %parallel_loop3A_488 = arith.index_cast %parallel_loop3A_380 : i32 to index
        %parallel_loop3A_489 = arith.constant 112 : index
        %parallel_loop3A_490 = tpu.vector_load %arg14[%parallel_loop3A_488, %parallel_loop3A_489] {strides = array<i32>} : memref<40x128xf32, #tpu.memory_space<vmem>>, vector<1x16xf32>,
        %parallel_loop3A_491 = vector.shape_cast %parallel_loop3A_490 : vector<1x16xf32> to vector<16xf32>
        %parallel_loop3A_492 = vector.shape_cast %parallel_loop3A_487 : vector<16xf32> to vector<1x16xf32>
        tpu.vector_store %arg14[%parallel_loop3A_488, %parallel_loop3A_489], %parallel_loop3A_492 {strides = array<i32>} : memref<40x128xf32, #tpu.memory_space<vmem>>, vector<1x16xf32>,
      } {sc.loop_unroll_factor = 4 : i64, sc.parallel_access}
      %eq3A_340 = arith.constant 0 : i32
      %eq3A_341 = arith.cmpi eq, %rem3A_312, %eq3A_340 : i32
      %add3A_342 = arith.constant 1 : i32
      %add3A_343 = arith.addi %div3A_310, %add3A_342 : i32
      %lt3A_344 = arith.constant 10 : i32
      %lt3A_345 = arith.cmpi slt, %add3A_343, %lt3A_344 : i32
      %and3A_346 = arith.andi %eq3A_341, %lt3A_345 : i1
      %convert_element_type3A_347 = arith.extui %and3A_346 : i1 to i32
      %cond3A_348 = arith.constant 0 : i32
      %cond3A_349 = arith.cmpi ne, %convert_element_type3A_347, %cond3A_348 : i32
      scf.if %cond3A_349 {
        %add3A_380 = arith.constant 1 : i32
        %add3A_381 = arith.addi %div3A_310, %add3A_380 : i32
        %sub3A = arith.constant 1 : i32
        %sub3A_382 = arith.subi %sub3A, %rem3A_314 : i32
        %dma_start3A_383 = arith.constant 0 : i32
        %dma_start3A_384 = arith.constant 0 : i32
        %dma_start3A_385 = tpu.memref_slice %arg7[%sub3A_382, %dma_start3A_383, %dma_start3A_384] : memref<2x25x40xi32, #tpu.memory_space<vmem>> -> memref<1x25x40xi32, #tpu.memory_space<vmem>>
        %dma_start3A_386 = tpu.memref_squeeze %dma_start3A_385 : memref<1x25x40xi32, #tpu.memory_space<vmem>> -> memref<25x40xi32, #tpu.memory_space<vmem>>
        %dma_start3A_387 = arith.constant 0 : i32
        %dma_start3A_388 = arith.constant 0 : i32
        %dma_start3A_389 = tpu.memref_slice %arg4[%add3A, %add3A_381, %dma_start3A_387, %dma_start3A_388] : memref<32x10x25x40xi32, #tpu.memory_space<hbm>> -> memref<1x1x25x40xi32, #tpu.memory_space<hbm>>
        %dma_start3A_390 = tpu.memref_squeeze %dma_start3A_389 : memref<1x1x25x40xi32, #tpu.memory_space<hbm>> -> memref<25x40xi32, #tpu.memory_space<hbm>>
        %dma_start3A_391 = arith.constant 0 : i32
        %dma_start3A_392 = arith.constant 0 : i32
        %dma_start3A_393 = tpu.memref_slice %arg7[%sub3A_382, %dma_start3A_391, %dma_start3A_392] : memref<2x25x40xi32, #tpu.memory_space<vmem>> -> memref<1x25x40xi32, #tpu.memory_space<vmem>>
        %dma_start3A_394 = tpu.memref_squeeze %dma_start3A_393 : memref<1x25x40xi32, #tpu.memory_space<vmem>> -> memref<25x40xi32, #tpu.memory_space<vmem>>
        %dma_start3A_395 = arith.constant 0 : i32
        %dma_start3A_396 = arith.constant 0 : i32
        %dma_start3A_397 = tpu.memref_slice %arg4[%add3A, %add3A_381, %dma_start3A_395, %dma_start3A_396] : memref<32x10x25x40xi32, #tpu.memory_space<hbm>> -> memref<1x1x25x40xi32, #tpu.memory_space<hbm>>
        %dma_start3A_398 = tpu.memref_squeeze %dma_start3A_397 : memref<1x1x25x40xi32, #tpu.memory_space<hbm>> -> memref<25x40xi32, #tpu.memory_space<hbm>>
        tpu.enqueue_dma source(%dma_start3A_398 : memref<25x40xi32, #tpu.memory_space<hbm>>) target(%dma_start3A_394 : memref<25x40xi32, #tpu.memory_space<vmem>>) target_semaphore(%arg22 : memref<!tpu.dma_semaphore, #tpu.memory_space<semaphore_mem>>)
        %add3A_399 = arith.constant 1 : i32
        %add3A_400 = arith.addi %div3A_310, %add3A_399 : i32
        %sub3A_401 = arith.constant 1 : i32
        %sub3A_402 = arith.subi %sub3A_401, %rem3A_314 : i32
        %dma_start3A_403 = arith.constant 0 : i32
        %dma_start3A_404 = arith.constant 0 : i32
        %dma_start3A_405 = tpu.memref_slice %arg8[%sub3A_402, %dma_start3A_403, %dma_start3A_404] : memref<2x25x40xi32, #tpu.memory_space<vmem>> -> memref<1x25x40xi32, #tpu.memory_space<vmem>>
        %dma_start3A_406 = tpu.memref_squeeze %dma_start3A_405 : memref<1x25x40xi32, #tpu.memory_space<vmem>> -> memref<25x40xi32, #tpu.memory_space<vmem>>
        %dma_start3A_407 = arith.constant 0 : i32
        %dma_start3A_408 = arith.constant 0 : i32
        %dma_start3A_409 = tpu.memref_slice %arg5[%add3A, %add3A_400, %dma_start3A_407, %dma_start3A_408] : memref<32x10x25x40xi32, #tpu.memory_space<hbm>> -> memref<1x1x25x40xi32, #tpu.memory_space<hbm>>
        %dma_start3A_410 = tpu.memref_squeeze %dma_start3A_409 : memref<1x1x25x40xi32, #tpu.memory_space<hbm>> -> memref<25x40xi32, #tpu.memory_space<hbm>>
        %dma_start3A_411 = arith.constant 0 : i32
        %dma_start3A_412 = arith.constant 0 : i32
        %dma_start3A_413 = tpu.memref_slice %arg8[%sub3A_402, %dma_start3A_411, %dma_start3A_412] : memref<2x25x40xi32, #tpu.memory_space<vmem>> -> memref<1x25x40xi32, #tpu.memory_space<vmem>>
        %dma_start3A_414 = tpu.memref_squeeze %dma_start3A_413 : memref<1x25x40xi32, #tpu.memory_space<vmem>> -> memref<25x40xi32, #tpu.memory_space<vmem>>
        %dma_start3A_415 = arith.constant 0 : i32
        %dma_start3A_416 = arith.constant 0 : i32
        %dma_start3A_417 = tpu.memref_slice %arg5[%add3A, %add3A_400, %dma_start3A_415, %dma_start3A_416] : memref<32x10x25x40xi32, #tpu.memory_space<hbm>> -> memref<1x1x25x40xi32, #tpu.memory_space<hbm>>
        %dma_start3A_418 = tpu.memref_squeeze %dma_start3A_417 : memref<1x1x25x40xi32, #tpu.memory_space<hbm>> -> memref<25x40xi32, #tpu.memory_space<hbm>>
        tpu.enqueue_dma source(%dma_start3A_418 : memref<25x40xi32, #tpu.memory_space<hbm>>) target(%dma_start3A_414 : memref<25x40xi32, #tpu.memory_space<vmem>>) target_semaphore(%arg22 : memref<!tpu.dma_semaphore, #tpu.memory_space<semaphore_mem>>)
      } else {
      }
      %eq3A_350 = arith.constant 23 : i32
      %eq3A_351 = arith.cmpi eq, %rem3A_312, %eq3A_350 : i32
      %add3A_352 = arith.constant 1 : i32
      %add3A_353 = arith.addi %div3A_310, %add3A_352 : i32
      %lt3A_354 = arith.constant 10 : i32
      %lt3A_355 = arith.cmpi slt, %add3A_353, %lt3A_354 : i32
      %and3A_356 = arith.andi %eq3A_351, %lt3A_355 : i1
      %convert_element_type3A_357 = arith.extui %and3A_356 : i1 to i32
      %cond3A_358 = arith.constant 0 : i32
      %cond3A_359 = arith.cmpi ne, %convert_element_type3A_357, %cond3A_358 : i32
      scf.if %cond3A_359 {
        %dma_wait3A_380 = arith.constant 0 : i32
        %dma_wait3A_381 = arith.constant 0 : i32
        %dma_wait3A_382 = arith.constant 0 : i32
        %dma_wait3A_383 = arith.constant 0 : i32
        %dma_wait3A_384 = tpu.memref_slice %arg7[%dma_wait3A_381, %dma_wait3A_382, %dma_wait3A_383] : memref<2x25x40xi32, #tpu.memory_space<vmem>> -> memref<1x25x40xi32, #tpu.memory_space<vmem>>
        %dma_wait3A_385 = tpu.memref_squeeze %dma_wait3A_384 : memref<1x25x40xi32, #tpu.memory_space<vmem>> -> memref<25x40xi32, #tpu.memory_space<vmem>>
        %dma_wait3A_386 = arith.constant 0 : i32
        %dma_wait3A_387 = arith.constant 0 : i32
        %dma_wait3A_388 = tpu.memref_slice %arg4[%add3A, %dma_wait3A_380, %dma_wait3A_386, %dma_wait3A_387] : memref<32x10x25x40xi32, #tpu.memory_space<hbm>> -> memref<1x1x25x40xi32, #tpu.memory_space<hbm>>
        %dma_wait3A_389 = tpu.memref_squeeze %dma_wait3A_388 : memref<1x1x25x40xi32, #tpu.memory_space<hbm>> -> memref<25x40xi32, #tpu.memory_space<hbm>>
        %dma_wait3A_390 = arith.constant 0 : i32
        %dma_wait3A_391 = arith.constant 0 : i32
        %dma_wait3A_392 = tpu.memref_slice %arg7[%dma_wait3A_381, %dma_wait3A_390, %dma_wait3A_391] : memref<2x25x40xi32, #tpu.memory_space<vmem>> -> memref<1x25x40xi32, #tpu.memory_space<vmem>>
        %dma_wait3A_393 = tpu.memref_squeeze %dma_wait3A_392 : memref<1x25x40xi32, #tpu.memory_space<vmem>> -> memref<25x40xi32, #tpu.memory_space<vmem>>
        %dma_wait3A_394 = arith.constant 0 : i32
        %dma_wait3A_395 = arith.constant 0 : i32
        %dma_wait3A_396 = tpu.memref_slice %arg4[%add3A, %dma_wait3A_380, %dma_wait3A_394, %dma_wait3A_395] : memref<32x10x25x40xi32, #tpu.memory_space<hbm>> -> memref<1x1x25x40xi32, #tpu.memory_space<hbm>>
        %dma_wait3A_397 = tpu.memref_squeeze %dma_wait3A_396 : memref<1x1x25x40xi32, #tpu.memory_space<hbm>> -> memref<25x40xi32, #tpu.memory_space<hbm>>
        tpu.wait_dma2 semaphore(%arg22 : memref<!tpu.dma_semaphore, #tpu.memory_space<semaphore_mem>>) src(%dma_wait3A_397 : memref<25x40xi32, #tpu.memory_space<hbm>>) dst(%dma_wait3A_393 : memref<25x40xi32, #tpu.memory_space<vmem>>)
        %dma_wait3A_398 = arith.constant 0 : i32
        %dma_wait3A_399 = arith.constant 0 : i32
        %dma_wait3A_400 = arith.constant 0 : i32
        %dma_wait3A_401 = arith.constant 0 : i32
        %dma_wait3A_402 = tpu.memref_slice %arg8[%dma_wait3A_399, %dma_wait3A_400, %dma_wait3A_401] : memref<2x25x40xi32, #tpu.memory_space<vmem>> -> memref<1x25x40xi32, #tpu.memory_space<vmem>>
        %dma_wait3A_403 = tpu.memref_squeeze %dma_wait3A_402 : memref<1x25x40xi32, #tpu.memory_space<vmem>> -> memref<25x40xi32, #tpu.memory_space<vmem>>
        %dma_wait3A_404 = arith.constant 0 : i32
        %dma_wait3A_405 = arith.constant 0 : i32
        %dma_wait3A_406 = tpu.memref_slice %arg5[%add3A, %dma_wait3A_398, %dma_wait3A_404, %dma_wait3A_405] : memref<32x10x25x40xi32, #tpu.memory_space<hbm>> -> memref<1x1x25x40xi32, #tpu.memory_space<hbm>>
        %dma_wait3A_407 = tpu.memref_squeeze %dma_wait3A_406 : memref<1x1x25x40xi32, #tpu.memory_space<hbm>> -> memref<25x40xi32, #tpu.memory_space<hbm>>
        %dma_wait3A_408 = arith.constant 0 : i32
        %dma_wait3A_409 = arith.constant 0 : i32
        %dma_wait3A_410 = tpu.memref_slice %arg8[%dma_wait3A_399, %dma_wait3A_408, %dma_wait3A_409] : memref<2x25x40xi32, #tpu.memory_space<vmem>> -> memref<1x25x40xi32, #tpu.memory_space<vmem>>
        %dma_wait3A_411 = tpu.memref_squeeze %dma_wait3A_410 : memref<1x25x40xi32, #tpu.memory_space<vmem>> -> memref<25x40xi32, #tpu.memory_space<vmem>>
        %dma_wait3A_412 = arith.constant 0 : i32
        %dma_wait3A_413 = arith.constant 0 : i32
        %dma_wait3A_414 = tpu.memref_slice %arg5[%add3A, %dma_wait3A_398, %dma_wait3A_412, %dma_wait3A_413] : memref<32x10x25x40xi32, #tpu.memory_space<hbm>> -> memref<1x1x25x40xi32, #tpu.memory_space<hbm>>
        %dma_wait3A_415 = tpu.memref_squeeze %dma_wait3A_414 : memref<1x1x25x40xi32, #tpu.memory_space<hbm>> -> memref<25x40xi32, #tpu.memory_space<hbm>>
        tpu.wait_dma2 semaphore(%arg22 : memref<!tpu.dma_semaphore, #tpu.memory_space<semaphore_mem>>) src(%dma_wait3A_415 : memref<25x40xi32, #tpu.memory_space<hbm>>) dst(%dma_wait3A_411 : memref<25x40xi32, #tpu.memory_space<vmem>>)
      } else {
      }
      %add3A_360 = arith.constant 2 : i32
      %add3A_361 = arith.addi %add3A_308, %add3A_360 : i32
      %lt3A_362 = arith.constant 250 : i32
      %lt3A_363 = arith.cmpi slt, %add3A_361, %lt3A_362 : i32
      %convert_element_type3A_364 = arith.extui %lt3A_363 : i1 to i32
      %cond3A_365 = arith.constant 0 : i32
      %cond3A_366 = arith.cmpi ne, %convert_element_type3A_364, %cond3A_365 : i32
      scf.if %cond3A_366 {
        %div3A_380 = arith.constant 25 : i32
        %div3A_381 = arith.divsi %add3A_361, %div3A_380 : i32
        %rem3A_382 = arith.constant 25 : i32
        %rem3A_383 = arith.remsi %add3A_361, %rem3A_382 : i32
        %rem3A_384 = arith.constant 2 : i32
        %rem3A_385 = arith.remsi %div3A_381, %rem3A_384 : i32
        %dma_start3A_386 = arith.constant 0 : i32
        %dma_start3A_387 = tpu.memref_slice %arg7[%rem3A_385, %rem3A_383, %dma_start3A_386] : memref<2x25x40xi32, #tpu.memory_space<vmem>> -> memref<1x1x40xi32, #tpu.memory_space<vmem>>
        %dma_start3A_388 = tpu.memref_squeeze %dma_start3A_387 : memref<1x1x40xi32, #tpu.memory_space<vmem>> -> memref<40xi32, #tpu.memory_space<vmem>>
        %dma_start3A_389 = arith.constant 0 : i32
        %dma_start3A_390 = arith.constant 0 : i32
        %dma_start3A_391 = tpu.memref_slice %arg2[%dma_start3A_389, %dma_start3A_390] : memref<10000x128xf32, #tpu.memory_space<hbm>> -> memref<10000x128xf32, #tpu.memory_space<hbm>>
        tpu.enqueue_indirect_dma source(%dma_start3A_391 : memref<10000x128xf32, #tpu.memory_space<hbm>>) target(%arg10 : memref<40x128xf32, #tpu.memory_space<vmem>>) offsets(%dma_start3A_388 : memref<40xi32, #tpu.memory_space<vmem>>) semaphore(%arg17 : memref<!tpu.dma_semaphore, #tpu.memory_space<semaphore_mem>>)
        %mul3A_392 = arith.constant 10000 : i32
        %mul3A_393 = arith.muli %add3A, %mul3A_392 : i32
        %mul3A_394 = arith.constant 40 : i32
        %mul3A_395 = arith.muli %add3A_361, %mul3A_394 : i32
        %add3A_396 = arith.addi %mul3A_393, %mul3A_395 : i32
        %dma_start3A_397 = arith.constant 0 : i32
        %dma_start3A_398 = tpu.memref_slice %arg3[%add3A_396, %dma_start3A_397] : memref<320000x128xf32, #tpu.memory_space<hbm>> -> memref<40x128xf32, #tpu.memory_space<hbm>>
        %dma_start3A_399 = arith.constant 0 : i32
        %dma_start3A_400 = tpu.memref_slice %arg3[%add3A_396, %dma_start3A_399] : memref<320000x128xf32, #tpu.memory_space<hbm>> -> memref<40x128xf32, #tpu.memory_space<hbm>>
        tpu.enqueue_dma source(%dma_start3A_400 : memref<40x128xf32, #tpu.memory_space<hbm>>) target(%arg12 : memref<40x128xf32, #tpu.memory_space<vmem>>) target_semaphore(%arg19 : memref<!tpu.dma_semaphore, #tpu.memory_space<semaphore_mem>>)
      } else {
      }
      %div3A_367 = arith.constant 25 : i32
      %div3A_368 = arith.divsi %add3A_308, %div3A_367 : i32
      %rem3A_369 = arith.constant 25 : i32
      %rem3A_370 = arith.remsi %add3A_308, %rem3A_369 : i32
      %rem3A_371 = arith.constant 2 : i32
      %rem3A_372 = arith.remsi %div3A_368, %rem3A_371 : i32
      %dma_start3A_373 = arith.constant 0 : i32
      %dma_start3A_374 = tpu.memref_slice %arg8[%rem3A_372, %rem3A_370, %dma_start3A_373] : memref<2x25x40xi32, #tpu.memory_space<vmem>> -> memref<1x1x40xi32, #tpu.memory_space<vmem>>
      %dma_start3A_375 = tpu.memref_squeeze %dma_start3A_374 : memref<1x1x40xi32, #tpu.memory_space<vmem>> -> memref<40xi32, #tpu.memory_space<vmem>>
      %dma_start3A_376 = arith.constant 0 : i32
      %dma_start3A_377 = arith.constant 0 : i32
      %dma_start3A_378 = tpu.memref_slice %arg15[%dma_start3A_376, %dma_start3A_377] : memref<10000x128xf32, #tpu.memory_space<vmem_shared>> -> memref<10000x128xf32, #tpu.memory_space<vmem_shared>>
      tpu.enqueue_indirect_dma source(%arg14 : memref<40x128xf32, #tpu.memory_space<vmem>>) target(%dma_start3A_378 : memref<10000x128xf32, #tpu.memory_space<vmem_shared>>) offsets(%dma_start3A_375 : memref<40xi32, #tpu.memory_space<vmem>>) semaphore(%arg21 : memref<!tpu.dma_semaphore, #tpu.memory_space<semaphore_mem>>) {add = true}
      %scan3A_379 = arith.constant 0 : i32
      scf.yield %scan3A_379 : i32
    }
    %scan3A_205 = arith.constant 124 : i32
    %dma_wait3A_206 = arith.constant 0 : i32
    %dma_wait3A_207 = arith.constant 0 : i32
    %dma_wait3A_208 = arith.constant 0 : i32
    %dma_wait3A_209 = tpu.memref_slice %arg8[%dma_wait3A_206, %dma_wait3A_207, %dma_wait3A_208] : memref<2x25x40xi32, #tpu.memory_space<vmem>> -> memref<1x1x40xi32, #tpu.memory_space<vmem>>
    %dma_wait3A_210 = tpu.memref_squeeze %dma_wait3A_209 : memref<1x1x40xi32, #tpu.memory_space<vmem>> -> memref<40xi32, #tpu.memory_space<vmem>>
    %dma_wait3A_211 = arith.constant 0 : i32
    %dma_wait3A_212 = arith.constant 0 : i32
    %dma_wait3A_213 = tpu.memref_slice %arg15[%dma_wait3A_211, %dma_wait3A_212] : memref<10000x128xf32, #tpu.memory_space<vmem_shared>> -> memref<10000x128xf32, #tpu.memory_space<vmem_shared>>
    tpu.wait_indirect_dma semaphore(%arg20 : memref<!tpu.dma_semaphore, #tpu.memory_space<semaphore_mem>>) src(%arg13 : memref<40x128xf32, #tpu.memory_space<vmem>>) dst(%dma_wait3A_213 : memref<10000x128xf32, #tpu.memory_space<vmem_shared>>)
    %dma_wait3A_214 = arith.constant 0 : i32
    %dma_wait3A_215 = arith.constant 0 : i32
    %dma_wait3A_216 = arith.constant 0 : i32
    %dma_wait3A_217 = tpu.memref_slice %arg8[%dma_wait3A_214, %dma_wait3A_215, %dma_wait3A_216] : memref<2x25x40xi32, #tpu.memory_space<vmem>> -> memref<1x1x40xi32, #tpu.memory_space<vmem>>
    %dma_wait3A_218 = tpu.memref_squeeze %dma_wait3A_217 : memref<1x1x40xi32, #tpu.memory_space<vmem>> -> memref<40xi32, #tpu.memory_space<vmem>>
    %dma_wait3A_219 = arith.constant 0 : i32
    %dma_wait3A_220 = arith.constant 0 : i32
    %dma_wait3A_221 = tpu.memref_slice %arg15[%dma_wait3A_219, %dma_wait3A_220] : memref<10000x128xf32, #tpu.memory_space<vmem_shared>> -> memref<10000x128xf32, #tpu.memory_space<vmem_shared>>
    tpu.wait_indirect_dma semaphore(%arg21 : memref<!tpu.dma_semaphore, #tpu.memory_space<semaphore_mem>>) src(%arg14 : memref<40x128xf32, #tpu.memory_space<vmem>>) dst(%dma_wait3A_221 : memref<10000x128xf32, #tpu.memory_space<vmem_shared>>)
    %barrier3A_222 = arith.constant 0 : index
    tpu.barrier barrier_id(%barrier3A_222)
    %scan3A_223 = arith.constant 0 : i32
    %scan3A_224 = arith.constant 0 : i32
    %scan3A_225 = arith.constant 16 : i32
    %scan3A_226 = arith.addi %scan3A_224, %scan3A_225 : i32
    %scan3A_227 = arith.constant 1 : i32
    %scan3A_228 = scf.for %scan3A_230 = %scan3A_224 to %scan3A_226 step %scan3A_227 iter_args(%scan3A_231 = %scan3A_223) -> (i32)  : i32 {
      %mul3A_232 = arith.constant 16 : i32
      %mul3A_233 = arith.muli %scan3A_230, %mul3A_232 : i32
      %add3A_234 = arith.addi %mul3A_233, %arg1 : i32
      %lt3A = arith.constant 250 : i32
      %lt3A_235 = arith.cmpi slt, %add3A_234, %lt3A : i32
      %convert_element_type3A = arith.extui %lt3A_235 : i1 to i32
      %cond3A = arith.constant 0 : i32
      %cond3A_236 = arith.cmpi ne, %convert_element_type3A, %cond3A : i32
      scf.if %cond3A_236 {
        %mul3A_238 = arith.constant 40 : i32
        %mul3A_239 = arith.muli %add3A_234, %mul3A_238 : i32
        %mul3A_240 = arith.constant 40 : i32
        %mul3A_241 = arith.muli %add3A_234, %mul3A_240 : i32
        "tpu.region"() ({
          %run_scoped3A_242 = tpu.sem_alloc : memref<!tpu.dma_semaphore, #tpu.memory_space<semaphore_mem>>
          %dma_start3A_243 = arith.constant 0 : i32
          %dma_start3A_244 = tpu.memref_slice %arg6[%arg0, %mul3A_241, %dma_start3A_243] : memref<2x10000x128xf32, #tpu.memory_space<hbm>> -> memref<1x40x128xf32, #tpu.memory_space<hbm>>
          %dma_start3A_245 = tpu.memref_squeeze %dma_start3A_244 : memref<1x40x128xf32, #tpu.memory_space<hbm>> -> memref<40x128xf32, #tpu.memory_space<hbm>>
          %dma_start3A_246 = arith.constant 0 : i32
          %dma_start3A_247 = tpu.memref_slice %arg15[%mul3A_239, %dma_start3A_246] : memref<10000x128xf32, #tpu.memory_space<vmem_shared>> -> memref<40x128xf32, #tpu.memory_space<vmem_shared>>
          tpu.enqueue_dma source(%dma_start3A_247 : memref<40x128xf32, #tpu.memory_space<vmem_shared>>) target(%dma_start3A_245 : memref<40x128xf32, #tpu.memory_space<hbm>>) target_semaphore(%run_scoped3A_242 : memref<!tpu.dma_semaphore, #tpu.memory_space<semaphore_mem>>)
          %dma_wait3A_248 = arith.constant 0 : i32
          %dma_wait3A_249 = tpu.memref_slice %arg6[%arg0, %mul3A_241, %dma_wait3A_248] : memref<2x10000x128xf32, #tpu.memory_space<hbm>> -> memref<1x40x128xf32, #tpu.memory_space<hbm>>
          %dma_wait3A_250 = tpu.memref_squeeze %dma_wait3A_249 : memref<1x40x128xf32, #tpu.memory_space<hbm>> -> memref<40x128xf32, #tpu.memory_space<hbm>>
          %dma_wait3A_251 = arith.constant 0 : i32
          %dma_wait3A_252 = tpu.memref_slice %arg15[%mul3A_239, %dma_wait3A_251] : memref<10000x128xf32, #tpu.memory_space<vmem_shared>> -> memref<40x128xf32, #tpu.memory_space<vmem_shared>>
          tpu.wait_dma2 semaphore(%run_scoped3A_242 : memref<!tpu.dma_semaphore, #tpu.memory_space<semaphore_mem>>) src(%dma_wait3A_252 : memref<40x128xf32, #tpu.memory_space<vmem_shared>>) dst(%dma_wait3A_250 : memref<40x128xf32, #tpu.memory_space<hbm>>)
          tpu.yield
        }) : () -> ()
      } else {
      }
      %scan3A_237 = arith.constant 0 : i32
      scf.yield %scan3A_237 : i32
    }
    %scan3A_229 = arith.constant 16 : i32
    return
  }
}

module attributes {stable_mosaic.version = 14 : i64} {
  func.func @body(%arg0: i32, %arg1: memref<2x2000x128xf32, #tpu.memory_space<vmem>>, %arg2: memref<2000x128xf32, #tpu.memory_space<vmem>>) attributes {dimension_semantics = [#tpu.dimension_semantics<arbitrary>], iteration_bounds = array<i64: 5>, scalar_prefetch = 0 : i64, scratch_operands = 0 : i64, tpu.core_type = #tpu.core_type<tc>, window_params = [{transform_indices = @transform_0, window_bounds = array<i64: 2, 2000, 128>}, {transform_indices = @transform_1, window_bounds = array<i64: 2000, 128>}]} {
    %get3A = arith.constant 0 : index
    %get3A_0 = arith.constant 0 : index
    %get3A_1 = arith.constant 0 : index
    %get3A_2 = vector.load %arg1[%get3A, %get3A_0, %get3A_1] : memref<2x2000x128xf32, #tpu.memory_space<vmem>>, vector<1x2000x128xf32>
    %get3A_3 = vector.shape_cast %get3A_2 : vector<1x2000x128xf32> to vector<2000x128xf32>
    %get3A_4 = arith.constant 1 : index
    %get3A_5 = arith.constant 0 : index
    %get3A_6 = arith.constant 0 : index
    %get3A_7 = vector.load %arg1[%get3A_4, %get3A_5, %get3A_6] : memref<2x2000x128xf32, #tpu.memory_space<vmem>>, vector<1x2000x128xf32>
    %get3A_8 = vector.shape_cast %get3A_7 : vector<1x2000x128xf32> to vector<2000x128xf32>
    %add3A = arith.addf %get3A_3, %get3A_8 : vector<2000x128xf32>
    %swap3A = arith.constant 0 : index
    %swap3A_9 = arith.constant 0 : index
    %swap3A_10 = vector.load %arg2[%swap3A, %swap3A_9] : memref<2000x128xf32, #tpu.memory_space<vmem>>, vector<2000x128xf32>
    tpu.vector_store %arg2[%swap3A, %swap3A_9], %add3A {strides = array<i32>} : memref<2000x128xf32, #tpu.memory_space<vmem>>, vector<2000x128xf32>,
    return
  }
  func.func @transform_0(%arg0: i32) -> (i32, i32, i32) {
    %c0_i32 = arith.constant 0 : i32
    %c0_i32_0 = arith.constant 0 : i32
    %c0_i32_1 = arith.constant 0 : i32
    return %c0_i32, %arg0, %c0_i32_0 : i32, i32, i32
  }
  func.func @transform_1(%arg0: i32) -> (i32, i32) {
    %c0_i32 = arith.constant 0 : i32
    %c0_i32_0 = arith.constant 0 : i32
    return %arg0, %c0_i32 : i32, i32
  }
}

</mosaic_0001>

<sc_bundles>
// kernel: kernel.4.cloned.1.call-start
scs
__scs_entry_jumppad:
0x0: {  	(pc) =	sbr.rel $0x88, $3  }
0x1: {  	(tag) =	ssettag $0x0;
	lr =	simm.s32 $0x1  }
0x2: {  	[smem:$0x3F9D] =	sst lr;
	_ =	strace $0xD0000000  }
0x3: {  	_ = 	snop  }
0x4: {  	_ = 	snop  }
0x5: {  	_ = 	snop  }
0x6: {  	_ = 	snop  }
0x7: {  	_ = 	snop  }
__scs_overlays_trampoline_lowered:
0x8: {  	[smem:$0x3FAC] =	sst s0  }
0x9: {  	[smem:$0x3FAD] =	sst s1  }
0xa: {  	[smem:$0x3FAE] =	sst s2  }
0xb: {  	[smem:$0x3FAF] =	sst s3  }
0xc: {  	[smem:$0x3FB0] =	sst s4  }
0xd: {  	[smem:$0x3FB1] =	sst s5  }
0xe: {  	[smem:$0x3FB2] =	sst s6  }
0xf: {  	[smem:$0x3FB3] =	sst s7  }
0x10: {  	[smem:$0x3FB4] =	sst s8  }
0x11: {  	[smem:$0x3FB5] =	sst s9;
	s0 =	simm.s32 @!p0 $0x0  }
0x12: {  	s1 =	sld [smem:$0x3F9B];
	s0 =	simm.s32 @p0 $0x1  }
0x13: {  	[smem:$0x3FB6] =	sst s0;
	s0 =	simm.s32 @!p1 $0x0  }
0x14: {  	s2 =	sld [smem:$0x3F9A];
	s0 =	simm.s32 @p1 $0x1  }
0x15: {  	[smem:$0x3FB7] =	sst s0;
	s0 =	simm.s32 @!p2 $0x0  }
0x16: {  	s3 =	sld [smem:$0x3FDB];
	s0 =	simm.s32 @p2 $0x1  }
0x17: {  	s4 =	simm.s32 $0x1BF5;
	[smem:$0x3FB9] =	sst s0  }
0x18: {  	s0 =	sld [smem:$0x3F9C];
	_ =	swait.ge [sflag:s4], $0x0  }
0x19: {  	s7 =	sld [smem:$0x3F9D]  }
0x1a: {  	s8 =	sadd.s32 $0xFFFFE003, lr  }
0x1b: {  	s9 =	sadd.s32 $0xFFFFFEF7, lr;
	s5 =	simm.s32 $0xFFFFFFFF;
	p2 =	slt.u32 s8, $0xFFFFF086  }
0x1c: {  	p1 =	slt.u32 s9, $0xF7A;
	s5 =	simm.s32 @!p2 $0x0  }
0x1d: {  	s5 =	simm.s32 @p1 $0x1;
	p0 =	seq.s32 s7, s2  }
0x1e: {  	s7 =	smul.u32 @!p0 $0xF7A, s2;
	p2 =	seq.s32 @!p0 s5, $0x0  }
0x1f: {  	s9 =	smul.u32 $0xF7A, s1;
	s8 =	simm.s32 @!p0 $0x1BF5;
	p2 =	por !p2, p0  }
0x20: {  	[sflag:s8] =	ssyncset.s32 @!p0 $0xFFFFF086;
	s6 =	sadd.s32 @!p0 s3, s7;
	s7 =	simm.s32 @!p0 $0x108  }
0x21: {  	s3 =	sadd.s32 s3, s9;
	s6 =	sadd.s32 @!p0 $0x88, s6;
	s7 =	simm.s32 @p2 $0x1082  }
0x22: {  	[simem:s7], [sflag:s8] =	dma.local @!p0 [hbm:s6], $0xF7A  }
0x23: {  	s9 =	sor.u32 $0xD0000000, s2;
	s6 =	simm.s32 $0x108;
	_ =	swait.ge @!p0 [sflag:s8], $0x0  }
0x24: {  	s3 =	sadd.s32 $0x88, s3;
	s6 =	simm.s32 @!p1 $0x1082;
	[sflag:s4] =	ssyncset.s32 $0xFFFFF086  }
0x25: {  	[simem:s6], [sflag:s4] =	dma.local [hbm:s3], $0xF7A  }
0x26: {  	[smem:$0x3F9D] =	sst s1;
	(tag) =	ssettag s2;
	_ =	strace s9  }
0x27: {  	s1 =	sld [smem:$0x3FAD]  }
0x28: {  	s2 =	sld [smem:$0x3FAE]  }
0x29: {  	s4 =	sld [smem:$0x3FB0]  }
0x2a: {  	p0 =	seq.s32 s5, $0x0;
	s5 =	sld [smem:$0x3FB1]  }
0x2b: {  	s6 =	sld [smem:$0x3FB2]  }
0x2c: {  	s7 =	sld [smem:$0x3FB3]  }
0x2d: {  	s3 =	simm.s32 $0x108;
	s8 =	sld [smem:$0x3FB4]  }
0x2e: {  	s3 =	simm.s32 @!p0 $0x1082;
	s9 =	sld [smem:$0x3FB5]  }
0x2f: {  	lr =	sadd.s32 s0, s3;
	s0 =	sld [smem:$0x3FAC]  }
0x30: {  	s3 =	sld [smem:$0x3FAF]  }
0x31: {  	[smem:$0x3FB8] =	sst s10  }
0x32: {  	s10 =	sld [smem:$0x3FB6];
	_ =	sdelay $0x3  }
0x33: {  	p0 =	seq.s32 s10, $0x1;
	s10 =	sld [smem:$0x3FB8];
	_ =	sdelay $0x3  }
0x34: {  	[smem:$0x3FB8] =	sst s10  }
0x35: {  	s10 =	sld [smem:$0x3FB7];
	_ =	sdelay $0x3  }
0x36: {  	p1 =	seq.s32 s10, $0x1;
	s10 =	sld [smem:$0x3FB8];
	_ =	sdelay $0x3  }
0x37: {  	[smem:$0x3FB8] =	sst s10  }
0x38: {  	s10 =	sld [smem:$0x3FB9]  }
0x39: {  	_ = 	snop;
	(pc) =	sbr.ind lr, $3  }
0x3a: {  	_ = 	snop  }
0x3b: {  	_ = 	snop  }
0x3c: {  	p2 =	seq.s32 s10, $0x1;
	s10 =	sld [smem:$0x3FB8]  }
0x3d: {  	_ =	shalt  }
0x3e: {  	_ =	shalt  }
0x3f: {  	_ =	shalt  }
0x40: {  	_ =	shalt  }
0x41: {  	_ =	shalt  }
0x42: {  	_ =	shalt  }
0x43: {  	_ =	shalt  }
0x44: {  	_ =	shalt  }
0x45: {  	_ =	shalt  }
0x46: {  	_ =	shalt  }
0x47: {  	_ =	shalt  }
0x48: {  	_ =	shalt  }
0x49: {  	_ =	shalt  }
0x4a: {  	_ =	shalt  }
0x4b: {  	_ =	shalt  }
0x4c: {  	_ =	shalt  }
0x4d: {  	_ =	shalt  }
0x4e: {  	_ =	shalt  }
0x4f: {  	_ =	shalt  }
0x50: {  	_ =	shalt  }
0x51: {  	_ =	shalt  }
0x52: {  	_ =	shalt  }
0x53: {  	_ =	shalt  }
0x54: {  	_ =	shalt  }
0x55: {  	_ =	shalt  }
0x56: {  	_ =	shalt  }
0x57: {  	_ =	shalt  }
0x58: {  	_ =	shalt  }
0x59: {  	_ =	shalt  }
0x5a: {  	_ =	shalt  }
0x5b: {  	_ =	shalt  }
0x5c: {  	_ =	shalt  }
0x5d: {  	_ =	shalt  }
0x5e: {  	_ =	shalt  }
0x5f: {  	_ =	shalt  }
0x60: {  	_ =	shalt  }
0x61: {  	_ =	shalt  }
0x62: {  	_ =	shalt  }
0x63: {  	_ =	shalt  }
0x64: {  	_ =	shalt  }
0x65: {  	_ =	shalt  }
0x66: {  	_ =	shalt  }
0x67: {  	_ =	shalt  }
0x68: {  	_ =	shalt  }
0x69: {  	_ =	shalt  }
0x6a: {  	_ =	shalt  }
0x6b: {  	_ =	shalt  }
0x6c: {  	_ =	shalt  }
0x6d: {  	_ =	shalt  }
0x6e: {  	_ =	shalt  }
0x6f: {  	_ =	shalt  }
0x70: {  	_ =	shalt  }
0x71: {  	_ =	shalt  }
0x72: {  	_ =	shalt  }
0x73: {  	_ =	shalt  }
0x74: {  	_ =	shalt  }
0x75: {  	_ =	shalt  }
0x76: {  	_ =	shalt  }
0x77: {  	_ =	shalt  }
0x78: {  	_ =	shalt  }
0x79: {  	_ =	shalt  }
0x7a: {  	_ =	shalt  }
0x7b: {  	_ =	shalt  }
0x7c: {  	_ =	shalt  }
0x7d: {  	_ =	shalt  }
0x7e: {  	_ =	shalt  }
0x7f: {  	_ =	shalt  }
0x80: {  	_ =	shalt  }
0x81: {  	_ =	shalt  }
0x82: {  	_ =	shalt  }
0x83: {  	_ =	shalt  }
0x84: {  	_ =	shalt  }
0x85: {  	_ =	shalt  }
0x86: {  	_ =	shalt  }
0x87: {  	_ =	shalt  }
.Lfunc_end0:
.L_simem_size_0:
called_computation_lowered:
.L_overlay_start_0:
0x88: {  	s2 =	sld [smem:$0x3FD9]  }
0x89: {  	s3 =	sld [smem:$0x3FFE];
	_ =	sdelay $0x1  }
0x8a: {  	s1 =	srdreg.scid  }
0x8b: {  	s0 =	sand.u32 $0x1, s1  }
0x8c: {  	s17 =	sshll.u32 s0, $0xA;
	s2 =	sadd.s32 s3, s2  }
0x8d: {  	s2 =	sadd.s32 s2, s17  }
0x8e: {  	[smem:$0x3FC4] =	sst s2  }
0x8f: {  	_ = 	snop  }
0x90: {  	s2 =	sld [smem:$0x3FC9]  }
0x91: {  	s18 =	sld [smem:$0x3FC8];
	(tm) =	ssettm $0x1  }
0x92: {  	s4 =	sld [smem:$0x3FFB];
	_ =	sdelay $0x3  }
0x93: {  	_ =	strace s4  }
0x94: {  	s4 =	sld [smem:$0x3FFC];
	_ =	sdelay $0x3  }
0x95: {  	_ =	strace s4  }
0x96: {  	s4 =	sld [smem:$0x3FFD];
	_ =	sdelay $0x3  }
0x97: {  	_ =	strace s4  }
0x98: {  	_ =	strace $0x8FFFFFFF  }
0x99: {  	s19 =	sld [smem:$0x3FDB];
	_ =	sdelay $0x1  }
0x9a: {  	s5 =	simm.s32 $_scs_section_size  }
0x9b: {  	s6 =	simm.s32 $_size__tile_overlayer_lowered;
	s7 =	simm.s32 $_tile_overlayer_lowered  }
0x9c: {  	s22 =	simm.s32 $0x1BFF;
	s21 =	sshll.u32 s7, $0x1;
	s4 =	sadd.s32 s5, s19  }
0x9d: {  	s8 =	simm.s32 $0x0;
	s20 =	sshll.u32 s6, $0x1;
	s6 =	sadd.s32 s21, s4  }
0x9e: {  	[timem:s8], [sflag:s22] =	dma.local [hbm:s6], s20  }
0x9f: {  	_ =	swait.ge [sflag:s22], s20  }
0xa0: {  	s5 =	ssub.s32 $0x0, s20;
	[sflag:s22] =	ssyncset.done $0x0  }
0xa1: {  	[sflag:s22] =	ssyncadd.s32 s5;
	_ =	sdelay $0x1  }
0xa2: {  	s23 =	simm.s32 $0x1B8B  }
0xa3: {  	_ =	swait.ge [sflag:s23], $0x1  }
0xa4: {  	[sflag:s23] =	ssyncset.done $0x0  }
0xa5: {  	s25 =	simm.s32 $0x1B8E;
	s24 =	sld [smem:$0x3FFE];
	[sflag:s23] =	ssyncadd.s32 $0xFFFFFFFF  }
0xa6: {  	s26 =	simm.s32 $execute0_lowered;
	[smem:$0x3FD2] =	sst s25  }
0xa7: {  	s6 =	sshll.u32 s26, $0x1;
	_ =	strace $0x80000046;
	[dreg:$0x1] =	wrdreg $0xFFFFFFFF  }
0xa8: {  	s28 =	simm.s32 $_size_execute0_lowered;
	s4 =	sadd.s32 s4, s6;
	[dreg:$0x0] =	wrdreg $0x0  }
0xa9: {  	s6 =	sshll.u32 s28, $0x1;
	[dreg:$0x2] =	wrdreg s4  }
0xaa: {  	[dreg:$0x3] =	wrdreg s6  }
0xab: {  	[dreg:$0x4] =	wrdreg $0xC0  }
0xac: {  	_ =	task [dreg:s8], $0x5FFFF  }
0xad: {  	[dreg:$0x1] =	wrdreg $0xFFFFFFFF  }
0xae: {  	[dreg:$0x0] =	wrdreg $0x60  }
0xaf: {  	[dreg:$0x2] =	wrdreg s2  }
0xb0: {  	[dreg:$0x3] =	wrdreg s18  }
0xb1: {  	[dreg:$0x4] =	wrdreg s24  }
0xb2: {  	[dreg:$0x5] =	wrdreg $0xB8000  }
0xb3: {  	[dreg:$0x6] =	wrdreg $0x9  }
0xb4: {  	_ =	task.clear_ibuf [dreg:s8], $0x7FFFF;
	_ =	strace $0x90000046  }
0xb5: {  	s29 =	simm.s32 $0x9;
	_ =	strace $0x80000048  }
0xb6: {  	_ =	swait.ge [sflag:s29], $0x1  }
0xb7: {  	[sflag:s29] =	ssyncadd.s32 $0xFFFFFFFF  }
0xb8: {  	_ =	strace $0x90000048  }
0xb9: {  	_ =	sfence  }
0xba: {  	s30 =	sld [smem:$0x0];
	_ =	sdelay $0x2  }
0xbb: {  	s31 =	sshll.u32 s1, $0xD;
	s1 =	sshrl.u32 s1, $0x2  }
0xbc: {  	s3 =	sand.u32 $0x4000, s31;
	s1 =	sadd.s32 s1, s30  }
0xbd: {  	s0 =	sor.u32 s3, s0;
	s1 =	sshll.u32 s1, $0x11  }
0xbe: {  	s0 =	sor.u32 s1, s0  }
0xbf: {  	s0 =	sadd.s32 $0x8F2B, s0  }
0xc0: {  	[sflag:s0] =	ssyncadd.remote.s32 $0x1  }
0xc1: {  	_ =	sfence.sel $0xFFFF  }
0xc2: {  	[dreg:$0x0] =	wrdreg $0xFFFFFFFF;
	(pc) =	sbr.abs _section_cstart, $3  }
0xc3: {  	[dreg:$0x1] =	wrdreg $0xFFFFFFFF  }
0xc4: {  	_ =	task.clear_ibuf [dreg:s8], $0x2FFFF;
	_ =	strace $0x9FFFFFFF  }
0xc5: {  	(tm) =	ssettm $0x7FFFFFFF  }
tec
execute0_lowered:
.L_overlay_start_1:
0x0: {  	(tag) =	ssettag $0x1  }
0x1: {  	s1 =	rddreg [dreg:$0x0]  }
0x2: {  	s2 =	rddreg [dreg:$0x1]  }
0x3: {  	s0 =	rddreg [dreg:$0x2]  }
0x4: {  	s3 =	rddreg [dreg:$0x3];
	s4 =	srdreg.scid;
	s5 =	simm.s32 $0x0  }
0x5: {  	s28 =	simm.s32 $0x6800;
	s29 =	simm.s32 $0x9000;
	s30 =	simm.s32 $0x5  }
0x6: {  	s31 =	simm.s32 $0x7;
	s7 =	sand.u32 $0x1, s4;
	s4 =	stileid.u32  }
0x7: {  	[smem:$0x7FF] =	sst s5;
	s6 =	sadd.s32 $0x800, s0;
	s8 =	smul.u32 $0x138800, s7  }
0x8: {  	s9 =	smul.u32 $0x1400, s4;
	_ =	strace $0x80000047;
	s10 =	sshll.u32 s7, $0x4  }
0x9: {  	s15 =	ssub.s32 $0x2, s7;
	s14 =	smul.u32 $0x5000, s4;
	s26 =	sor.u32 s4, s10  }
0xa: {  	s7 =	sadd.s32 $0x28800, s0;
	s8 =	sadd.s32 s9, s8;
	s11 =	smul.u32 $0xA000, s26  }
0xb: {  	s16 =	sshrl.u32 s15, $0x1;
	s20 =	smul.u32 $0x27100, s26;
	s8 =	sshrl.u32 s8, $0x3  }
0xc: {  	s12 =	smul.u32 $0x138800, s26;
	s9 =	simm.s32 $0x6;
	s0 =	sadd.s32 s8, s0  }
0xd: {  	s8 =	ssub.s32 s15, s16;
	s17 =	sshrl.u32 s11, $0x3;
	s22 =	sadd.s32 s2, s20  }
0xe: {  	s12 =	sshrl.u32 s12, $0x3;
	s13 =	sadd.s32 s6, s17;
	[dreg:$0x9] =	wrdreg s22  }
0xf: {  	s18 =	sadd.s32 s7, s17;
	s10 =	sor.u32 $0x200, s17;
	[dreg:$0x5] =	wrdreg s13  }
0x10: {  	s21 =	sadd.s32 s2, s12;
	s8 =	smax.u32 s8, $0x1;
	[dreg:$0x6] =	wrdreg s18  }
0x11: {  	s12 =	smul.u32 $0x2710, s26;
	s0 =	sadd.s32 $0x50800, s0;
	[dreg:$0xd] =	wrdreg s8  }
0x12: {  	s26 =	sshrl.u32 s14, $0x2;
	s19 =	sadd.s32 s6, s10;
	[dreg:$0xf] =	wrdreg s0  }
0x13: {  	s17 =	sor.u32 $0x1000, s11;
	s10 =	sadd.s32 s7, s10;
	[dreg:$0x7] =	wrdreg s19  }
0x14: {  	s22 =	simm.s32 $0x4;
	s23 =	sadd.s32 $0x280, s21;
	[dreg:$0x8] =	wrdreg s10  }
0x15: {  	s24 =	sadd.s32 $0x500, s21;
	s25 =	sadd.s32 $0x780, s21;
	[dreg:$0xa] =	wrdreg s23  }
0x16: {  	s20 =	sadd.s32 s26, s3;
	s26 =	simm.s32 $0x4000;
	[dreg:$0xb] =	wrdreg s24  }
0x17: {  	s0 =	simm.s32 $0x1;
	s8 =	simm.s32 $0xA400;
	[dreg:$0xc] =	wrdreg s25  }
0x18: {  	s19 =	simm.s32 $0x2000;
	s25 =	simm.s32 $0x28;
	s23 =	simm.s32 $0x3  }
0x19: {  	v0 =	vimm.f32 $0.0e+00;
	s24 =	simm.s32 $0x2;
	s10 =	simm.s32 $0x0;
	[dreg:$0xe] =	wrdreg s20  }
.LBB2_1:
0x1a: {  	s11 =	rddreg [dreg:$0x5];
	s13 =	simm.s32 $0x8  }
0x1b: {  	[tilespmem:s5], [sflag:$0x8] =	stream.linear.gather [hbm4b:s11+s5], $0xC80, $0x38;
	[tilespmem:$0x1F080] =	vst v63  }
0x1c: {  	_ =	swait.ge [sflag:s13], $0xC80  }
0x1d: {  	[sflag:s13] =	ssyncset.done $0x0  }
0x1e: {  	s14 =	rddreg [dreg:$0x6];
	[sflag:s13] =	ssyncadd.s32 $0xFFFFF380  }
0x1f: {  	[tilespmem:s19], [sflag:$0x8] =	stream.linear.gather [hbm4b:s14+s5], $0xC80, $0x38;
	[tilespmem:$0x1F080] =	vst v63  }
0x20: {  	_ =	swait.ge [sflag:s13], $0xC80  }
0x21: {  	s16 =	simm.s32 $0x1000;
	[sflag:s13] =	ssyncset.done $0x0  }
0x22: {  	s21 =	simm.s32 $0x3000;
	s15 =	rddreg [dreg:$0x7];
	[sflag:s13] =	ssyncadd.s32 $0xFFFFF380  }
0x23: {  	[tilespmem:s16], [sflag:$0x7] =	stream.linear.gather [hbm4b:s15+s5], $0xC80, $0x38;
	[tilespmem:$0x1F080] =	vst v63  }
0x24: {  	s11 =	simm.s32 $0x0;
	s18 =	rddreg [dreg:$0x8];
	s13 =	simm.s32 $0x200  }
0x25: {  	[tilespmem:s21], [sflag:$0x7] =	stream.linear.gather [hbm4b:s18+s5], $0xC80, $0x38;
	[tilespmem:$0x1F080] =	vst v63  }
.LBB2_2:
0x26: {  	p0 =	sne.s32 s13, $0x4E00;
	[tilespmem:s11+$0x4070] =	vst v0  }
0x27: {  	[tilespmem:s11+$0x4000] =	vst v0  }
0x28: {  	[tilespmem:s11+$0x4010] =	vst v0  }
.Ltmp0:
0x29: {  	[tilespmem:s11+$0x4020] =	vst v0;
	(pc) =	sbr.rel @p0 .LBB2_2-.Ltmp0, $4  }
0x2a: {  	[tilespmem:s11+$0x4030] =	vst v0  }
0x2b: {  	[tilespmem:s11+$0x4040] =	vst v0  }
0x2c: {  	[tilespmem:s11+$0x4050] =	vst v0  }
0x2d: {  	[tilespmem:s11+$0x4060] =	vst v0;
	s11 =	sshra.s32 s13, $0x2;
	s13 =	sadd.s32 $0x200, s13  }
0x2e: {  	[tilespmem:s11+$0x4070] =	vst v0  }
0x2f: {  	[tilespmem:s11+$0x4000] =	vst v0  }
0x30: {  	[tilespmem:s11+$0x4010] =	vst v0  }
0x31: {  	[tilespmem:s11+$0x4020] =	vst v0  }
0x32: {  	[tilespmem:s11+$0x4030] =	vst v0  }
0x33: {  	[tilespmem:s11+$0x4040] =	vst v0;
	s13 =	sadd.s32 $0x0, s4  }
0x34: {  	[tilespmem:s11+$0x4050] =	vst v0;
	p0 =	sgt.u32 s13, $0xF9  }
0x35: {  	[tilespmem:s11+$0x4060] =	vst v0;
	s11 =	simm.s32 @!p0 $0x4000;
	s15 =	simm.s32 @!p0 $0x8  }
0x36: {  	[spmem:s20] =	stream.linear.scatter @!p0 [tilespmem:s11], [sflag:$0x8], $0x1400, $0x38;
	[tilespmem:$0x1F080] =	vst v63  }
0x37: {  	s14 =	simm.s32 $0x20;
	_ =	swait.ge @!p0 [sflag:s15], $0x1400  }
0x38: {  	s13 =	simm.s32 $0x10;
	s11 =	sadd.s32 $0x14000, s20;
	[sflag:s15] =	ssyncset.done @!p0 $0x0  }
.LBB2_4:
0x39: {  	s16 =	sadd.s32 s13, s4;
	s13 =	smov.u32 s14;
	s14 =	sadd.s32 $0x10, s14  }
0x3a: {  	[sflag:s15] =	ssyncadd.s32 @!p0 $0xFFFFEC00;
	p1 =	sne.s32 s14, $0x100  }
.Ltmp1:
0x3b: {  	p0 =	sgt.u32 s16, $0xF9;
	(pc) =	sbr.rel @p1 .LBB2_4-.Ltmp1, $4  }
0x3c: {  	s16 =	simm.s32 @!p0 $0x4000;
	s15 =	simm.s32 @!p0 $0x8  }
0x3d: {  	[spmem:s11] =	stream.linear.scatter @!p0 [tilespmem:s16], [sflag:$0x8], $0x1400, $0x38;
	[tilespmem:$0x1F080] =	vst v63  }
0x3e: {  	_ =	swait.ge @!p0 [sflag:s15], $0x1400  }
0x3f: {  	s11 =	sadd.s32 $0x14000, s11;
	[sflag:s15] =	ssyncset.done @!p0 $0x0  }
0x40: {  	s13 =	sadd.s32 s13, s4  }
0x41: {  	p1 =	sgt.u32 s13, $0xF9  }
0x42: {  	[sflag:s15] =	ssyncadd.s32 @!p0 $0xFFFFEC00;
	s13 =	simm.s32 @!p1 $0x4000;
	s14 =	simm.s32 @!p1 $0x8  }
0x43: {  	[spmem:s11] =	stream.linear.scatter @!p1 [tilespmem:s13], [sflag:$0x8], $0x1400, $0x38;
	[tilespmem:$0x1F080] =	vst v63  }
0x44: {  	_ =	swait.ge @!p1 [sflag:s14], $0x1400  }
0x45: {  	[sflag:s14] =	ssyncset.done @!p1 $0x0  }
0x46: {  	[sflag:s14] =	ssyncadd.s32 @!p1 $0xFFFFEC00  }
0x47: {  	[bflag:$0x0] =	sbarrier.arrive $0xFFFF  }
0x48: {  	[tilespmem:s26], [sflag:$0x1] =	stream.indirect.gather [hbm4b:s1+s25], $0x80, s5, s25, $0xb8;
	[tilespmem:$0x1F080] =	vst v63  }
0x49: {  	s15 =	rddreg [dreg:$0x9]  }
0x4a: {  	[tilespmem:s28], [sflag:$0x3] =	stream.linear.gather [hbm4b:s15+s5], $0x1400, $0x38;
	[tilespmem:$0x1F080] =	vst v63  }
0x4b: {  	s16 =	simm.s32 $0x80;
	s18 =	simm.s32 $0x5400  }
0x4c: {  	[tilespmem:s18], [sflag:$0x2] =	stream.indirect.gather [hbm4b:s1+s25], $0x80, s16, s25, $0xb8;
	[tilespmem:$0x1F080] =	vst v63  }
0x4d: {  	s21 =	simm.s32 $0x7C00;
	s20 =	rddreg [dreg:$0xa]  }
0x4e: {  	[tilespmem:s21], [sflag:$0x4] =	stream.linear.gather [hbm4b:s20+s5], $0x1400, $0x38;
	[tilespmem:$0x1F080] =	vst v63  }
0x4f: {  	_ =	swait.ge [sflag:s0], $0x1400  }
0x50: {  	[sflag:s0] =	ssyncset.done $0x0  }
0x51: {  	[sflag:s0] =	ssyncadd.s32 $0xFFFFEC00  }
0x52: {  	_ =	swait.ge [sflag:s23], $0x1400  }
0x53: {  	[sflag:s23] =	ssyncset.done $0x0  }
0x54: {  	s11 =	simm.s32 $0x4100;
	[sflag:s23] =	ssyncadd.s32 $0xFFFFEC00  }
0x55: {  	s13 =	simm.s32 $0x6900;
	v1 =	vld [tilespmem:s11+$0x80]  }
0x56: {  	v2 =	vld [tilespmem:s13+$0x80];
	_ =	sdelay $0x2  }
0x57: {  	v3 =	vld [tilespmem:s11+$0xFFFFFF80]  }
0x58: {  	v4 =	vld [tilespmem:s13+$0xFFFFFF80]  }
0x59: {  	v5 =	vld [tilespmem:s13+$0xFFFFFF00];
	v1 =	vmul.f32 v2, v1  }
0x5a: {  	s14 =	simm.s32 $0x9100;
	v2 =	vld [tilespmem:s11+$0xFFFFFF00]  }
0x5b: {  	[tilespmem:s14+$0x80] =	vst v1  }
0x5c: {  	v1 =	vld [tilespmem:s11+$0x90]  }
0x5d: {  	v3 =	vmul.f32 v4, v3;
	v4 =	vld [tilespmem:s13+$0x90]  }
0x5e: {  	v6 =	vld [tilespmem:s11+$0x0]  }
0x5f: {  	v7 =	vld [tilespmem:s13+$0x0];
	[tilespmem:s14+$0xFFFFFF80] =	vst v3;
	v2 =	vmul.f32 v5, v2  }
0x60: {  	v3 =	vld [tilespmem:s11+$0xFFFFFF90]  }
0x61: {  	v5 =	vld [tilespmem:s13+$0xFFFFFF90];
	[tilespmem:s14+$0xFFFFFF00] =	vst v2  }
0x62: {  	v2 =	vld [tilespmem:s11+$0xFFFFFF10];
	v1 =	vmul.f32 v4, v1  }
0x63: {  	v4 =	vld [tilespmem:s13+$0xFFFFFF10]  }
0x64: {  	v6 =	vmul.f32 v7, v6;
	[tilespmem:s14+$0x90] =	vst v1  }
0x65: {  	v1 =	vld [tilespmem:s11+$0xA0]  }
0x66: {  	[tilespmem:s14+$0x0] =	vst v6;
	v3 =	vmul.f32 v5, v3;
	v5 =	vld [tilespmem:s13+$0xA0]  }
0x67: {  	v6 =	vld [tilespmem:s11+$0x10]  }
0x68: {  	v7 =	vld [tilespmem:s13+$0x10];
	[tilespmem:s14+$0xFFFFFF90] =	vst v3;
	v2 =	vmul.f32 v4, v2  }
0x69: {  	v3 =	vld [tilespmem:s11+$0xFFFFFFA0]  }
0x6a: {  	v4 =	vld [tilespmem:s13+$0xFFFFFFA0];
	[tilespmem:s14+$0xFFFFFF10] =	vst v2  }
0x6b: {  	v2 =	vld [tilespmem:s11+$0xFFFFFF20];
	v1 =	vmul.f32 v5, v1  }
0x6c: {  	v5 =	vld [tilespmem:s13+$0xFFFFFF20]  }
0x6d: {  	v6 =	vmul.f32 v7, v6;
	[tilespmem:s14+$0xA0] =	vst v1  }
0x6e: {  	v1 =	vld [tilespmem:s11+$0xB0]  }
0x6f: {  	[tilespmem:s14+$0x10] =	vst v6;
	v3 =	vmul.f32 v4, v3;
	v4 =	vld [tilespmem:s13+$0xB0]  }
0x70: {  	v6 =	vld [tilespmem:s11+$0x20]  }
0x71: {  	[tilespmem:s14+$0xFFFFFFA0] =	vst v3;
	v3 =	vld [tilespmem:s13+$0x20];
	v2 =	vmul.f32 v5, v2  }
0x72: {  	v5 =	vld [tilespmem:s11+$0xFFFFFFB0]  }
0x73: {  	v7 =	vld [tilespmem:s13+$0xFFFFFFB0];
	[tilespmem:s14+$0xFFFFFF20] =	vst v2  }
0x74: {  	v2 =	vld [tilespmem:s11+$0xFFFFFF30];
	v1 =	vmul.f32 v4, v1  }
0x75: {  	v4 =	vld [tilespmem:s13+$0xFFFFFF30]  }
0x76: {  	v3 =	vmul.f32 v3, v6;
	[tilespmem:s14+$0xB0] =	vst v1  }
0x77: {  	v1 =	vld [tilespmem:s11+$0xC0]  }
0x78: {  	v5 =	vmul.f32 v7, v5;
	[tilespmem:s14+$0x20] =	vst v3;
	v3 =	vld [tilespmem:s13+$0xC0]  }
0x79: {  	v6 =	vld [tilespmem:s11+$0x30]  }
0x7a: {  	[tilespmem:s14+$0xFFFFFFB0] =	vst v5;
	v2 =	vmul.f32 v4, v2;
	v4 =	vld [tilespmem:s13+$0x30]  }
0x7b: {  	v5 =	vld [tilespmem:s11+$0xFFFFFFC0]  }
0x7c: {  	[tilespmem:s14+$0xFFFFFF30] =	vst v2;
	v2 =	vld [tilespmem:s13+$0xFFFFFFC0]  }
0x7d: {  	v7 =	vld [tilespmem:s11+$0xFFFFFF40];
	v1 =	vmul.f32 v3, v1  }
0x7e: {  	v3 =	vld [tilespmem:s13+$0xFFFFFF40]  }
0x7f: {  	v4 =	vmul.f32 v4, v6;
	[tilespmem:s14+$0xC0] =	vst v1  }
0x80: {  	v1 =	vld [tilespmem:s11+$0xD0]  }
0x81: {  	v2 =	vmul.f32 v2, v5;
	[tilespmem:s14+$0x30] =	vst v4;
	v4 =	vld [tilespmem:s13+$0xD0]  }
0x82: {  	v5 =	vld [tilespmem:s11+$0x40]  }
0x83: {  	v3 =	vmul.f32 v3, v7;
	[tilespmem:s14+$0xFFFFFFC0] =	vst v2;
	v2 =	vld [tilespmem:s13+$0x40]  }
0x84: {  	v6 =	vld [tilespmem:s11+$0xFFFFFFD0]  }
0x85: {  	[tilespmem:s14+$0xFFFFFF40] =	vst v3;
	v3 =	vld [tilespmem:s13+$0xFFFFFFD0]  }
0x86: {  	v7 =	vld [tilespmem:s11+$0xFFFFFF50];
	v1 =	vmul.f32 v4, v1  }
0x87: {  	v4 =	vld [tilespmem:s13+$0xFFFFFF50]  }
0x88: {  	v2 =	vmul.f32 v2, v5;
	[tilespmem:s14+$0xD0] =	vst v1  }
0x89: {  	v8 =	vld [tilespmem:s11+$0xE0]  }
0x8a: {  	v1 =	vmul.f32 v3, v6;
	v6 =	vld [tilespmem:s13+$0xE0];
	[tilespmem:s14+$0x40] =	vst v2  }
0x8b: {  	v2 =	vld [tilespmem:s11+$0x50]  }
0x8c: {  	v3 =	vmul.f32 v4, v7;
	[tilespmem:s14+$0xFFFFFFD0] =	vst v1;
	v5 =	vld [tilespmem:s13+$0x50]  }
0x8d: {  	v1 =	vld [tilespmem:s11+$0xFFFFFFE0]  }
0x8e: {  	v4 =	vld [tilespmem:s13+$0xFFFFFFE0];
	[tilespmem:s14+$0xFFFFFF50] =	vst v3  }
0x8f: {  	s15 =	simm.s32 $0x9100;
	v3 =	vld [tilespmem:s11+$0xFFFFFF60];
	v7 =	vmul.f32 v6, v8  }
0x90: {  	s16 =	simm.s32 $0x0;
	s18 =	simm.s32 $0x4300;
	s20 =	simm.s32 $0x6900;
	v6 =	vld [tilespmem:s13+$0xFFFFFF60]  }
.LBB2_6:
0x91: {  	v8 =	vld [tilespmem:s18+$0x80];
	v2 =	vmul.f32 v5, v2;
	[tilespmem:s14+$0xE0] =	vst v7  }
0x92: {  	v5 =	vld [tilespmem:s11+$0xF0]  }
0x93: {  	s20 =	sadd.s32 $0x200, s20;
	v1 =	vmul.f32 v4, v1;
	[tilespmem:s14+$0x50] =	vst v2;
	v2 =	vld [tilespmem:s13+$0xF0]  }
0x94: {  	v4 =	vld [tilespmem:s20+$0x80]  }
0x95: {  	v7 =	vld [tilespmem:s20+$0xFFFFFF00];
	v3 =	vmul.f32 v6, v3;
	[tilespmem:s14+$0xFFFFFFE0] =	vst v1  }
0x96: {  	v1 =	vld [tilespmem:s18+$0xFFFFFF80]  }
0x97: {  	v6 =	vld [tilespmem:s20+$0xFFFFFF80];
	[tilespmem:s14+$0xFFFFFF60] =	vst v3  }
0x98: {  	v3 =	vld [tilespmem:s18+$0x0];
	v2 =	vmul.f32 v2, v5  }
0x99: {  	v5 =	vld [tilespmem:s20+$0x0];
	v4 =	vmul.f32 v4, v8  }
0x9a: {  	s14 =	sadd.s32 $0x200, s14;
	v8 =	vld [tilespmem:s18+$0xFFFFFF00];
	[tilespmem:s15+$0xF0] =	vst v2  }
0x9b: {  	s16 =	sadd.s32 $0x4, s16;
	[tilespmem:s14+$0x80] =	vst v4;
	v2 =	vld [tilespmem:s11+$0x60]  }
0x9c: {  	p0 =	slt.u32 s16, $0x24;
	v1 =	vmul.f32 v6, v1;
	v4 =	vld [tilespmem:s18+$0x90]  }
0x9d: {  	v6 =	vld [tilespmem:s20+$0x90]  }
0x9e: {  	[tilespmem:s14+$0xFFFFFF80] =	vst v1;
	v1 =	vmul.f32 v5, v3;
	v3 =	vld [tilespmem:s13+$0x60]  }
0x9f: {  	v5 =	vmul.f32 v7, v8;
	v7 =	vld [tilespmem:s18+$0xFFFFFF90]  }
0xa0: {  	v8 =	vld [tilespmem:s20+$0xFFFFFF90];
	[tilespmem:s14+$0x0] =	vst v1  }
0xa1: {  	[tilespmem:s14+$0xFFFFFF00] =	vst v5;
	v1 =	vld [tilespmem:s18+$0x10]  }
0xa2: {  	v5 =	vld [tilespmem:s18+$0xFFFFFF10];
	v4 =	vmul.f32 v6, v4  }
0xa3: {  	v6 =	vld [tilespmem:s20+$0xFFFFFF10];
	v2 =	vmul.f32 v3, v2  }
0xa4: {  	v3 =	vld [tilespmem:s20+$0x10];
	[tilespmem:s14+$0x90] =	vst v4  }
0xa5: {  	v4 =	vmul.f32 v8, v7;
	v7 =	vld [tilespmem:s18+$0xA0];
	[tilespmem:s15+$0x60] =	vst v2  }
0xa6: {  	v2 =	vld [tilespmem:s20+$0xA0]  }
0xa7: {  	[tilespmem:s14+$0xFFFFFF90] =	vst v4;
	v4 =	vld [tilespmem:s11+$0xFFFFFF70]  }
0xa8: {  	v5 =	vmul.f32 v6, v5;
	v6 =	vld [tilespmem:s18+$0xFFFFFFA0]  }
0xa9: {  	v8 =	vld [tilespmem:s20+$0xFFFFFFA0];
	v1 =	vmul.f32 v3, v1  }
0xaa: {  	[tilespmem:s14+$0xFFFFFF10] =	vst v5;
	v3 =	vld [tilespmem:s13+$0xFFFFFF70]  }
0xab: {  	v5 =	vld [tilespmem:s18+$0xFFFFFF20];
	[tilespmem:s14+$0x10] =	vst v1;
	v1 =	vmul.f32 v2, v7  }
0xac: {  	v2 =	vld [tilespmem:s20+$0xFFFFFF20]  }
0xad: {  	v7 =	vld [tilespmem:s18+$0x20];
	[tilespmem:s14+$0xA0] =	vst v1  }
0xae: {  	v1 =	vmul.f32 v8, v6;
	v6 =	vld [tilespmem:s18+$0xB0]  }
0xaf: {  	v8 =	vld [tilespmem:s20+$0xB0];
	v3 =	vmul.f32 v3, v4  }
0xb0: {  	[tilespmem:s14+$0xFFFFFFA0] =	vst v1;
	v1 =	vld [tilespmem:s20+$0x20]  }
0xb1: {  	v2 =	vmul.f32 v2, v5;
	v4 =	vld [tilespmem:s18+$0xFFFFFFB0];
	[tilespmem:s15+$0xFFFFFF70] =	vst v3  }
0xb2: {  	v3 =	vld [tilespmem:s20+$0xFFFFFFB0]  }
0xb3: {  	[tilespmem:s14+$0xFFFFFF20] =	vst v2;
	v2 =	vld [tilespmem:s11+$0xFFFFFFF0]  }
0xb4: {  	v5 =	vld [tilespmem:s18+$0xFFFFFF30];
	v6 =	vmul.f32 v8, v6  }
0xb5: {  	v8 =	vld [tilespmem:s20+$0xFFFFFF30];
	v1 =	vmul.f32 v1, v7  }
0xb6: {  	[tilespmem:s14+$0xB0] =	vst v6;
	v6 =	vld [tilespmem:s13+$0xFFFFFFF0]  }
0xb7: {  	v3 =	vmul.f32 v3, v4;
	[tilespmem:s14+$0x20] =	vst v1;
	v1 =	vld [tilespmem:s18+$0xC0]  }
0xb8: {  	v4 =	vld [tilespmem:s20+$0xC0]  }
0xb9: {  	[tilespmem:s14+$0xFFFFFFB0] =	vst v3;
	v3 =	vld [tilespmem:s18+$0x30]  }
0xba: {  	v5 =	vmul.f32 v8, v5;
	v7 =	vld [tilespmem:s20+$0x30]  }
0xbb: {  	v8 =	vld [tilespmem:s18+$0xFFFFFFC0];
	v2 =	vmul.f32 v6, v2  }
0xbc: {  	[tilespmem:s14+$0xFFFFFF30] =	vst v5;
	v5 =	vld [tilespmem:s20+$0xFFFFFFC0]  }
0xbd: {  	v6 =	vld [tilespmem:s18+$0xFFFFFF40];
	v1 =	vmul.f32 v4, v1;
	[tilespmem:s15+$0xFFFFFFF0] =	vst v2  }
0xbe: {  	v2 =	vld [tilespmem:s20+$0xFFFFFF40]  }
0xbf: {  	v3 =	vmul.f32 v7, v3;
	[tilespmem:s14+$0xC0] =	vst v1;
	v4 =	vld [tilespmem:s11+$0x70];
	s11 =	smov.u32 s18  }
0xc0: {  	v1 =	vld [tilespmem:s18+$0xD0]  }
0xc1: {  	v5 =	vmul.f32 v5, v8;
	[tilespmem:s14+$0x30] =	vst v3;
	v3 =	vld [tilespmem:s20+$0xD0]  }
0xc2: {  	v7 =	vld [tilespmem:s18+$0x40]  }
0xc3: {  	v2 =	vmul.f32 v2, v6;
	[tilespmem:s14+$0xFFFFFFC0] =	vst v5;
	v5 =	vld [tilespmem:s20+$0x40]  }
0xc4: {  	v6 =	vld [tilespmem:s18+$0xFFFFFFD0]  }
0xc5: {  	[tilespmem:s14+$0xFFFFFF40] =	vst v2;
	v2 =	vld [tilespmem:s20+$0xFFFFFFD0]  }
0xc6: {  	v8 =	vld [tilespmem:s18+$0xFFFFFF50];
	v1 =	vmul.f32 v3, v1  }
0xc7: {  	v3 =	vld [tilespmem:s20+$0xFFFFFF50]  }
0xc8: {  	v5 =	vmul.f32 v5, v7;
	[tilespmem:s14+$0xD0] =	vst v1;
	v7 =	vld [tilespmem:s13+$0x70];
	s13 =	smov.u32 s20  }
0xc9: {  	v9 =	vld [tilespmem:s18+$0xE0]  }
0xca: {  	v1 =	vmul.f32 v2, v6;
	[tilespmem:s14+$0x40] =	vst v5;
	v6 =	vld [tilespmem:s20+$0xE0]  }
0xcb: {  	v2 =	vld [tilespmem:s18+$0x50]  }
.Ltmp2:
0xcc: {  	v3 =	vmul.f32 v3, v8;
	[tilespmem:s14+$0xFFFFFFD0] =	vst v1;
	v5 =	vld [tilespmem:s20+$0x50];
	(pc) =	sbr.rel @p0 .LBB2_6-.Ltmp2, $4  }
0xcd: {  	v1 =	vld [tilespmem:s18+$0xFFFFFFE0];
	v8 =	vmul.f32 v7, v4  }
0xce: {  	[tilespmem:s14+$0xFFFFFF50] =	vst v3;
	v4 =	vld [tilespmem:s20+$0xFFFFFFE0]  }
0xcf: {  	v3 =	vld [tilespmem:s18+$0xFFFFFF60];
	v7 =	vmul.f32 v6, v9;
	[tilespmem:s15+$0x70] =	vst v8;
	s15 =	smov.u32 s14  }
0xd0: {  	s18 =	sadd.s32 $0x200, s18;
	v6 =	vld [tilespmem:s20+$0xFFFFFF60]  }
0xd1: {  	v2 =	vmul.f32 v5, v2;
	_ =	sdelay $0x1  }
0xd2: {  	[tilespmem:s14+$0x50] =	vst v2  }
0xd3: {  	v2 =	vld [tilespmem:s11+$0x60]  }
0xd4: {  	v5 =	vld [tilespmem:s13+$0x60]  }
0xd5: {  	[tilespmem:s14+$0xE0] =	vst v7;
	v3 =	vmul.f32 v6, v3  }
0xd6: {  	v1 =	vmul.f32 v4, v1;
	v4 =	vld [tilespmem:s13+$0xF0]  }
0xd7: {  	v6 =	vld [tilespmem:s11+$0xF0];
	[tilespmem:s14+$0xFFFFFF60] =	vst v3  }
0xd8: {  	v3 =	vld [tilespmem:s11+$0xFFFFFF70]  }
0xd9: {  	[tilespmem:s14+$0xFFFFFFE0] =	vst v1;
	v1 =	vmul.f32 v5, v2;
	v2 =	vld [tilespmem:s13+$0xFFFFFF70]  }
0xda: {  	v5 =	vld [tilespmem:s11+$0xFFFFFFF0]  }
0xdb: {  	[tilespmem:s15+$0x60] =	vst v1;
	v1 =	vld [tilespmem:s13+$0xFFFFFFF0]  }
0xdc: {  	v7 =	vld [tilespmem:s11+$0x70]  }
0xdd: {  	v8 =	vld [tilespmem:s13+$0x70];
	_ =	sdelay $0x1  }
0xde: {  	v4 =	vmul.f32 v4, v6  }
0xdf: {  	v2 =	vmul.f32 v2, v3  }
0xe0: {  	[tilespmem:s15+$0xF0] =	vst v4;
	v1 =	vmul.f32 v1, v5  }
0xe1: {  	[tilespmem:s15+$0xFFFFFF70] =	vst v2;
	v2 =	vmul.f32 v8, v7  }
0xe2: {  	[tilespmem:s15+$0xFFFFFFF0] =	vst v1  }
0xe3: {  	s20 =	simm.s32 $0x100;
	[tilespmem:s15+$0x70] =	vst v2  }
0xe4: {  	[tilespmem:s26], [sflag:$0x1] =	stream.indirect.gather [hbm4b:s1+s25], $0x80, s20, s25, $0xb8;
	[tilespmem:$0x1F080] =	vst v63  }
0xe5: {  	s21 =	rddreg [dreg:$0xb]  }
0xe6: {  	[tilespmem:s28], [sflag:$0x3] =	stream.linear.gather [hbm4b:s21+s5], $0x1400, $0x38;
	[tilespmem:$0x1F080] =	vst v63  }
0xe7: {  	_ = 	snop  }
0xe8: {  	[spmem:s3] =	stream.indirect.scatter.add.f32 [tilespmem:s29], [sflag:$0x5], $0x80, s19, s25, $0xb8;
	[tilespmem:$0x1F080] =	vst v63  }
0xe9: {  	_ =	swait.ge [sflag:s24], $0x1400  }
0xea: {  	[sflag:s24] =	ssyncset.done $0x0  }
0xeb: {  	[sflag:s24] =	ssyncadd.s32 $0xFFFFEC00  }
0xec: {  	_ =	swait.ge [sflag:s22], $0x1400  }
0xed: {  	[sflag:s22] =	ssyncset.done $0x0  }
0xee: {  	s11 =	simm.s32 $0x5500;
	[sflag:s22] =	ssyncadd.s32 $0xFFFFEC00  }
0xef: {  	s13 =	simm.s32 $0x7D00;
	v1 =	vld [tilespmem:s11+$0x80]  }
0xf0: {  	v2 =	vld [tilespmem:s13+$0x80];
	_ =	sdelay $0x2  }
0xf1: {  	v3 =	vld [tilespmem:s11+$0xFFFFFF80]  }
0xf2: {  	v4 =	vld [tilespmem:s13+$0xFFFFFF80]  }
0xf3: {  	v5 =	vld [tilespmem:s13+$0xFFFFFF00];
	v1 =	vmul.f32 v2, v1  }
0xf4: {  	s14 =	simm.s32 $0xA500;
	v2 =	vld [tilespmem:s11+$0xFFFFFF00]  }
0xf5: {  	[tilespmem:s14+$0x80] =	vst v1  }
0xf6: {  	v1 =	vld [tilespmem:s11+$0x90]  }
0xf7: {  	v3 =	vmul.f32 v4, v3;
	v4 =	vld [tilespmem:s13+$0x90]  }
0xf8: {  	v6 =	vld [tilespmem:s11+$0x0]  }
0xf9: {  	v7 =	vld [tilespmem:s13+$0x0];
	[tilespmem:s14+$0xFFFFFF80] =	vst v3;
	v2 =	vmul.f32 v5, v2  }
0xfa: {  	v3 =	vld [tilespmem:s11+$0xFFFFFF90]  }
0xfb: {  	v5 =	vld [tilespmem:s13+$0xFFFFFF90];
	[tilespmem:s14+$0xFFFFFF00] =	vst v2  }
0xfc: {  	v2 =	vld [tilespmem:s11+$0xFFFFFF10];
	v1 =	vmul.f32 v4, v1  }
0xfd: {  	v4 =	vld [tilespmem:s13+$0xFFFFFF10]  }
0xfe: {  	v6 =	vmul.f32 v7, v6;
	[tilespmem:s14+$0x90] =	vst v1  }
0xff: {  	v1 =	vld [tilespmem:s11+$0xA0]  }
0x100: {  	[tilespmem:s14+$0x0] =	vst v6;
	v3 =	vmul.f32 v5, v3;
	v5 =	vld [tilespmem:s13+$0xA0]  }
0x101: {  	v6 =	vld [tilespmem:s11+$0x10]  }
0x102: {  	v7 =	vld [tilespmem:s13+$0x10];
	[tilespmem:s14+$0xFFFFFF90] =	vst v3;
	v2 =	vmul.f32 v4, v2  }
0x103: {  	v3 =	vld [tilespmem:s11+$0xFFFFFFA0]  }
0x104: {  	v4 =	vld [tilespmem:s13+$0xFFFFFFA0];
	[tilespmem:s14+$0xFFFFFF10] =	vst v2  }
0x105: {  	v2 =	vld [tilespmem:s11+$0xFFFFFF20];
	v1 =	vmul.f32 v5, v1  }
0x106: {  	v5 =	vld [tilespmem:s13+$0xFFFFFF20]  }
0x107: {  	v6 =	vmul.f32 v7, v6;
	[tilespmem:s14+$0xA0] =	vst v1  }
0x108: {  	v1 =	vld [tilespmem:s11+$0xB0]  }
0x109: {  	[tilespmem:s14+$0x10] =	vst v6;
	v3 =	vmul.f32 v4, v3;
	v4 =	vld [tilespmem:s13+$0xB0]  }
0x10a: {  	v6 =	vld [tilespmem:s11+$0x20]  }
0x10b: {  	[tilespmem:s14+$0xFFFFFFA0] =	vst v3;
	v3 =	vld [tilespmem:s13+$0x20];
	v2 =	vmul.f32 v5, v2  }
0x10c: {  	v5 =	vld [tilespmem:s11+$0xFFFFFFB0]  }
0x10d: {  	v7 =	vld [tilespmem:s13+$0xFFFFFFB0];
	[tilespmem:s14+$0xFFFFFF20] =	vst v2  }
0x10e: {  	v2 =	vld [tilespmem:s11+$0xFFFFFF30];
	v1 =	vmul.f32 v4, v1  }
0x10f: {  	v4 =	vld [tilespmem:s13+$0xFFFFFF30]  }
0x110: {  	v3 =	vmul.f32 v3, v6;
	[tilespmem:s14+$0xB0] =	vst v1  }
0x111: {  	v1 =	vld [tilespmem:s11+$0xC0]  }
0x112: {  	v5 =	vmul.f32 v7, v5;
	[tilespmem:s14+$0x20] =	vst v3;
	v3 =	vld [tilespmem:s13+$0xC0]  }
0x113: {  	v6 =	vld [tilespmem:s11+$0x30]  }
0x114: {  	[tilespmem:s14+$0xFFFFFFB0] =	vst v5;
	v2 =	vmul.f32 v4, v2;
	v4 =	vld [tilespmem:s13+$0x30]  }
0x115: {  	v5 =	vld [tilespmem:s11+$0xFFFFFFC0]  }
0x116: {  	[tilespmem:s14+$0xFFFFFF30] =	vst v2;
	v2 =	vld [tilespmem:s13+$0xFFFFFFC0]  }
0x117: {  	v7 =	vld [tilespmem:s11+$0xFFFFFF40];
	v1 =	vmul.f32 v3, v1  }
0x118: {  	v3 =	vld [tilespmem:s13+$0xFFFFFF40]  }
0x119: {  	v4 =	vmul.f32 v4, v6;
	[tilespmem:s14+$0xC0] =	vst v1  }
0x11a: {  	v1 =	vld [tilespmem:s11+$0xD0]  }
0x11b: {  	v2 =	vmul.f32 v2, v5;
	[tilespmem:s14+$0x30] =	vst v4;
	v4 =	vld [tilespmem:s13+$0xD0]  }
0x11c: {  	v5 =	vld [tilespmem:s11+$0x40]  }
0x11d: {  	v3 =	vmul.f32 v3, v7;
	[tilespmem:s14+$0xFFFFFFC0] =	vst v2;
	v2 =	vld [tilespmem:s13+$0x40]  }
0x11e: {  	v6 =	vld [tilespmem:s11+$0xFFFFFFD0]  }
0x11f: {  	[tilespmem:s14+$0xFFFFFF40] =	vst v3;
	v3 =	vld [tilespmem:s13+$0xFFFFFFD0]  }
0x120: {  	v7 =	vld [tilespmem:s11+$0xFFFFFF50];
	v1 =	vmul.f32 v4, v1  }
0x121: {  	v4 =	vld [tilespmem:s13+$0xFFFFFF50]  }
0x122: {  	v2 =	vmul.f32 v2, v5;
	[tilespmem:s14+$0xD0] =	vst v1  }
0x123: {  	v8 =	vld [tilespmem:s11+$0xE0]  }
0x124: {  	v1 =	vmul.f32 v3, v6;
	v6 =	vld [tilespmem:s13+$0xE0];
	[tilespmem:s14+$0x40] =	vst v2  }
0x125: {  	v2 =	vld [tilespmem:s11+$0x50]  }
0x126: {  	v3 =	vmul.f32 v4, v7;
	[tilespmem:s14+$0xFFFFFFD0] =	vst v1;
	v5 =	vld [tilespmem:s13+$0x50]  }
0x127: {  	v1 =	vld [tilespmem:s11+$0xFFFFFFE0]  }
0x128: {  	v4 =	vld [tilespmem:s13+$0xFFFFFFE0];
	[tilespmem:s14+$0xFFFFFF50] =	vst v3  }
0x129: {  	s16 =	simm.s32 $0x0;
	v3 =	vld [tilespmem:s11+$0xFFFFFF60];
	v7 =	vmul.f32 v6, v8  }
0x12a: {  	s18 =	simm.s32 $0x5700;
	s15 =	simm.s32 $0xA500;
	s20 =	simm.s32 $0x7D00;
	v6 =	vld [tilespmem:s13+$0xFFFFFF60]  }
.LBB2_8:
0x12b: {  	v8 =	vld [tilespmem:s18+$0x80];
	v2 =	vmul.f32 v5, v2;
	[tilespmem:s14+$0xE0] =	vst v7  }
0x12c: {  	v5 =	vld [tilespmem:s11+$0xF0]  }
0x12d: {  	s20 =	sadd.s32 $0x200, s20;
	v1 =	vmul.f32 v4, v1;
	[tilespmem:s14+$0x50] =	vst v2;
	v2 =	vld [tilespmem:s13+$0xF0]  }
0x12e: {  	v4 =	vld [tilespmem:s20+$0x80]  }
0x12f: {  	v7 =	vld [tilespmem:s20+$0xFFFFFF00];
	v3 =	vmul.f32 v6, v3;
	[tilespmem:s14+$0xFFFFFFE0] =	vst v1  }
0x130: {  	v1 =	vld [tilespmem:s18+$0xFFFFFF80]  }
0x131: {  	v6 =	vld [tilespmem:s20+$0xFFFFFF80];
	[tilespmem:s14+$0xFFFFFF60] =	vst v3  }
0x132: {  	v3 =	vld [tilespmem:s18+$0x0];
	v2 =	vmul.f32 v2, v5  }
0x133: {  	v5 =	vld [tilespmem:s20+$0x0];
	v4 =	vmul.f32 v4, v8  }
0x134: {  	s14 =	sadd.s32 $0x200, s14;
	v8 =	vld [tilespmem:s18+$0xFFFFFF00];
	[tilespmem:s15+$0xF0] =	vst v2  }
0x135: {  	s16 =	sadd.s32 $0x4, s16;
	[tilespmem:s14+$0x80] =	vst v4;
	v2 =	vld [tilespmem:s11+$0x60]  }
0x136: {  	p0 =	slt.u32 s16, $0x24;
	v1 =	vmul.f32 v6, v1;
	v4 =	vld [tilespmem:s18+$0x90]  }
0x137: {  	v6 =	vld [tilespmem:s20+$0x90]  }
0x138: {  	[tilespmem:s14+$0xFFFFFF80] =	vst v1;
	v1 =	vmul.f32 v5, v3;
	v3 =	vld [tilespmem:s13+$0x60]  }
0x139: {  	v5 =	vmul.f32 v7, v8;
	v7 =	vld [tilespmem:s18+$0xFFFFFF90]  }
0x13a: {  	v8 =	vld [tilespmem:s20+$0xFFFFFF90];
	[tilespmem:s14+$0x0] =	vst v1  }
0x13b: {  	[tilespmem:s14+$0xFFFFFF00] =	vst v5;
	v1 =	vld [tilespmem:s18+$0x10]  }
0x13c: {  	v5 =	vld [tilespmem:s18+$0xFFFFFF10];
	v4 =	vmul.f32 v6, v4  }
0x13d: {  	v6 =	vld [tilespmem:s20+$0xFFFFFF10];
	v2 =	vmul.f32 v3, v2  }
0x13e: {  	v3 =	vld [tilespmem:s20+$0x10];
	[tilespmem:s14+$0x90] =	vst v4  }
0x13f: {  	v4 =	vmul.f32 v8, v7;
	v7 =	vld [tilespmem:s18+$0xA0];
	[tilespmem:s15+$0x60] =	vst v2  }
0x140: {  	v2 =	vld [tilespmem:s20+$0xA0]  }
0x141: {  	[tilespmem:s14+$0xFFFFFF90] =	vst v4;
	v4 =	vld [tilespmem:s11+$0xFFFFFF70]  }
0x142: {  	v5 =	vmul.f32 v6, v5;
	v6 =	vld [tilespmem:s18+$0xFFFFFFA0]  }
0x143: {  	v8 =	vld [tilespmem:s20+$0xFFFFFFA0];
	v1 =	vmul.f32 v3, v1  }
0x144: {  	[tilespmem:s14+$0xFFFFFF10] =	vst v5;
	v3 =	vld [tilespmem:s13+$0xFFFFFF70]  }
0x145: {  	v5 =	vld [tilespmem:s18+$0xFFFFFF20];
	[tilespmem:s14+$0x10] =	vst v1;
	v1 =	vmul.f32 v2, v7  }
0x146: {  	v2 =	vld [tilespmem:s20+$0xFFFFFF20]  }
0x147: {  	v7 =	vld [tilespmem:s18+$0x20];
	[tilespmem:s14+$0xA0] =	vst v1  }
0x148: {  	v1 =	vmul.f32 v8, v6;
	v6 =	vld [tilespmem:s18+$0xB0]  }
0x149: {  	v8 =	vld [tilespmem:s20+$0xB0];
	v3 =	vmul.f32 v3, v4  }
0x14a: {  	[tilespmem:s14+$0xFFFFFFA0] =	vst v1;
	v1 =	vld [tilespmem:s20+$0x20]  }
0x14b: {  	v2 =	vmul.f32 v2, v5;
	v4 =	vld [tilespmem:s18+$0xFFFFFFB0];
	[tilespmem:s15+$0xFFFFFF70] =	vst v3  }
0x14c: {  	v3 =	vld [tilespmem:s20+$0xFFFFFFB0]  }
0x14d: {  	[tilespmem:s14+$0xFFFFFF20] =	vst v2;
	v2 =	vld [tilespmem:s11+$0xFFFFFFF0]  }
0x14e: {  	v5 =	vld [tilespmem:s18+$0xFFFFFF30];
	v6 =	vmul.f32 v8, v6  }
0x14f: {  	v8 =	vld [tilespmem:s20+$0xFFFFFF30];
	v1 =	vmul.f32 v1, v7  }
0x150: {  	[tilespmem:s14+$0xB0] =	vst v6;
	v6 =	vld [tilespmem:s13+$0xFFFFFFF0]  }
0x151: {  	v3 =	vmul.f32 v3, v4;
	[tilespmem:s14+$0x20] =	vst v1;
	v1 =	vld [tilespmem:s18+$0xC0]  }
0x152: {  	v4 =	vld [tilespmem:s20+$0xC0]  }
0x153: {  	[tilespmem:s14+$0xFFFFFFB0] =	vst v3;
	v3 =	vld [tilespmem:s18+$0x30]  }
0x154: {  	v5 =	vmul.f32 v8, v5;
	v7 =	vld [tilespmem:s20+$0x30]  }
0x155: {  	v8 =	vld [tilespmem:s18+$0xFFFFFFC0];
	v2 =	vmul.f32 v6, v2  }
0x156: {  	[tilespmem:s14+$0xFFFFFF30] =	vst v5;
	v5 =	vld [tilespmem:s20+$0xFFFFFFC0]  }
0x157: {  	v6 =	vld [tilespmem:s18+$0xFFFFFF40];
	v1 =	vmul.f32 v4, v1;
	[tilespmem:s15+$0xFFFFFFF0] =	vst v2  }
0x158: {  	v2 =	vld [tilespmem:s20+$0xFFFFFF40]  }
0x159: {  	v3 =	vmul.f32 v7, v3;
	[tilespmem:s14+$0xC0] =	vst v1;
	v4 =	vld [tilespmem:s11+$0x70];
	s11 =	smov.u32 s18  }
0x15a: {  	v1 =	vld [tilespmem:s18+$0xD0]  }
0x15b: {  	v5 =	vmul.f32 v5, v8;
	[tilespmem:s14+$0x30] =	vst v3;
	v3 =	vld [tilespmem:s20+$0xD0]  }
0x15c: {  	v7 =	vld [tilespmem:s18+$0x40]  }
0x15d: {  	v2 =	vmul.f32 v2, v6;
	[tilespmem:s14+$0xFFFFFFC0] =	vst v5;
	v5 =	vld [tilespmem:s20+$0x40]  }
0x15e: {  	v6 =	vld [tilespmem:s18+$0xFFFFFFD0]  }
0x15f: {  	[tilespmem:s14+$0xFFFFFF40] =	vst v2;
	v2 =	vld [tilespmem:s20+$0xFFFFFFD0]  }
0x160: {  	v8 =	vld [tilespmem:s18+$0xFFFFFF50];
	v1 =	vmul.f32 v3, v1  }
0x161: {  	v3 =	vld [tilespmem:s20+$0xFFFFFF50]  }
0x162: {  	v5 =	vmul.f32 v5, v7;
	[tilespmem:s14+$0xD0] =	vst v1;
	v7 =	vld [tilespmem:s13+$0x70];
	s13 =	smov.u32 s20  }
0x163: {  	v9 =	vld [tilespmem:s18+$0xE0]  }
0x164: {  	v1 =	vmul.f32 v2, v6;
	[tilespmem:s14+$0x40] =	vst v5;
	v6 =	vld [tilespmem:s20+$0xE0]  }
0x165: {  	v2 =	vld [tilespmem:s18+$0x50]  }
.Ltmp3:
0x166: {  	v3 =	vmul.f32 v3, v8;
	[tilespmem:s14+$0xFFFFFFD0] =	vst v1;
	v5 =	vld [tilespmem:s20+$0x50];
	(pc) =	sbr.rel @p0 .LBB2_8-.Ltmp3, $4  }
0x167: {  	v1 =	vld [tilespmem:s18+$0xFFFFFFE0];
	v8 =	vmul.f32 v7, v4  }
0x168: {  	[tilespmem:s14+$0xFFFFFF50] =	vst v3;
	v4 =	vld [tilespmem:s20+$0xFFFFFFE0]  }
0x169: {  	v3 =	vld [tilespmem:s18+$0xFFFFFF60];
	v7 =	vmul.f32 v6, v9;
	[tilespmem:s15+$0x70] =	vst v8;
	s15 =	smov.u32 s14  }
0x16a: {  	s18 =	sadd.s32 $0x200, s18;
	v6 =	vld [tilespmem:s20+$0xFFFFFF60]  }
0x16b: {  	v2 =	vmul.f32 v5, v2;
	_ =	sdelay $0x1  }
0x16c: {  	[tilespmem:s14+$0x50] =	vst v2  }
0x16d: {  	v2 =	vld [tilespmem:s11+$0x60]  }
0x16e: {  	v59 =	vld [tilespmem:s13+$0x60]  }
0x16f: {  	[tilespmem:s14+$0xE0] =	vst v7;
	v1 =	vmul.f32 v4, v1  }
0x170: {  	v60 =	vld [tilespmem:s11+$0xF0];
	v3 =	vmul.f32 v6, v3  }
0x171: {  	v61 =	vld [tilespmem:s13+$0xF0];
	[tilespmem:s14+$0xFFFFFFE0] =	vst v1  }
0x172: {  	v62 =	vld [tilespmem:s11+$0xFFFFFFF0];
	[tilespmem:s14+$0xFFFFFF60] =	vst v3  }
0x173: {  	v3 =	vld [tilespmem:s11+$0xFFFFFF70];
	v1 =	vmul.f32 v59, v2  }
0x174: {  	v2 =	vld [tilespmem:s13+$0xFFFFFF70]  }
0x175: {  	[tilespmem:s15+$0x60] =	vst v1;
	v1 =	vld [tilespmem:s13+$0xFFFFFFF0]  }
0x176: {  	v63 =	vld [tilespmem:s11+$0x70]  }
0x177: {  	v8 =	vld [tilespmem:s13+$0x70];
	_ =	sdelay $0x1  }
0x178: {  	v4 =	vmul.f32 v61, v60  }
0x179: {  	v2 =	vmul.f32 v2, v3  }
0x17a: {  	[tilespmem:s15+$0xF0] =	vst v4;
	v1 =	vmul.f32 v1, v62  }
0x17b: {  	[tilespmem:s15+$0xFFFFFF70] =	vst v2;
	v2 =	vmul.f32 v8, v63  }
0x17c: {  	[tilespmem:s15+$0xFFFFFFF0] =	vst v1  }
0x17d: {  	s16 =	simm.s32 $0x5400;
	s18 =	simm.s32 $0x180;
	[tilespmem:s15+$0x70] =	vst v2  }
0x17e: {  	[tilespmem:s16], [sflag:$0x2] =	stream.indirect.gather [hbm4b:s1+s25], $0x80, s18, s25, $0xb8;
	[tilespmem:$0x1F080] =	vst v63  }
.Ltmp4:
0x17f: {  	_ = 	snop;
	(pc) =	sbr.rel .LBB2_10-.Ltmp4, $4  }
0x180: {  	s20 =	simm.s32 $0x7C00;
	s11 =	simm.s32 $0x0;
	s19 =	rddreg [dreg:$0xc]  }
0x181: {  	[tilespmem:s20], [sflag:$0x4] =	stream.linear.gather [hbm4b:s19+s11], $0x1400, $0x38;
	[tilespmem:$0x1F080] =	vst v63  }
0x182: {  	s21 =	simm.s32 $0x2080  }
0x183: {  	[spmem:s3] =	stream.indirect.scatter.add.f32 [tilespmem:s8], [sflag:$0x6], $0x80, s21, s25, $0xb8;
	[tilespmem:$0x1F080] =	vst v63  }
.LBB2_22:
0x184: {  	p2 =	sne.s32 @!p1 s14, $0x17  }
0x185: {  	p1 =	por p2, p1  }
0x186: {  	s16 =	simm.s32 @!p1 $0x7  }
0x187: {  	_ =	swait.ge @!p1 [sflag:s16], $0xC80  }
0x188: {  	[sflag:s16] =	ssyncset.done @!p1 $0x0  }
0x189: {  	[sflag:s16] =	ssyncadd.s32 @!p1 $0xFFFFF380  }
0x18a: {  	_ =	swait.ge @!p1 [sflag:s16], $0xC80  }
0x18b: {  	[sflag:s16] =	ssyncset.done @!p1 $0x0  }
0x18c: {  	[sflag:s16] =	ssyncadd.s32 @!p1 $0xFFFFF380  }
.LBB2_23:
0x18d: {  	s13 =	sadd.s32 @!p0 $0x5, s13  }
0x18e: {  	s16 =	smulhi.u32 @!p0 $0x51EB851F, s13;
	_ =	sdelay $0x1  }
0x18f: {  	s18 =	sshrl.u32 @!p0 s16, $0x3  }
0x190: {  	s18 =	smul.u32 @!p0 $0x19, s18;
	_ =	sdelay $0x1  }
0x191: {  	s16 =	sshll.u32 @!p0 s16, $0x9;
	s18 =	ssub.s32 @!p0 s13, s18;
	s13 =	smul.u32 @!p0 $0x28, s13  }
0x192: {  	s19 =	simm.s32 @!p0 $0x5400;
	s16 =	sand.u32 @!p0 $0x1000, s16;
	s18 =	sshll.u32 @!p0 s18, $0x7  }
0x193: {  	s16 =	sor.u32 @!p0 s18, s16;
	s18 =	simm.s32 @!p0 $0x28;
	s13 =	sadd.s32 @!p0 s12, s13  }
0x194: {  	[tilespmem:s19], [sflag:$0x2] =	stream.indirect.gather @!p0 [hbm4b:s1+s18], $0x80, s16, s18, $0xb8;
	[tilespmem:$0x1F080] =	vst v63  }
0x195: {  	s11 =	sadd.s32 $0x1, s11;
	s13 =	sshll.u32 @!p0 s13, $0x4  }
0x196: {  	s16 =	simm.s32 @!p0 $0x0;
	s18 =	simm.s32 @!p0 $0x7C00;
	s13 =	sadd.s32 @!p0 s2, s13  }
0x197: {  	[tilespmem:s18], [sflag:$0x4] =	stream.linear.gather @!p0 [hbm4b:s13+s16], $0x1400, $0x38;
	[tilespmem:$0x1F080] =	vst v63  }
0x198: {  	p0 =	sne.s32 s11, $0x7C  }
.Ltmp5:
0x199: {  	s21 =	sshll.u32 s14, $0x7;
	(pc) =	sbr.rel @!p0 .LBB2_24-.Ltmp5, $4  }
0x19a: {  	s13 =	sand.u32 $0x3FFFFF80, s21  }
0x19b: {  	s13 =	sadd.s32 s13, s15  }
0x19c: {  	s13 =	sadd.s32 $0x2000, s13  }
0x19d: {  	[spmem:s3] =	stream.indirect.scatter.add.f32 [tilespmem:s8], [sflag:$0x6], $0x80, s13, s25, $0xb8;
	[tilespmem:$0x1F080] =	vst v63  }
.LBB2_10:
0x19e: {  	_ =	swait.ge [sflag:s0], $0x1400  }
0x19f: {  	[sflag:s0] =	ssyncset.done $0x0  }
0x1a0: {  	[sflag:s0] =	ssyncadd.s32 $0xFFFFEC00  }
0x1a1: {  	_ =	swait.ge [sflag:s23], $0x1400  }
0x1a2: {  	[sflag:s23] =	ssyncset.done $0x0  }
0x1a3: {  	[sflag:s23] =	ssyncadd.s32 $0xFFFFEC00  }
0x1a4: {  	_ =	swait.ge [sflag:s30], $0x1400  }
0x1a5: {  	[sflag:s30] =	ssyncset.done $0x0  }
0x1a6: {  	s14 =	simm.s32 $0x4100;
	[sflag:s30] =	ssyncadd.s32 $0xFFFFEC00  }
0x1a7: {  	s15 =	simm.s32 $0x6900;
	v1 =	vld [tilespmem:s14+$0x80]  }
0x1a8: {  	v2 =	vld [tilespmem:s15+$0x80];
	_ =	sdelay $0x2  }
0x1a9: {  	v3 =	vld [tilespmem:s14+$0xFFFFFF80]  }
0x1aa: {  	v4 =	vld [tilespmem:s15+$0xFFFFFF80]  }
0x1ab: {  	v5 =	vld [tilespmem:s15+$0xFFFFFF00];
	v1 =	vmul.f32 v2, v1  }
0x1ac: {  	s16 =	simm.s32 $0x9100;
	v2 =	vld [tilespmem:s14+$0xFFFFFF00]  }
0x1ad: {  	[tilespmem:s16+$0x80] =	vst v1  }
0x1ae: {  	v1 =	vld [tilespmem:s14+$0x90]  }
0x1af: {  	v3 =	vmul.f32 v4, v3;
	v4 =	vld [tilespmem:s15+$0x90]  }
0x1b0: {  	v6 =	vld [tilespmem:s14+$0x0]  }
0x1b1: {  	v7 =	vld [tilespmem:s15+$0x0];
	[tilespmem:s16+$0xFFFFFF80] =	vst v3;
	v2 =	vmul.f32 v5, v2  }
0x1b2: {  	v3 =	vld [tilespmem:s14+$0xFFFFFF90]  }
0x1b3: {  	v5 =	vld [tilespmem:s15+$0xFFFFFF90];
	[tilespmem:s16+$0xFFFFFF00] =	vst v2  }
0x1b4: {  	v2 =	vld [tilespmem:s14+$0xFFFFFF10];
	v1 =	vmul.f32 v4, v1  }
0x1b5: {  	v4 =	vld [tilespmem:s15+$0xFFFFFF10]  }
0x1b6: {  	v6 =	vmul.f32 v7, v6;
	[tilespmem:s16+$0x90] =	vst v1  }
0x1b7: {  	v1 =	vld [tilespmem:s14+$0xA0]  }
0x1b8: {  	[tilespmem:s16+$0x0] =	vst v6;
	v3 =	vmul.f32 v5, v3;
	v5 =	vld [tilespmem:s15+$0xA0]  }
0x1b9: {  	v6 =	vld [tilespmem:s14+$0x10]  }
0x1ba: {  	v7 =	vld [tilespmem:s15+$0x10];
	[tilespmem:s16+$0xFFFFFF90] =	vst v3;
	v2 =	vmul.f32 v4, v2  }
0x1bb: {  	v3 =	vld [tilespmem:s14+$0xFFFFFFA0]  }
0x1bc: {  	v4 =	vld [tilespmem:s15+$0xFFFFFFA0];
	[tilespmem:s16+$0xFFFFFF10] =	vst v2  }
0x1bd: {  	v2 =	vld [tilespmem:s14+$0xFFFFFF20];
	v1 =	vmul.f32 v5, v1  }
0x1be: {  	v5 =	vld [tilespmem:s15+$0xFFFFFF20]  }
0x1bf: {  	v6 =	vmul.f32 v7, v6;
	[tilespmem:s16+$0xA0] =	vst v1  }
0x1c0: {  	v1 =	vld [tilespmem:s14+$0xB0]  }
0x1c1: {  	[tilespmem:s16+$0x10] =	vst v6;
	v3 =	vmul.f32 v4, v3;
	v4 =	vld [tilespmem:s15+$0xB0]  }
0x1c2: {  	v6 =	vld [tilespmem:s14+$0x20]  }
0x1c3: {  	[tilespmem:s16+$0xFFFFFFA0] =	vst v3;
	v3 =	vld [tilespmem:s15+$0x20];
	v2 =	vmul.f32 v5, v2  }
0x1c4: {  	v5 =	vld [tilespmem:s14+$0xFFFFFFB0]  }
0x1c5: {  	v7 =	vld [tilespmem:s15+$0xFFFFFFB0];
	[tilespmem:s16+$0xFFFFFF20] =	vst v2  }
0x1c6: {  	v2 =	vld [tilespmem:s14+$0xFFFFFF30];
	v1 =	vmul.f32 v4, v1  }
0x1c7: {  	v4 =	vld [tilespmem:s15+$0xFFFFFF30]  }
0x1c8: {  	v3 =	vmul.f32 v3, v6;
	[tilespmem:s16+$0xB0] =	vst v1  }
0x1c9: {  	v1 =	vld [tilespmem:s14+$0xC0]  }
0x1ca: {  	v5 =	vmul.f32 v7, v5;
	[tilespmem:s16+$0x20] =	vst v3;
	v3 =	vld [tilespmem:s15+$0xC0]  }
0x1cb: {  	v6 =	vld [tilespmem:s14+$0x30]  }
0x1cc: {  	[tilespmem:s16+$0xFFFFFFB0] =	vst v5;
	v2 =	vmul.f32 v4, v2;
	v4 =	vld [tilespmem:s15+$0x30]  }
0x1cd: {  	v5 =	vld [tilespmem:s14+$0xFFFFFFC0]  }
0x1ce: {  	[tilespmem:s16+$0xFFFFFF30] =	vst v2;
	v2 =	vld [tilespmem:s15+$0xFFFFFFC0]  }
0x1cf: {  	v7 =	vld [tilespmem:s14+$0xFFFFFF40];
	v1 =	vmul.f32 v3, v1  }
0x1d0: {  	v3 =	vld [tilespmem:s15+$0xFFFFFF40]  }
0x1d1: {  	v4 =	vmul.f32 v4, v6;
	[tilespmem:s16+$0xC0] =	vst v1  }
0x1d2: {  	v1 =	vld [tilespmem:s14+$0xD0]  }
0x1d3: {  	v2 =	vmul.f32 v2, v5;
	[tilespmem:s16+$0x30] =	vst v4;
	v4 =	vld [tilespmem:s15+$0xD0]  }
0x1d4: {  	v5 =	vld [tilespmem:s14+$0x40]  }
0x1d5: {  	v3 =	vmul.f32 v3, v7;
	[tilespmem:s16+$0xFFFFFFC0] =	vst v2;
	v2 =	vld [tilespmem:s15+$0x40]  }
0x1d6: {  	v6 =	vld [tilespmem:s14+$0xFFFFFFD0]  }
0x1d7: {  	[tilespmem:s16+$0xFFFFFF40] =	vst v3;
	v3 =	vld [tilespmem:s15+$0xFFFFFFD0]  }
0x1d8: {  	v7 =	vld [tilespmem:s14+$0xFFFFFF50];
	v1 =	vmul.f32 v4, v1  }
0x1d9: {  	v4 =	vld [tilespmem:s15+$0xFFFFFF50]  }
0x1da: {  	v2 =	vmul.f32 v2, v5;
	[tilespmem:s16+$0xD0] =	vst v1  }
0x1db: {  	v8 =	vld [tilespmem:s14+$0xE0]  }
0x1dc: {  	v1 =	vmul.f32 v3, v6;
	v6 =	vld [tilespmem:s15+$0xE0];
	[tilespmem:s16+$0x40] =	vst v2  }
0x1dd: {  	v2 =	vld [tilespmem:s14+$0x50]  }
0x1de: {  	v3 =	vmul.f32 v4, v7;
	[tilespmem:s16+$0xFFFFFFD0] =	vst v1;
	v5 =	vld [tilespmem:s15+$0x50]  }
0x1df: {  	v1 =	vld [tilespmem:s14+$0xFFFFFFE0]  }
0x1e0: {  	v4 =	vld [tilespmem:s15+$0xFFFFFFE0];
	[tilespmem:s16+$0xFFFFFF50] =	vst v3  }
0x1e1: {  	s13 =	simm.s32 $0x0;
	v3 =	vld [tilespmem:s14+$0xFFFFFF60];
	v7 =	vmul.f32 v6, v8  }
0x1e2: {  	s20 =	simm.s32 $0x4300;
	s21 =	simm.s32 $0x6900;
	s18 =	simm.s32 $0x9100;
	v6 =	vld [tilespmem:s15+$0xFFFFFF60]  }
.LBB2_11:
0x1e3: {  	v8 =	vld [tilespmem:s20+$0x80];
	v2 =	vmul.f32 v5, v2;
	[tilespmem:s16+$0xE0] =	vst v7  }
0x1e4: {  	v5 =	vld [tilespmem:s14+$0xF0]  }
0x1e5: {  	s21 =	sadd.s32 $0x200, s21;
	v1 =	vmul.f32 v4, v1;
	[tilespmem:s16+$0x50] =	vst v2;
	v2 =	vld [tilespmem:s15+$0xF0]  }
0x1e6: {  	v4 =	vld [tilespmem:s21+$0x80]  }
0x1e7: {  	v7 =	vld [tilespmem:s21+$0xFFFFFF00];
	v3 =	vmul.f32 v6, v3;
	[tilespmem:s16+$0xFFFFFFE0] =	vst v1  }
0x1e8: {  	v1 =	vld [tilespmem:s20+$0xFFFFFF80]  }
0x1e9: {  	v6 =	vld [tilespmem:s21+$0xFFFFFF80];
	[tilespmem:s16+$0xFFFFFF60] =	vst v3  }
0x1ea: {  	v3 =	vld [tilespmem:s20+$0x0];
	v2 =	vmul.f32 v2, v5  }
0x1eb: {  	v5 =	vld [tilespmem:s21+$0x0];
	v4 =	vmul.f32 v4, v8  }
0x1ec: {  	s16 =	sadd.s32 $0x200, s16;
	v8 =	vld [tilespmem:s20+$0xFFFFFF00];
	[tilespmem:s18+$0xF0] =	vst v2  }
0x1ed: {  	s13 =	sadd.s32 $0x4, s13;
	[tilespmem:s16+$0x80] =	vst v4;
	v2 =	vld [tilespmem:s14+$0x60]  }
0x1ee: {  	p0 =	slt.u32 s13, $0x24;
	v1 =	vmul.f32 v6, v1;
	v4 =	vld [tilespmem:s20+$0x90]  }
0x1ef: {  	v6 =	vld [tilespmem:s21+$0x90]  }
0x1f0: {  	[tilespmem:s16+$0xFFFFFF80] =	vst v1;
	v1 =	vmul.f32 v5, v3;
	v3 =	vld [tilespmem:s15+$0x60]  }
0x1f1: {  	v5 =	vmul.f32 v7, v8;
	v7 =	vld [tilespmem:s20+$0xFFFFFF90]  }
0x1f2: {  	v8 =	vld [tilespmem:s21+$0xFFFFFF90];
	[tilespmem:s16+$0x0] =	vst v1  }
0x1f3: {  	[tilespmem:s16+$0xFFFFFF00] =	vst v5;
	v1 =	vld [tilespmem:s20+$0x10]  }
0x1f4: {  	v5 =	vld [tilespmem:s20+$0xFFFFFF10];
	v4 =	vmul.f32 v6, v4  }
0x1f5: {  	v6 =	vld [tilespmem:s21+$0xFFFFFF10];
	v2 =	vmul.f32 v3, v2  }
0x1f6: {  	v3 =	vld [tilespmem:s21+$0x10];
	[tilespmem:s16+$0x90] =	vst v4  }
0x1f7: {  	v4 =	vmul.f32 v8, v7;
	v7 =	vld [tilespmem:s20+$0xA0];
	[tilespmem:s18+$0x60] =	vst v2  }
0x1f8: {  	v2 =	vld [tilespmem:s21+$0xA0]  }
0x1f9: {  	[tilespmem:s16+$0xFFFFFF90] =	vst v4;
	v4 =	vld [tilespmem:s14+$0xFFFFFF70]  }
0x1fa: {  	v5 =	vmul.f32 v6, v5;
	v6 =	vld [tilespmem:s20+$0xFFFFFFA0]  }
0x1fb: {  	v8 =	vld [tilespmem:s21+$0xFFFFFFA0];
	v1 =	vmul.f32 v3, v1  }
0x1fc: {  	[tilespmem:s16+$0xFFFFFF10] =	vst v5;
	v3 =	vld [tilespmem:s15+$0xFFFFFF70]  }
0x1fd: {  	v5 =	vld [tilespmem:s20+$0xFFFFFF20];
	[tilespmem:s16+$0x10] =	vst v1;
	v1 =	vmul.f32 v2, v7  }
0x1fe: {  	v2 =	vld [tilespmem:s21+$0xFFFFFF20]  }
0x1ff: {  	v7 =	vld [tilespmem:s20+$0x20];
	[tilespmem:s16+$0xA0] =	vst v1  }
0x200: {  	v1 =	vmul.f32 v8, v6;
	v6 =	vld [tilespmem:s20+$0xB0]  }
0x201: {  	v8 =	vld [tilespmem:s21+$0xB0];
	v3 =	vmul.f32 v3, v4  }
0x202: {  	[tilespmem:s16+$0xFFFFFFA0] =	vst v1;
	v1 =	vld [tilespmem:s21+$0x20]  }
0x203: {  	v2 =	vmul.f32 v2, v5;
	v4 =	vld [tilespmem:s20+$0xFFFFFFB0];
	[tilespmem:s18+$0xFFFFFF70] =	vst v3  }
0x204: {  	v3 =	vld [tilespmem:s21+$0xFFFFFFB0]  }
0x205: {  	[tilespmem:s16+$0xFFFFFF20] =	vst v2;
	v2 =	vld [tilespmem:s14+$0xFFFFFFF0]  }
0x206: {  	v5 =	vld [tilespmem:s20+$0xFFFFFF30];
	v6 =	vmul.f32 v8, v6  }
0x207: {  	v8 =	vld [tilespmem:s21+$0xFFFFFF30];
	v1 =	vmul.f32 v1, v7  }
0x208: {  	[tilespmem:s16+$0xB0] =	vst v6;
	v6 =	vld [tilespmem:s15+$0xFFFFFFF0]  }
0x209: {  	v3 =	vmul.f32 v3, v4;
	[tilespmem:s16+$0x20] =	vst v1;
	v1 =	vld [tilespmem:s20+$0xC0]  }
0x20a: {  	v4 =	vld [tilespmem:s21+$0xC0]  }
0x20b: {  	[tilespmem:s16+$0xFFFFFFB0] =	vst v3;
	v3 =	vld [tilespmem:s20+$0x30]  }
0x20c: {  	v5 =	vmul.f32 v8, v5;
	v7 =	vld [tilespmem:s21+$0x30]  }
0x20d: {  	v8 =	vld [tilespmem:s20+$0xFFFFFFC0];
	v2 =	vmul.f32 v6, v2  }
0x20e: {  	[tilespmem:s16+$0xFFFFFF30] =	vst v5;
	v5 =	vld [tilespmem:s21+$0xFFFFFFC0]  }
0x20f: {  	v6 =	vld [tilespmem:s20+$0xFFFFFF40];
	v1 =	vmul.f32 v4, v1;
	[tilespmem:s18+$0xFFFFFFF0] =	vst v2  }
0x210: {  	v2 =	vld [tilespmem:s21+$0xFFFFFF40]  }
0x211: {  	v3 =	vmul.f32 v7, v3;
	[tilespmem:s16+$0xC0] =	vst v1;
	v4 =	vld [tilespmem:s14+$0x70];
	s14 =	smov.u32 s20  }
0x212: {  	v1 =	vld [tilespmem:s20+$0xD0]  }
0x213: {  	v5 =	vmul.f32 v5, v8;
	[tilespmem:s16+$0x30] =	vst v3;
	v3 =	vld [tilespmem:s21+$0xD0]  }
0x214: {  	v7 =	vld [tilespmem:s20+$0x40]  }
0x215: {  	v2 =	vmul.f32 v2, v6;
	[tilespmem:s16+$0xFFFFFFC0] =	vst v5;
	v5 =	vld [tilespmem:s21+$0x40]  }
0x216: {  	v6 =	vld [tilespmem:s20+$0xFFFFFFD0]  }
0x217: {  	[tilespmem:s16+$0xFFFFFF40] =	vst v2;
	v2 =	vld [tilespmem:s21+$0xFFFFFFD0]  }
0x218: {  	v8 =	vld [tilespmem:s20+$0xFFFFFF50];
	v1 =	vmul.f32 v3, v1  }
0x219: {  	v3 =	vld [tilespmem:s21+$0xFFFFFF50]  }
0x21a: {  	v5 =	vmul.f32 v5, v7;
	[tilespmem:s16+$0xD0] =	vst v1;
	v7 =	vld [tilespmem:s15+$0x70];
	s15 =	smov.u32 s21  }
0x21b: {  	v9 =	vld [tilespmem:s20+$0xE0]  }
0x21c: {  	v1 =	vmul.f32 v2, v6;
	[tilespmem:s16+$0x40] =	vst v5;
	v6 =	vld [tilespmem:s21+$0xE0]  }
0x21d: {  	v2 =	vld [tilespmem:s20+$0x50]  }
.Ltmp6:
0x21e: {  	v3 =	vmul.f32 v3, v8;
	[tilespmem:s16+$0xFFFFFFD0] =	vst v1;
	v5 =	vld [tilespmem:s21+$0x50];
	(pc) =	sbr.rel @p0 .LBB2_11-.Ltmp6, $4  }
0x21f: {  	v1 =	vld [tilespmem:s20+$0xFFFFFFE0];
	v8 =	vmul.f32 v7, v4  }
0x220: {  	[tilespmem:s16+$0xFFFFFF50] =	vst v3;
	v4 =	vld [tilespmem:s21+$0xFFFFFFE0]  }
0x221: {  	v3 =	vld [tilespmem:s20+$0xFFFFFF60];
	v7 =	vmul.f32 v6, v9;
	[tilespmem:s18+$0x70] =	vst v8;
	s18 =	smov.u32 s16  }
0x222: {  	s20 =	sadd.s32 $0x200, s20;
	v6 =	vld [tilespmem:s21+$0xFFFFFF60]  }
0x223: {  	v2 =	vmul.f32 v5, v2;
	_ =	sdelay $0x1  }
0x224: {  	[tilespmem:s16+$0x50] =	vst v2  }
0x225: {  	v2 =	vld [tilespmem:s14+$0x60]  }
0x226: {  	s13 =	sshll.u32 s11, $0x1;
	v1 =	vmul.f32 v4, v1;
	v59 =	vld [tilespmem:s15+$0x60]  }
0x227: {  	[tilespmem:s16+$0xE0] =	vst v7;
	s19 =	sadd.s32 $0x2, s13;
	v3 =	vmul.f32 v6, v3  }
0x228: {  	v60 =	vld [tilespmem:s14+$0xF0];
	s21 =	sand.u32 $0xFE, s19;
	[tilespmem:s16+$0xFFFFFFE0] =	vst v1  }
0x229: {  	v61 =	vld [tilespmem:s15+$0xF0];
	[tilespmem:s16+$0xFFFFFF60] =	vst v3;
	s16 =	smul.u32 $0x29, s21  }
0x22a: {  	v62 =	vld [tilespmem:s14+$0xFFFFFFF0]  }
0x22b: {  	v3 =	vld [tilespmem:s14+$0xFFFFFF70];
	v1 =	vmul.f32 v59, v2;
	s16 =	sshrl.u32 s16, $0xA  }
0x22c: {  	v2 =	vld [tilespmem:s15+$0xFFFFFF70];
	s20 =	smul.u32 $0x19, s16  }
0x22d: {  	[tilespmem:s18+$0x60] =	vst v1;
	v1 =	vld [tilespmem:s15+$0xFFFFFFF0]  }
0x22e: {  	p0 =	sgt.u32 s11, $0x6F;
	v63 =	vld [tilespmem:s14+$0x70];
	s14 =	ssub.s32 s19, s20  }
0x22f: {  	v8 =	vld [tilespmem:s15+$0x70];
	s19 =	sand.u32 @!p0 $0xFF, s14  }
0x230: {  	p1 =	sne.s32 @!p0 s19, $0x0  }
0x231: {  	v4 =	vmul.f32 v61, v60;
	p1 =	por p0, p1  }
.Ltmp7:
0x232: {  	v2 =	vmul.f32 v2, v3;
	(pc) =	sbr.rel @p1 .LBB2_14-.Ltmp7, $4  }
0x233: {  	[tilespmem:s18+$0xF0] =	vst v4;
	v1 =	vmul.f32 v1, v62  }
0x234: {  	[tilespmem:s18+$0xFFFFFF70] =	vst v2;
	v2 =	vmul.f32 v8, v63  }
0x235: {  	s21 =	sand.u32 $0x1, s16;
	[tilespmem:s18+$0xFFFFFFF0] =	vst v1  }
0x236: {  	s15 =	sshll.u32 s21, $0xC;
	[tilespmem:s18+$0x70] =	vst v2  }
0x237: {  	s16 =	sshll.u32 s16, $0xC  }
0x238: {  	s16 =	sadd.s32 s16, s17  }
.Ltmp8:
0x239: {  	s16 =	sshrl.u32 s16, $0x3;
	(pc) =	sbr.rel .LBB2_17-.Ltmp8, $4  }
0x23a: {  	s18 =	sxor.u32 $0x1000, s15;
	s19 =	sadd.s32 s6, s16  }
0x23b: {  	[tilespmem:s18], [sflag:$0x7] =	stream.linear.gather [hbm4b:s19+s5], $0xC80, $0x38;
	[tilespmem:$0x1F080] =	vst v63  }
0x23c: {  	s21 =	sxor.u32 $0x3000, s15;
	s16 =	sadd.s32 s7, s16  }
0x23d: {  	[tilespmem:s21], [sflag:$0x7] =	stream.linear.gather [hbm4b:s16+s5], $0xC80, $0x38;
	[tilespmem:$0x1F080] =	vst v63  }
.LBB2_14:
0x23e: {  	p1 =	sne.s32 @!p0 s19, $0x17  }
0x23f: {  	p0 =	por p0, p1  }
.Ltmp9:
0x240: {  	_ = 	snop;
	(pc) =	sbr.rel @p0 .LBB2_16-.Ltmp9, $1  }
0x241: {  	_ =	sdelay $0x3  }
0x242: {  	_ =	swait.ge [sflag:s31], $0xC80  }
0x243: {  	[sflag:s31] =	ssyncset.done $0x0  }
0x244: {  	[sflag:s31] =	ssyncadd.s32 $0xFFFFF380  }
0x245: {  	_ =	swait.ge [sflag:s31], $0xC80  }
0x246: {  	[sflag:s31] =	ssyncset.done $0x0  }
0x247: {  	[sflag:s31] =	ssyncadd.s32 $0xFFFFF380  }
.LBB2_17:
0x248: {  	s16 =	sadd.s32 $0x4, s13  }
0x249: {  	s18 =	smulhi.u32 $0x51EB851F, s16;
	_ =	sdelay $0x1  }
0x24a: {  	s19 =	sshrl.u32 s18, $0x3  }
0x24b: {  	s19 =	smul.u32 $0x19, s19;
	_ =	sdelay $0x1  }
0x24c: {  	s18 =	sshll.u32 s18, $0x9;
	s19 =	ssub.s32 s16, s19;
	s16 =	smul.u32 $0x28, s16  }
0x24d: {  	s18 =	sand.u32 $0x1000, s18;
	s19 =	sshll.u32 s19, $0x7  }
0x24e: {  	s18 =	sor.u32 s19, s18;
	s16 =	sadd.s32 s12, s16  }
0x24f: {  	[tilespmem:s26], [sflag:$0x1] =	stream.indirect.gather [hbm4b:s1+s25], $0x80, s18, s25, $0xb8;
	[tilespmem:$0x1F080] =	vst v63  }
0x250: {  	s16 =	sshll.u32 s16, $0x4  }
0x251: {  	p0 =	por $0x0, $0x0;
	s16 =	sadd.s32 s2, s16  }
0x252: {  	[tilespmem:s28], [sflag:$0x3] =	stream.linear.gather [hbm4b:s16+s5], $0x1400, $0x38;
	[tilespmem:$0x1F080] =	vst v63  }
.LBB2_18:
0x253: {  	s14 =	sand.u32 $0xFF, s14  }
0x254: {  	s14 =	sshll.u32 s14, $0x7  }
0x255: {  	s14 =	sadd.s32 s14, s15  }
0x256: {  	s14 =	sadd.s32 $0x2000, s14  }
0x257: {  	[spmem:s3] =	stream.indirect.scatter.add.f32 [tilespmem:s29], [sflag:$0x5], $0x80, s14, s25, $0xb8;
	[tilespmem:$0x1F080] =	vst v63  }
0x258: {  	_ =	swait.ge [sflag:s24], $0x1400  }
0x259: {  	[sflag:s24] =	ssyncset.done $0x0  }
0x25a: {  	[sflag:s24] =	ssyncadd.s32 $0xFFFFEC00  }
0x25b: {  	_ =	swait.ge [sflag:s22], $0x1400  }
0x25c: {  	[sflag:s22] =	ssyncset.done $0x0  }
0x25d: {  	[sflag:s22] =	ssyncadd.s32 $0xFFFFEC00  }
0x25e: {  	_ =	swait.ge [sflag:s9], $0x1400  }
0x25f: {  	[sflag:s9] =	ssyncset.done $0x0  }
0x260: {  	s15 =	simm.s32 $0x5500;
	[sflag:s9] =	ssyncadd.s32 $0xFFFFEC00  }
0x261: {  	s14 =	simm.s32 $0x7D00;
	v1 =	vld [tilespmem:s15+$0x80]  }
0x262: {  	v2 =	vld [tilespmem:s14+$0x80];
	_ =	sdelay $0x2  }
0x263: {  	v3 =	vld [tilespmem:s15+$0xFFFFFF80]  }
0x264: {  	v4 =	vld [tilespmem:s14+$0xFFFFFF80]  }
0x265: {  	v5 =	vld [tilespmem:s14+$0xFFFFFF00];
	v1 =	vmul.f32 v2, v1  }
0x266: {  	s16 =	simm.s32 $0xA500;
	v2 =	vld [tilespmem:s15+$0xFFFFFF00]  }
0x267: {  	[tilespmem:s16+$0x80] =	vst v1  }
0x268: {  	v1 =	vld [tilespmem:s15+$0x90]  }
0x269: {  	v3 =	vmul.f32 v4, v3;
	v4 =	vld [tilespmem:s14+$0x90]  }
0x26a: {  	v6 =	vld [tilespmem:s15+$0x0]  }
0x26b: {  	v7 =	vld [tilespmem:s14+$0x0];
	[tilespmem:s16+$0xFFFFFF80] =	vst v3;
	v2 =	vmul.f32 v5, v2  }
0x26c: {  	v3 =	vld [tilespmem:s15+$0xFFFFFF90]  }
0x26d: {  	v5 =	vld [tilespmem:s14+$0xFFFFFF90];
	[tilespmem:s16+$0xFFFFFF00] =	vst v2  }
0x26e: {  	v2 =	vld [tilespmem:s15+$0xFFFFFF10];
	v1 =	vmul.f32 v4, v1  }
0x26f: {  	v4 =	vld [tilespmem:s14+$0xFFFFFF10]  }
0x270: {  	v6 =	vmul.f32 v7, v6;
	[tilespmem:s16+$0x90] =	vst v1  }
0x271: {  	v1 =	vld [tilespmem:s15+$0xA0]  }
0x272: {  	[tilespmem:s16+$0x0] =	vst v6;
	v3 =	vmul.f32 v5, v3;
	v5 =	vld [tilespmem:s14+$0xA0]  }
0x273: {  	v6 =	vld [tilespmem:s15+$0x10]  }
0x274: {  	v7 =	vld [tilespmem:s14+$0x10];
	[tilespmem:s16+$0xFFFFFF90] =	vst v3;
	v2 =	vmul.f32 v4, v2  }
0x275: {  	v3 =	vld [tilespmem:s15+$0xFFFFFFA0]  }
0x276: {  	v4 =	vld [tilespmem:s14+$0xFFFFFFA0];
	[tilespmem:s16+$0xFFFFFF10] =	vst v2  }
0x277: {  	v2 =	vld [tilespmem:s15+$0xFFFFFF20];
	v1 =	vmul.f32 v5, v1  }
0x278: {  	v5 =	vld [tilespmem:s14+$0xFFFFFF20]  }
0x279: {  	v6 =	vmul.f32 v7, v6;
	[tilespmem:s16+$0xA0] =	vst v1  }
0x27a: {  	v1 =	vld [tilespmem:s15+$0xB0]  }
0x27b: {  	[tilespmem:s16+$0x10] =	vst v6;
	v3 =	vmul.f32 v4, v3;
	v4 =	vld [tilespmem:s14+$0xB0]  }
0x27c: {  	v6 =	vld [tilespmem:s15+$0x20]  }
0x27d: {  	[tilespmem:s16+$0xFFFFFFA0] =	vst v3;
	v3 =	vld [tilespmem:s14+$0x20];
	v2 =	vmul.f32 v5, v2  }
0x27e: {  	v5 =	vld [tilespmem:s15+$0xFFFFFFB0]  }
0x27f: {  	v7 =	vld [tilespmem:s14+$0xFFFFFFB0];
	[tilespmem:s16+$0xFFFFFF20] =	vst v2  }
0x280: {  	v2 =	vld [tilespmem:s15+$0xFFFFFF30];
	v1 =	vmul.f32 v4, v1  }
0x281: {  	v4 =	vld [tilespmem:s14+$0xFFFFFF30]  }
0x282: {  	v3 =	vmul.f32 v3, v6;
	[tilespmem:s16+$0xB0] =	vst v1  }
0x283: {  	v1 =	vld [tilespmem:s15+$0xC0]  }
0x284: {  	v5 =	vmul.f32 v7, v5;
	[tilespmem:s16+$0x20] =	vst v3;
	v3 =	vld [tilespmem:s14+$0xC0]  }
0x285: {  	v6 =	vld [tilespmem:s15+$0x30]  }
0x286: {  	[tilespmem:s16+$0xFFFFFFB0] =	vst v5;
	v2 =	vmul.f32 v4, v2;
	v4 =	vld [tilespmem:s14+$0x30]  }
0x287: {  	v5 =	vld [tilespmem:s15+$0xFFFFFFC0]  }
0x288: {  	[tilespmem:s16+$0xFFFFFF30] =	vst v2;
	v2 =	vld [tilespmem:s14+$0xFFFFFFC0]  }
0x289: {  	v7 =	vld [tilespmem:s15+$0xFFFFFF40];
	v1 =	vmul.f32 v3, v1  }
0x28a: {  	v3 =	vld [tilespmem:s14+$0xFFFFFF40]  }
0x28b: {  	v4 =	vmul.f32 v4, v6;
	[tilespmem:s16+$0xC0] =	vst v1  }
0x28c: {  	v1 =	vld [tilespmem:s15+$0xD0]  }
0x28d: {  	v2 =	vmul.f32 v2, v5;
	[tilespmem:s16+$0x30] =	vst v4;
	v4 =	vld [tilespmem:s14+$0xD0]  }
0x28e: {  	v5 =	vld [tilespmem:s15+$0x40]  }
0x28f: {  	v3 =	vmul.f32 v3, v7;
	[tilespmem:s16+$0xFFFFFFC0] =	vst v2;
	v2 =	vld [tilespmem:s14+$0x40]  }
0x290: {  	v6 =	vld [tilespmem:s15+$0xFFFFFFD0]  }
0x291: {  	[tilespmem:s16+$0xFFFFFF40] =	vst v3;
	v3 =	vld [tilespmem:s14+$0xFFFFFFD0]  }
0x292: {  	v7 =	vld [tilespmem:s15+$0xFFFFFF50];
	v1 =	vmul.f32 v4, v1  }
0x293: {  	v4 =	vld [tilespmem:s14+$0xFFFFFF50]  }
0x294: {  	v2 =	vmul.f32 v2, v5;
	[tilespmem:s16+$0xD0] =	vst v1  }
0x295: {  	v8 =	vld [tilespmem:s15+$0xE0]  }
0x296: {  	v1 =	vmul.f32 v3, v6;
	v6 =	vld [tilespmem:s14+$0xE0];
	[tilespmem:s16+$0x40] =	vst v2  }
0x297: {  	v2 =	vld [tilespmem:s15+$0x50]  }
0x298: {  	v3 =	vmul.f32 v4, v7;
	[tilespmem:s16+$0xFFFFFFD0] =	vst v1;
	v5 =	vld [tilespmem:s14+$0x50]  }
0x299: {  	v1 =	vld [tilespmem:s15+$0xFFFFFFE0]  }
0x29a: {  	v4 =	vld [tilespmem:s14+$0xFFFFFFE0];
	[tilespmem:s16+$0xFFFFFF50] =	vst v3  }
0x29b: {  	s20 =	simm.s32 $0x0;
	v3 =	vld [tilespmem:s15+$0xFFFFFF60];
	v7 =	vmul.f32 v6, v8  }
0x29c: {  	s21 =	simm.s32 $0x5700;
	s19 =	simm.s32 $0x7D00;
	s18 =	simm.s32 $0xA500;
	v6 =	vld [tilespmem:s14+$0xFFFFFF60]  }
.LBB2_19:
0x29d: {  	v8 =	vld [tilespmem:s21+$0x80];
	v2 =	vmul.f32 v5, v2;
	[tilespmem:s16+$0xE0] =	vst v7  }
0x29e: {  	v5 =	vld [tilespmem:s15+$0xF0]  }
0x29f: {  	s19 =	sadd.s32 $0x200, s19;
	v1 =	vmul.f32 v4, v1;
	[tilespmem:s16+$0x50] =	vst v2;
	v2 =	vld [tilespmem:s14+$0xF0]  }
0x2a0: {  	v4 =	vld [tilespmem:s19+$0x80]  }
0x2a1: {  	v7 =	vld [tilespmem:s19+$0xFFFFFF00];
	v3 =	vmul.f32 v6, v3;
	[tilespmem:s16+$0xFFFFFFE0] =	vst v1  }
0x2a2: {  	v1 =	vld [tilespmem:s21+$0xFFFFFF80]  }
0x2a3: {  	v6 =	vld [tilespmem:s19+$0xFFFFFF80];
	[tilespmem:s16+$0xFFFFFF60] =	vst v3  }
0x2a4: {  	v3 =	vld [tilespmem:s21+$0x0];
	v2 =	vmul.f32 v2, v5  }
0x2a5: {  	v5 =	vld [tilespmem:s19+$0x0];
	v4 =	vmul.f32 v4, v8  }
0x2a6: {  	s16 =	sadd.s32 $0x200, s16;
	v8 =	vld [tilespmem:s21+$0xFFFFFF00];
	[tilespmem:s18+$0xF0] =	vst v2  }
0x2a7: {  	s20 =	sadd.s32 $0x4, s20;
	[tilespmem:s16+$0x80] =	vst v4;
	v2 =	vld [tilespmem:s15+$0x60]  }
0x2a8: {  	p1 =	slt.u32 s20, $0x24;
	v1 =	vmul.f32 v6, v1;
	v4 =	vld [tilespmem:s21+$0x90]  }
0x2a9: {  	v6 =	vld [tilespmem:s19+$0x90]  }
0x2aa: {  	[tilespmem:s16+$0xFFFFFF80] =	vst v1;
	v1 =	vmul.f32 v5, v3;
	v3 =	vld [tilespmem:s14+$0x60]  }
0x2ab: {  	v5 =	vmul.f32 v7, v8;
	v7 =	vld [tilespmem:s21+$0xFFFFFF90]  }
0x2ac: {  	v8 =	vld [tilespmem:s19+$0xFFFFFF90];
	[tilespmem:s16+$0x0] =	vst v1  }
0x2ad: {  	[tilespmem:s16+$0xFFFFFF00] =	vst v5;
	v1 =	vld [tilespmem:s21+$0x10]  }
0x2ae: {  	v5 =	vld [tilespmem:s21+$0xFFFFFF10];
	v4 =	vmul.f32 v6, v4  }
0x2af: {  	v6 =	vld [tilespmem:s19+$0xFFFFFF10];
	v2 =	vmul.f32 v3, v2  }
0x2b0: {  	v3 =	vld [tilespmem:s19+$0x10];
	[tilespmem:s16+$0x90] =	vst v4  }
0x2b1: {  	v4 =	vmul.f32 v8, v7;
	v7 =	vld [tilespmem:s21+$0xA0];
	[tilespmem:s18+$0x60] =	vst v2  }
0x2b2: {  	v2 =	vld [tilespmem:s19+$0xA0]  }
0x2b3: {  	[tilespmem:s16+$0xFFFFFF90] =	vst v4;
	v4 =	vld [tilespmem:s15+$0xFFFFFF70]  }
0x2b4: {  	v5 =	vmul.f32 v6, v5;
	v6 =	vld [tilespmem:s21+$0xFFFFFFA0]  }
0x2b5: {  	v8 =	vld [tilespmem:s19+$0xFFFFFFA0];
	v1 =	vmul.f32 v3, v1  }
0x2b6: {  	[tilespmem:s16+$0xFFFFFF10] =	vst v5;
	v3 =	vld [tilespmem:s14+$0xFFFFFF70]  }
0x2b7: {  	v5 =	vld [tilespmem:s21+$0xFFFFFF20];
	[tilespmem:s16+$0x10] =	vst v1;
	v1 =	vmul.f32 v2, v7  }
0x2b8: {  	v2 =	vld [tilespmem:s19+$0xFFFFFF20]  }
0x2b9: {  	v7 =	vld [tilespmem:s21+$0x20];
	[tilespmem:s16+$0xA0] =	vst v1  }
0x2ba: {  	v1 =	vmul.f32 v8, v6;
	v6 =	vld [tilespmem:s21+$0xB0]  }
0x2bb: {  	v8 =	vld [tilespmem:s19+$0xB0];
	v3 =	vmul.f32 v3, v4  }
0x2bc: {  	[tilespmem:s16+$0xFFFFFFA0] =	vst v1;
	v1 =	vld [tilespmem:s19+$0x20]  }
0x2bd: {  	v2 =	vmul.f32 v2, v5;
	v4 =	vld [tilespmem:s21+$0xFFFFFFB0];
	[tilespmem:s18+$0xFFFFFF70] =	vst v3  }
0x2be: {  	v3 =	vld [tilespmem:s19+$0xFFFFFFB0]  }
0x2bf: {  	[tilespmem:s16+$0xFFFFFF20] =	vst v2;
	v2 =	vld [tilespmem:s15+$0xFFFFFFF0]  }
0x2c0: {  	v5 =	vld [tilespmem:s21+$0xFFFFFF30];
	v6 =	vmul.f32 v8, v6  }
0x2c1: {  	v8 =	vld [tilespmem:s19+$0xFFFFFF30];
	v1 =	vmul.f32 v1, v7  }
0x2c2: {  	[tilespmem:s16+$0xB0] =	vst v6;
	v6 =	vld [tilespmem:s14+$0xFFFFFFF0]  }
0x2c3: {  	v3 =	vmul.f32 v3, v4;
	[tilespmem:s16+$0x20] =	vst v1;
	v1 =	vld [tilespmem:s21+$0xC0]  }
0x2c4: {  	v4 =	vld [tilespmem:s19+$0xC0]  }
0x2c5: {  	[tilespmem:s16+$0xFFFFFFB0] =	vst v3;
	v3 =	vld [tilespmem:s21+$0x30]  }
0x2c6: {  	v5 =	vmul.f32 v8, v5;
	v7 =	vld [tilespmem:s19+$0x30]  }
0x2c7: {  	v8 =	vld [tilespmem:s21+$0xFFFFFFC0];
	v2 =	vmul.f32 v6, v2  }
0x2c8: {  	[tilespmem:s16+$0xFFFFFF30] =	vst v5;
	v5 =	vld [tilespmem:s19+$0xFFFFFFC0]  }
0x2c9: {  	v6 =	vld [tilespmem:s21+$0xFFFFFF40];
	v1 =	vmul.f32 v4, v1;
	[tilespmem:s18+$0xFFFFFFF0] =	vst v2  }
0x2ca: {  	v2 =	vld [tilespmem:s19+$0xFFFFFF40]  }
0x2cb: {  	v3 =	vmul.f32 v7, v3;
	[tilespmem:s16+$0xC0] =	vst v1;
	v4 =	vld [tilespmem:s15+$0x70];
	s15 =	smov.u32 s21  }
0x2cc: {  	v1 =	vld [tilespmem:s21+$0xD0]  }
0x2cd: {  	v5 =	vmul.f32 v5, v8;
	[tilespmem:s16+$0x30] =	vst v3;
	v3 =	vld [tilespmem:s19+$0xD0]  }
0x2ce: {  	v7 =	vld [tilespmem:s21+$0x40]  }
0x2cf: {  	v2 =	vmul.f32 v2, v6;
	[tilespmem:s16+$0xFFFFFFC0] =	vst v5;
	v5 =	vld [tilespmem:s19+$0x40]  }
0x2d0: {  	v6 =	vld [tilespmem:s21+$0xFFFFFFD0]  }
0x2d1: {  	[tilespmem:s16+$0xFFFFFF40] =	vst v2;
	v2 =	vld [tilespmem:s19+$0xFFFFFFD0]  }
0x2d2: {  	v8 =	vld [tilespmem:s21+$0xFFFFFF50];
	v1 =	vmul.f32 v3, v1  }
0x2d3: {  	v3 =	vld [tilespmem:s19+$0xFFFFFF50]  }
0x2d4: {  	v5 =	vmul.f32 v5, v7;
	[tilespmem:s16+$0xD0] =	vst v1;
	v7 =	vld [tilespmem:s14+$0x70];
	s14 =	smov.u32 s19  }
0x2d5: {  	v9 =	vld [tilespmem:s21+$0xE0]  }
0x2d6: {  	v1 =	vmul.f32 v2, v6;
	[tilespmem:s16+$0x40] =	vst v5;
	v6 =	vld [tilespmem:s19+$0xE0]  }
0x2d7: {  	v2 =	vld [tilespmem:s21+$0x50]  }
.Ltmp10:
0x2d8: {  	v3 =	vmul.f32 v3, v8;
	[tilespmem:s16+$0xFFFFFFD0] =	vst v1;
	v5 =	vld [tilespmem:s19+$0x50];
	(pc) =	sbr.rel @p1 .LBB2_19-.Ltmp10, $4  }
0x2d9: {  	v1 =	vld [tilespmem:s21+$0xFFFFFFE0];
	v8 =	vmul.f32 v7, v4  }
0x2da: {  	[tilespmem:s16+$0xFFFFFF50] =	vst v3;
	v4 =	vld [tilespmem:s19+$0xFFFFFFE0]  }
0x2db: {  	v3 =	vld [tilespmem:s21+$0xFFFFFF60];
	v7 =	vmul.f32 v6, v9;
	[tilespmem:s18+$0x70] =	vst v8;
	s18 =	smov.u32 s16  }
0x2dc: {  	s21 =	sadd.s32 $0x200, s21;
	v6 =	vld [tilespmem:s19+$0xFFFFFF60]  }
0x2dd: {  	v2 =	vmul.f32 v5, v2;
	_ =	sdelay $0x1  }
0x2de: {  	[tilespmem:s16+$0x50] =	vst v2  }
0x2df: {  	v2 =	vld [tilespmem:s15+$0x60]  }
0x2e0: {  	v59 =	vld [tilespmem:s14+$0x60]  }
0x2e1: {  	[tilespmem:s16+$0xE0] =	vst v7;
	v1 =	vmul.f32 v4, v1  }
0x2e2: {  	v60 =	vld [tilespmem:s15+$0xF0];
	v3 =	vmul.f32 v6, v3  }
0x2e3: {  	s19 =	sadd.s32 $0x3, s13;
	v61 =	vld [tilespmem:s14+$0xF0];
	[tilespmem:s16+$0xFFFFFFE0] =	vst v1  }
0x2e4: {  	s20 =	smulhi.u32 $0x51EB851F, s19;
	v62 =	vld [tilespmem:s15+$0xFFFFFFF0];
	[tilespmem:s16+$0xFFFFFF60] =	vst v3  }
0x2e5: {  	v3 =	vld [tilespmem:s15+$0xFFFFFF70];
	v1 =	vmul.f32 v59, v2  }
0x2e6: {  	s16 =	sshrl.u32 s20, $0x3;
	v2 =	vld [tilespmem:s14+$0xFFFFFF70]  }
0x2e7: {  	s21 =	smul.u32 $0x19, s16;
	[tilespmem:s18+$0x60] =	vst v1;
	v1 =	vld [tilespmem:s14+$0xFFFFFFF0]  }
0x2e8: {  	v63 =	vld [tilespmem:s15+$0x70]  }
0x2e9: {  	p1 =	sgt.u32 s11, $0x6E;
	v8 =	vld [tilespmem:s14+$0x70];
	s14 =	ssub.s32 s19, s21  }
0x2ea: {  	p2 =	sne.s32 @!p1 s14, $0x0  }
0x2eb: {  	v4 =	vmul.f32 v61, v60;
	p2 =	por p1, p2  }
.Ltmp11:
0x2ec: {  	v2 =	vmul.f32 v2, v3;
	(pc) =	sbr.rel @p2 .LBB2_22-.Ltmp11, $4  }
0x2ed: {  	[tilespmem:s18+$0xF0] =	vst v4;
	v1 =	vmul.f32 v1, v62  }
0x2ee: {  	[tilespmem:s18+$0xFFFFFF70] =	vst v2;
	v2 =	vmul.f32 v8, v63  }
0x2ef: {  	s15 =	sand.u32 $0x1, s16;
	[tilespmem:s18+$0xFFFFFFF0] =	vst v1  }
0x2f0: {  	s15 =	sshll.u32 s15, $0xC;
	[tilespmem:s18+$0x70] =	vst v2  }
0x2f1: {  	s16 =	sshll.u32 s16, $0xC  }
0x2f2: {  	s16 =	sadd.s32 s16, s17  }
.Ltmp12:
0x2f3: {  	s16 =	sshrl.u32 s16, $0x3;
	(pc) =	sbr.rel .LBB2_23-.Ltmp12, $4  }
0x2f4: {  	s18 =	sxor.u32 $0x1000, s15;
	s19 =	sadd.s32 s6, s16  }
0x2f5: {  	[tilespmem:s18], [sflag:$0x7] =	stream.linear.gather [hbm4b:s19+s5], $0xC80, $0x38;
	[tilespmem:$0x1F080] =	vst v63  }
0x2f6: {  	s21 =	sxor.u32 $0x3000, s15;
	s16 =	sadd.s32 s7, s16  }
0x2f7: {  	[tilespmem:s21], [sflag:$0x7] =	stream.linear.gather [hbm4b:s16+s5], $0xC80, $0x38;
	[tilespmem:$0x1F080] =	vst v63  }
.LBB2_16:
0x2f8: {  	p1 =	seq.s32 s11, $0x7B  }
.Ltmp13:
0x2f9: {  	_ = 	snop;
	(pc) =	sbr.rel @p1 .LBB2_18-.Ltmp13, $4  }
.Ltmp14:
0x2fa: {  	_ = 	snop;
	(pc) =	sbr.rel @!p1 .LBB2_17-.Ltmp14, $4  }
0x2fb: {  	_ = 	snop  }
0x2fc: {  	_ = 	snop  }
0x2fd: {  	p0 =	por $0x1, $0x1  }
0x2fe: {  	_ = 	snop  }
.LBB2_24:
0x2ff: {  	_ =	swait.ge [sflag:s30], $0x1400  }
0x300: {  	[sflag:s30] =	ssyncset.done $0x0  }
0x301: {  	[sflag:s30] =	ssyncadd.s32 $0xFFFFEC00  }
0x302: {  	_ =	swait.ge [sflag:s9], $0x1400  }
0x303: {  	[sflag:s9] =	ssyncset.done $0x0  }
0x304: {  	s11 =	sadd.s32 $0x0, s4;
	[sflag:s9] =	ssyncadd.s32 $0xFFFFEC00  }
0x305: {  	p0 =	sgt.u32 s11, $0xF9;
	[bflag:$0x0] =	sbarrier.arrive $0xFFFF  }
0x306: {  	s11 =	sshll.u32 @!p0 s4, $0x6;
	s15 =	simm.s32 @!p0 $0x8;
	s20 =	rddreg [dreg:$0xe]  }
0x307: {  	s11 =	sor.u32 @!p0 $0x1C08, s11;
	s18 =	rddreg [dreg:$0xf];
	s13 =	sshrl.u32 @!p0 s20, $0x3  }
0x308: {  	[hbm:s18], [sflag:s11] =	dma.local @!p0 [spmem:s13], $0x280  }
0x309: {  	s14 =	simm.s32 $0x20;
	s16 =	sadd.s32 $0x10, s4;
	_ =	swait.ge @!p0 [sflag:s15], $0x280  }
0x30a: {  	s11 =	sadd.s32 $0x14000, s20;
	s13 =	sadd.s32 $0x2800, s18;
	[sflag:s15] =	ssyncset.done @!p0 $0x0  }
.LBB2_25:
0x30b: {  	[sflag:s15] =	ssyncadd.s32 @!p0 $0xFFFFFD80  }
0x30c: {  	p0 =	sgt.u32 s16, $0xF9;
	s16 =	smov.u32 s14;
	s14 =	sadd.s32 $0x10, s14  }
0x30d: {  	p1 =	sne.s32 s14, $0x100  }
.Ltmp15:
0x30e: {  	s15 =	sshll.u32 @!p0 s4, $0x6;
	s18 =	sshrl.u32 @!p0 s11, $0x3;
	(pc) =	sbr.rel @p1 .LBB2_25-.Ltmp15, $4  }
0x30f: {  	s19 =	sor.u32 @!p0 $0x1C08, s15;
	s15 =	simm.s32 @!p0 $0x8  }
0x310: {  	[hbm:s13], [sflag:s19] =	dma.local @!p0 [spmem:s18], $0x280  }
0x311: {  	s11 =	sadd.s32 $0x14000, s11;
	_ =	swait.ge @!p0 [sflag:s15], $0x280  }
0x312: {  	s16 =	sadd.s32 s16, s4;
	s13 =	sadd.s32 $0x2800, s13;
	[sflag:s15] =	ssyncset.done @!p0 $0x0  }
0x313: {  	p1 =	sgt.u32 s16, $0xF9  }
0x314: {  	[sflag:s15] =	ssyncadd.s32 @!p0 $0xFFFFFD80;
	s14 =	sshll.u32 @!p1 s4, $0x6  }
0x315: {  	s11 =	sshrl.u32 @!p1 s11, $0x3;
	s15 =	simm.s32 @!p1 $0x8;
	s14 =	sor.u32 @!p1 $0x1C08, s14  }
0x316: {  	[hbm:s13], [sflag:s14] =	dma.local @!p1 [spmem:s11], $0x280  }
0x317: {  	_ =	swait.ge @!p1 [sflag:s15], $0x280  }
0x318: {  	s10 =	sadd.s32 $0x1, s10;
	s21 =	rddreg [dreg:$0xd]  }
0x319: {  	p0 =	sne.s32 s10, s21  }
.Ltmp16:
0x31a: {  	_ = 	snop;
	(pc) =	sbr.rel @p0 .LBB2_1-.Ltmp16, $3  }
0x31b: {  	_ =	sdelay $0x1  }
0x31c: {  	[sflag:s15] =	ssyncset.done @!p1 $0x0  }
0x31d: {  	s19 =	simm.s32 $0x2000;
	[sflag:s15] =	ssyncadd.s32 @!p1 $0xFFFFFD80  }
0x31e: {  	_ =	sfence.sel $0x180000  }
0x31f: {  	[bflag:$0x0] =	sbarrier.arrive $0xFFFF  }
0x320: {  	_ =	strace $0x90000047  }
0x321: {  	[bflag:$0x2] =	sbarrier.arrive $0xFFFF  }
0x322: {  	p0 =	sne.s32 s4, $0x0;
	s0 =	rddreg [dreg:$0x4]  }
0x323: {  	s0 =	sadd.s32 @!p0 $0x100000, s0  }
0x324: {  	[sflag:s0] =	ssyncadd.tile.s32 @!p0 $0x1;
	_ =	shalt  }
.Lfunc_end2:
_tile_overlayer_lowered:
.L_overlay_start_2:
0x325: {  	(tag) =	ssettag $0x2  }
0x326: {  	s0 =	rddreg [dreg:$0x0];
	s2 =	stileid.u32  }
0x327: {  	s1 =	rddreg [dreg:$0x1];
	p0 =	sne.s32 s2, $0x0  }
0x328: {  	s3 =	rddreg [dreg:$0x2];
	[bflag:$0x3] =	sbarrier.arrive $0xFFFF;
	s2 =	simm.s32 @!p0 $0x1C08  }
0x329: {  	[timem:s3], [sflag:s2] =	dma.local @!p0 [hbm:s0], s1  }
0x32a: {  	s0 =	simm.s32 @!p0 $0x8  }
0x32b: {  	_ =	swait.ge @!p0 [sflag:s0], s1  }
0x32c: {  	s1 =	ssub.s32 @!p0 $0x0, s1;
	[sflag:s0] =	ssyncset.done @!p0 $0x0  }
0x32d: {  	[sflag:s0] =	ssyncadd.s32 @!p0 s1  }
0x32e: {  	[bflag:$0x3] =	sbarrier.arrive $0xFFFF  }
0x32f: {  	_ =	shalt  }

</sc_bundles>
